<compile_context>
chip_gen: v7x
topology: tpu7x:2x2x1
jax: 0.10.2.dev20260603
libtpu: 0.0.44.dev20260713+nightly
codegen_flags: <defaults>
</compile_context>

<pallas_src>
import jax
import jax.numpy as jnp
import numpy as np
from jax import lax
from jax.experimental import pallas as pl
from jax.experimental.pallas import tpu as pltpu
from jax.experimental.pallas import tpu_sc as plsc

N = 10000
E = 320000
D = 128
H = 8
DH = D // H
FF = 512
NUM_REL = 64
NUM_SP = 512
EPS = 1e-6
DN = float(H) ** -0.25
INV_D = np.float32(1.0 / D)

_NC = 2
_NS = 16
_NW = _NC * _NS
_C = 128
_NCHUNK = E // _C
_PW = -(-_NCHUNK // _NW)
_NCHUNK_CORE = E // 2 // _C
_PT = -(-_NCHUNK_CORE // _NS)
_NPAD = 10112
_RPT = _NPAD // _NS

_BN = 1000
_BE = 2000
_BN5 = 2000


def _row_sum(t):
    acc = t[:, 0:8]
    for i in range(1, 16):
        acc = acc + t[:, 8 * i:8 * i + 8]
    acc = acc[:, 0:4] + acc[:, 4:8]
    acc = acc[:, 0:2] + acc[:, 2:4]
    return acc[:, 0:1] + acc[:, 1:2]


def _ln(x, g, b):
    mu = _row_sum(x) * INV_D
    var = _row_sum((x - mu) ** 2) * INV_D
    return (x - mu) / jnp.sqrt(var + EPS) * g + b


def _head_sums_adj(p):
    t = p
    for s in (1, 2, 4, 8):
        t = t + jnp.roll(t, -s, axis=1)
    return jnp.concatenate([t[:, 16 * h:16 * h + 1] for h in range(H)], axis=1)


def _head_expand(a):
    return jnp.concatenate(
        [jnp.broadcast_to(a[:, h:h + 1], (a.shape[0], DH)) for h in range(H)],
        axis=1)


def _p1_body(feat_ref, g_ref, b_ref, wq_ref, bq_ref, wk_ref, bk_ref,
             wv_ref, bv_ref, q_ref, k_ref, v_ref, ks_ref, acc_ref):
    i = pl.program_id(0)
    x = _ln(feat_ref[...], g_ref[...], b_ref[...])
    q = jnp.dot(x, wq_ref[...], preferred_element_type=jnp.float32) + bq_ref[...]
    k = jnp.dot(x, wk_ref[...], preferred_element_type=jnp.float32) + bk_ref[...]
    v = jnp.dot(x, wv_ref[...], preferred_element_type=jnp.float32) + bv_ref[...]
    q_ref[...] = q
    k_ref[...] = k
    v_ref[...] = v

    @pl.when(i == 0)
    def _():
        acc_ref[...] = jnp.zeros_like(acc_ref)

    part = i // (N // 2 // _BN)

    def step(j, acc):
        return acc + k_ref[pl.ds(j * 8, 8), :]

    acc = lax.fori_loop(0, _BN // 8, step, acc_ref[pl.ds(part * 8, 8), :])
    acc_ref[pl.ds(part * 8, 8), :] = acc

    @pl.when(i == N // _BN - 1)
    def _():
        def fin(p):
            a = acc_ref[p * 8:(p + 1) * 8, :]
            a = a[0:4] + a[4:8]
            a = a[0:2] + a[2:4]
            return a[0:1] + a[1:2]
        ks_ref[...] = fin(0) + fin(1)


def _p1(feature, g, b, wq, bq, wk, bk, wv, bv):
    nblk = N // _BN
    row_spec = pl.BlockSpec((_BN, D), lambda i: (i, 0))
    full = lambda shape: pl.BlockSpec(shape, lambda i: tuple(0 for _ in shape))
    return pl.pallas_call(
        _p1_body,
        grid=(nblk,),
        in_specs=[row_spec, full((1, D)), full((1, D)), full((D, D)),
                  full((1, D)), full((D, D)), full((1, D)), full((D, D)),
                  full((1, D))],
        out_specs=[row_spec, row_spec, row_spec, full((1, D))],
        out_shape=[jax.ShapeDtypeStruct((N, D), jnp.float32)] * 3
        + [jax.ShapeDtypeStruct((1, D), jnp.float32)],
        scratch_shapes=[pltpu.VMEM((16, D), jnp.float32)],
    )(feature, g, b, wq, bq, wk, bk, wv, bv)


def _p2_body(nchunk, pw, q_hbm, k_hbm, v_hbm, row_hbm, col_hbm,
             qc_hbm, kc_hbm, vc_hbm,
             idxc0, idxr0, idxc1, idxr1,
             bq0, bk0, bv0, bq1, bk1, bv1, sem_g, sem_w):
    wid = lax.axis_index("s") * _NC + lax.axis_index("c")
    sets = [(idxc0, idxr0, bq0, bk0, bv0), (idxc1, idxr1, bq1, bk1, bv1)]

    def step(j, carry):
        chs = [wid * pw + 2 * j, wid * pw + 2 * j + 1]
        valid = [(2 * j < pw) & (chs[0] < nchunk),
                 (2 * j + 1 < pw) & (chs[1] < nchunk)]
        for s in range(2):
            ic, ir, bq, bk, bv = sets[s]

            @pl.when(valid[s])
            def _(s=s, ic=ic, ir=ir, bq=bq, bk=bk, bv=bv):
                base = chs[s] * _C
                pltpu.sync_copy(col_hbm.at[pl.ds(base, _C)], ic)
                pltpu.sync_copy(row_hbm.at[pl.ds(base, _C)], ir)
                pltpu.async_copy(q_hbm.at[ic], bq, sem_g)
                pltpu.async_copy(k_hbm.at[ir], bk, sem_g)
                pltpu.async_copy(v_hbm.at[ir], bv, sem_g)

        for s in range(2):
            ic, ir, bq, bk, bv = sets[s]

            @pl.when(valid[s])
            def _(s=s, ic=ic, ir=ir, bq=bq, bk=bk, bv=bv):
                base = chs[s] * _C
                pltpu.make_async_copy(q_hbm.at[ic], bq, sem_g).wait()
                pltpu.make_async_copy(k_hbm.at[ir], bk, sem_g).wait()
                pltpu.make_async_copy(v_hbm.at[ir], bv, sem_g).wait()
                pltpu.async_copy(bq, qc_hbm.at[pl.ds(base, _C), :], sem_w)
                pltpu.async_copy(bk, kc_hbm.at[pl.ds(base, _C), :], sem_w)
                pltpu.async_copy(bv, vc_hbm.at[pl.ds(base, _C), :], sem_w)

        for s in range(2):
            ic, ir, bq, bk, bv = sets[s]

            @pl.when(valid[s])
            def _(s=s, ic=ic, ir=ir, bq=bq, bk=bk, bv=bv):
                base = chs[s] * _C
                pltpu.make_async_copy(bq, qc_hbm.at[pl.ds(base, _C), :], sem_w).wait()
                pltpu.make_async_copy(bk, kc_hbm.at[pl.ds(base, _C), :], sem_w).wait()
                pltpu.make_async_copy(bv, vc_hbm.at[pl.ds(base, _C), :], sem_w).wait()

        return carry

    lax.fori_loop(0, (pw + 1) // 2, step, 0)


def _p2(q, k, v, row, col, e):
    nchunk = e // _C
    pw = -(-nchunk // _NW)
    mesh = plsc.VectorSubcoreMesh(core_axis_name="c", subcore_axis_name="s")
    fn = pl.kernel(
        lambda *refs: _p2_body(nchunk, pw, *refs),
        out_type=[jax.ShapeDtypeStruct((e, D), jnp.float32)] * 3,
        mesh=mesh,
        scratch_types=[
            pltpu.VMEM((_C,), jnp.int32),
            pltpu.VMEM((_C,), jnp.int32),
            pltpu.VMEM((_C,), jnp.int32),
            pltpu.VMEM((_C,), jnp.int32),
            pltpu.VMEM((_C, D), jnp.float32),
            pltpu.VMEM((_C, D), jnp.float32),
            pltpu.VMEM((_C, D), jnp.float32),
            pltpu.VMEM((_C, D), jnp.float32),
            pltpu.VMEM((_C, D), jnp.float32),
            pltpu.VMEM((_C, D), jnp.float32),
            pltpu.SemaphoreType.DMA,
            pltpu.SemaphoreType.DMA,
        ],
    )
    return fn(q, k, v, row, col)


def _p3_body(qc_ref, kc_ref, vc_ref, rel_ref, sp_ref, relt_ref, spt_ref,
             ks_ref, aw_ref, msg_ref):
    rel = rel_ref[0, 0, :]
    sp = sp_ref[0, 0, :]

    rel_oh = (
        rel[:, None] == lax.broadcasted_iota(jnp.int32, (_BE, NUM_REL), 1)
    ).astype(jnp.float32)
    re = jnp.dot(rel_oh, relt_ref[...], precision=lax.Precision.HIGHEST,
                 preferred_element_type=jnp.float32)

    qc = qc_ref[...]
    qe = qc + re
    ke = kc_ref[...] + re
    num = _head_sums_adj(qe * ke) * DN

    sp_oh = (
        sp[:, None] == lax.broadcasted_iota(jnp.int32, (_BE, NUM_SP), 1)
    ).astype(jnp.float32)
    bias = jnp.dot(sp_oh, spt_ref[...], precision=lax.Precision.HIGHEST,
                   preferred_element_type=jnp.float32)
    num = num + bias

    qb = qc.astype(jnp.bfloat16).astype(jnp.float32)
    ksb = ks_ref[...].astype(jnp.bfloat16).astype(jnp.float32)
    den = _head_sums_adj(qb * ksb)
    aw = num / den
    aw_ref[...] = aw
    msg_ref[...] = _head_expand(aw) * vc_ref[...]


def _p3(qc, kc, vc, rel3, sp3, rel_table, spatial_table, ks):
    e = qc.shape[0]
    nblk = e // _BE
    row_spec = pl.BlockSpec((_BE, D), lambda i: (i, 0))
    idx_spec = pl.BlockSpec((1, 1, _BE), lambda i: (i, 0, 0))
    full = lambda shape: pl.BlockSpec(shape, lambda i: tuple(0 for _ in shape))
    return pl.pallas_call(
        _p3_body,
        grid=(nblk,),
        in_specs=[row_spec, row_spec, row_spec, idx_spec, idx_spec,
                  full((NUM_REL, D)), full((NUM_SP, 1)), full((1, D))],
        out_specs=[pl.BlockSpec((_BE, H), lambda i: (i, 0)), row_spec],
        out_shape=[jax.ShapeDtypeStruct((e, H), jnp.float32),
                   jax.ShapeDtypeStruct((e, D), jnp.float32)],
    )(qc, kc, vc, rel3, sp3, rel_table, spatial_table, ks)


def _p4_body(msg0_hbm, msg1_hbm, col_hbm, out_hbm, idx_v, buf_v, acc_sh, sem):
    cid = lax.axis_index("c")
    sid = lax.axis_index("s")
    base_row = sid * _RPT

    def zrow(r, carry):
        for j in range(D // 16):
            buf_v[r, pl.ds(j * 16, 16)] = jnp.zeros((16,), jnp.float32)
        return carry

    lax.fori_loop(0, _C, zrow, 0)

    nfull = _RPT // _C
    rem = _RPT - nfull * _C
    for j in range(nfull):
        pltpu.sync_copy(buf_v, acc_sh.at[pl.ds(base_row + j * _C, _C), :])
    pltpu.sync_copy(buf_v.at[pl.ds(0, rem), :],
                    acc_sh.at[pl.ds(base_row + nfull * _C, rem), :])

    plsc.subcore_barrier()

    def step(i, carry):
        ch = sid * _PT + i

        @pl.when(ch < _NCHUNK_CORE)
        def _():
            base = cid * (E // 2) + ch * _C
            pltpu.sync_copy(col_hbm.at[pl.ds(base, _C)], idx_v)

            @pl.when(cid == 0)
            def _():
                pltpu.sync_copy(msg0_hbm.at[pl.ds(ch * _C, _C), :], buf_v)

            @pl.when(cid == 1)
            def _():
                pltpu.sync_copy(msg1_hbm.at[pl.ds(ch * _C, _C), :], buf_v)

            pltpu.sync_copy(buf_v, acc_sh.at[idx_v], add=True)

        return carry

    lax.fori_loop(0, _PT, step, 0)

    plsc.subcore_barrier()

    for j in range(nfull):
        pltpu.sync_copy(acc_sh.at[pl.ds(base_row + j * _C, _C), :],
                        out_hbm.at[cid, pl.ds(base_row + j * _C, _C), :])
    pltpu.sync_copy(acc_sh.at[pl.ds(base_row + nfull * _C, rem), :],
                    out_hbm.at[cid, pl.ds(base_row + nfull * _C, rem), :])


def _p4(msgs0, msgs1, col):
    mesh = plsc.VectorSubcoreMesh(core_axis_name="c", subcore_axis_name="s")
    fn = pl.kernel(
        _p4_body,
        out_type=jax.ShapeDtypeStruct((2, _NPAD, D), jnp.float32),
        mesh=mesh,
        scratch_types=[
            pltpu.VMEM((_C,), jnp.int32),
            pltpu.VMEM((_C, D), jnp.float32),
            pltpu.VMEM_SHARED((_NPAD, D), jnp.float32),
            pltpu.SemaphoreType.DMA,
        ],
    )
    return fn(msgs0, msgs1, col)


def _p5_body(part_ref, feat_ref, wd_ref, bd_ref, g_ref, b_ref,
             w1_ref, b1_ref, w2_ref, b2_ref, out_ref):
    agg = part_ref[0] + part_ref[1]
    attn = jnp.dot(agg, wd_ref[...], preferred_element_type=jnp.float32) + bd_ref[...]
    out1 = attn + feat_ref[...]
    out1n = _ln(out1, g_ref[...], b_ref[...])
    h = jnp.maximum(
        jnp.dot(out1n, w1_ref[...], preferred_element_type=jnp.float32) + b1_ref[...],
        0.0)
    out_ref[...] = out1 + jnp.dot(
        h, w2_ref[...], preferred_element_type=jnp.float32) + b2_ref[...]


def _p5(part, feature, wd, bd, g, b, w1, b1, w2, b2):
    nblk = N // _BN5
    row_spec = pl.BlockSpec((_BN5, D), lambda i: (i, 0))
    full = lambda shape: pl.BlockSpec(shape, lambda i: tuple(0 for _ in shape))
    return pl.pallas_call(
        _p5_body,
        grid=(nblk,),
        in_specs=[pl.BlockSpec((2, _BN5, D), lambda i: (0, i, 0)), row_spec,
                  full((D, D)), full((1, D)), full((1, D)), full((1, D)),
                  full((D, FF)), full((1, FF)), full((FF, D)), full((1, D))],
        out_specs=row_spec,
        out_shape=jax.ShapeDtypeStruct((N, D), jnp.float32),
    )(part, feature, wd, bd, g, b, w1, b1, w2, b2)


def kernel(feature, sp_edge_index, sp_value, edge_rel, ln1_g, ln1_b, ln2_g,
           ln2_b, Wq, bq, Wk, bk, Wv, bv, Wd, bd, W1, b1, W2, b2, rel_table,
           spatial_table):
    r2 = lambda t: t.reshape(1, -1)
    q, k, v, ks = _p1(feature, r2(ln1_g), r2(ln1_b), Wq, r2(bq), Wk, r2(bk),
                      Wv, r2(bv))
    row = sp_edge_index[0]
    col = sp_edge_index[1]
    e2 = E // 2
    halves = []
    for h in range(2):
        sl = slice(h * e2, (h + 1) * e2)
        qc, kc, vc = _p2(q, k, v, row[sl], col[sl], e2)
        rel3 = edge_rel[sl].reshape(e2 // _BE, 1, _BE)
        sp3 = sp_value[sl].reshape(e2 // _BE, 1, _BE)
        halves.append(_p3(qc, kc, vc, rel3, sp3, rel_table, spatial_table, ks))
    aw = jnp.concatenate([halves[0][0], halves[1][0]], axis=0)
    part = _p4(halves[0][1], halves[1][1], col)
    out2 = _p5(part, feature, Wd, r2(bd), r2(ln2_g), r2(ln2_b), W1, r2(b1),
               W2, r2(b2))
    return (out2, aw)

# --- scband reference (transcript-rebuilt; emitter-appended) ---
"""Pipeline reference for scband-graph-transformer-encode-89859305767438 (READ-ONLY COPY).

The authoritative reference and input builder live on the scoring server;
editing this copy changes nothing except your own understanding.
"""

import jax, jax.numpy as jnp
import numpy as np

N = 10000
E = 320000
D = 128
H = 8
DH = D // H
FF = 512
NUM_REL = 64
NUM_SP = 512
EPS = 1e-6


def _layernorm(x, g, b):
    mu = jnp.mean(x, axis=-1, keepdims=True)
    var = jnp.mean((x - mu) ** 2, axis=-1, keepdims=True)
    return (x - mu) / jnp.sqrt(var + EPS) * g + b


def setup_inputs(seed: int = 0) -> dict:
    key = jax.random.key(seed)
    ks = jax.random.split(key, 24)
    s = 1.0 / np.sqrt(D)
    sf = 1.0 / np.sqrt(FF)
    inp = {}
    inp["feature"] = jax.random.normal(ks[0], (N, D), jnp.float32)
    inp["sp_edge_index"] = jax.random.randint(ks[1], (2, E), 0, N, dtype=jnp.int32)
    inp["sp_value"] = jax.random.randint(ks[2], (E,), 0, NUM_SP, dtype=jnp.int32)
    inp["edge_rel"] = jax.random.randint(ks[3], (E,), 0, NUM_REL, dtype=jnp.int32)
    inp["ln1_g"] = jnp.ones((D,), jnp.float32)
    inp["ln1_b"] = jnp.zeros((D,), jnp.float32)
    inp["ln2_g"] = jnp.ones((D,), jnp.float32)
    inp["ln2_b"] = jnp.zeros((D,), jnp.float32)
    inp["Wq"] = jax.random.normal(ks[4], (D, D), jnp.float32) * s
    inp["bq"] = jnp.zeros((D,), jnp.float32)
    inp["Wk"] = jax.random.normal(ks[5], (D, D), jnp.float32) * s
    inp["bk"] = jnp.zeros((D,), jnp.float32)
    inp["Wv"] = jax.random.normal(ks[6], (D, D), jnp.float32) * s
    inp["bv"] = jnp.zeros((D,), jnp.float32)
    inp["Wd"] = jax.random.normal(ks[7], (D, D), jnp.float32) * s
    inp["bd"] = jnp.zeros((D,), jnp.float32)
    inp["W1"] = jax.random.normal(ks[8], (D, FF), jnp.float32) * s
    inp["b1"] = jnp.zeros((FF,), jnp.float32)
    inp["W2"] = jax.random.normal(ks[9], (FF, D), jnp.float32) * sf
    inp["b2"] = jnp.zeros((D,), jnp.float32)
    inp["rel_table"] = jax.random.normal(ks[10], (NUM_REL, D), jnp.float32)
    inp["spatial_table"] = jax.random.normal(ks[11], (NUM_SP, 1), jnp.float32)
    return inp


def reference(feature, sp_edge_index, sp_value, edge_rel, ln1_g, ln1_b, ln2_g, ln2_b, Wq, bq, Wk, bk, Wv, bv, Wd, bd, W1, b1, W2, b2, rel_table, spatial_table):
    x = _layernorm(feature, ln1_g, ln1_b)
    rel_emb = rel_table[edge_rel]
    q = x @ Wq + bq
    k = x @ Wk + bk
    v = (x @ Wv + bv).reshape(N, H, DH)
    row = sp_edge_index[0]
    col = sp_edge_index[1]
    query_end = (q[col] + rel_emb).reshape(E, H, DH)
    key_start = (k[row] + rel_emb).reshape(E, H, DH)
    edge_attn_num = jnp.einsum('ehd,ehd->eh', query_end, key_start)
    data_normalizer = 1.0 / jnp.sqrt(jnp.sqrt(jnp.float32(H)))
    edge_attn_num = edge_attn_num * data_normalizer
    edge_attn_bias = spatial_table[sp_value]
    edge_attn_num = edge_attn_num + edge_attn_bias
    ks_sum = jnp.sum(k.reshape(N, H, DH), axis=0)
    attn_normalizer = jnp.einsum('nhd,hd->nh', q.reshape(N, H, DH), ks_sum)
    edge_attn_dem = attn_normalizer[col]
    attention_weight = edge_attn_num / edge_attn_dem
    msgs = attention_weight[:, :, None] * v[row]
    agg = jax.ops.segment_sum(msgs.reshape(E, H * DH), col, num_segments=N)
    attn_output = agg @ Wd + bd
    out1 = attn_output + feature
    out1_norm = _layernorm(out1, ln2_g, ln2_b)
    ffn_output = jnp.maximum(out1_norm @ W1 + b1, 0.0) @ W2 + b2
    out2 = out1 + ffn_output
    return (out2, attention_weight)

if __name__ == "__main__":
    import jax
    _d = setup_inputs()
    print(jax.jit(kernel)(*tuple(_d.values())))

</pallas_src>

<mosaic_0001>
#map = affine_map<(d0, d1) -> (0, 0)>
#map1 = affine_map<(d0, d1) -> (0)>
module attributes {stable_mosaic.version = 14 : i64} {
  func.func @_lambda_(%arg0: i32, %arg1: i32, %arg2: memref<10000x128xf32, #tpu.memory_space<hbm>>, %arg3: memref<10000x128xf32, #tpu.memory_space<hbm>>, %arg4: memref<10000x128xf32, #tpu.memory_space<hbm>>, %arg5: memref<160000xi32, #tpu.memory_space<hbm>>, %arg6: memref<160000xi32, #tpu.memory_space<hbm>>, %arg7: memref<160000x128xf32, #tpu.memory_space<hbm>>, %arg8: memref<160000x128xf32, #tpu.memory_space<hbm>>, %arg9: memref<160000x128xf32, #tpu.memory_space<hbm>>, %arg10: memref<128xi32, #tpu.memory_space<vmem>>, %arg11: memref<128xi32, #tpu.memory_space<vmem>>, %arg12: memref<128xi32, #tpu.memory_space<vmem>>, %arg13: memref<128xi32, #tpu.memory_space<vmem>>, %arg14: memref<128x128xf32, #tpu.memory_space<vmem>>, %arg15: memref<128x128xf32, #tpu.memory_space<vmem>>, %arg16: memref<128x128xf32, #tpu.memory_space<vmem>>, %arg17: memref<128x128xf32, #tpu.memory_space<vmem>>, %arg18: memref<128x128xf32, #tpu.memory_space<vmem>>, %arg19: memref<128x128xf32, #tpu.memory_space<vmem>>, %arg20: memref<!tpu.dma_semaphore, #tpu.memory_space<semaphore_mem>>, %arg21: memref<!tpu.dma_semaphore, #tpu.memory_space<semaphore_mem>>) attributes {dimension_semantics = [#tpu.dimension_semantics<core_parallel>, #tpu.dimension_semantics<subcore_parallel>], iteration_bounds = array<i64: 2, 16>, scalar_prefetch = 0 : i64, scratch_operands = 12 : i64, tpu.core_type = #tpu.core_type<sc_vector_subcore>, window_params = [{transform_indices = #map}, {transform_indices = #map}, {transform_indices = #map}, {transform_indices = #map1}, {transform_indices = #map1}, {transform_indices = #map}, {transform_indices = #map}, {transform_indices = #map}]} {
    %mul3A = arith.constant 2 : i32
    %mul3A_0 = arith.muli %arg1, %mul3A : i32
    %add3A = arith.addi %mul3A_0, %arg0 : i32
    %scan3A = arith.constant 0 : i32
    %scan3A_1 = arith.constant 0 : i32
    %scan3A_2 = arith.constant 20 : i32
    %scan3A_3 = arith.addi %scan3A_1, %scan3A_2 : i32
    %scan3A_4 = arith.constant 1 : i32
    scf.for %scan3A_6 = %scan3A_1 to %scan3A_3 step %scan3A_4  : i32 {
      %mul3A_7 = arith.constant 40 : i32
      %mul3A_8 = arith.muli %add3A, %mul3A_7 : i32
      %mul3A_9 = arith.constant 2 : i32
      %mul3A_10 = arith.muli %mul3A_9, %scan3A_6 : i32
      %add3A_11 = arith.addi %mul3A_8, %mul3A_10 : i32
      %mul3A_12 = arith.constant 40 : i32
      %mul3A_13 = arith.muli %add3A, %mul3A_12 : i32
      %mul3A_14 = arith.constant 2 : i32
      %mul3A_15 = arith.muli %mul3A_14, %scan3A_6 : i32
      %add3A_16 = arith.addi %mul3A_13, %mul3A_15 : i32
      %add3A_17 = arith.constant 1 : i32
      %add3A_18 = arith.addi %add3A_16, %add3A_17 : i32
      %mul3A_19 = arith.constant 2 : i32
      %mul3A_20 = arith.muli %mul3A_19, %scan3A_6 : i32
      %lt3A = arith.constant 40 : i32
      %lt3A_21 = arith.cmpi slt, %mul3A_20, %lt3A : i32
      %lt3A_22 = arith.constant 1250 : i32
      %lt3A_23 = arith.cmpi slt, %add3A_11, %lt3A_22 : i32
      %and3A = arith.andi %lt3A_21, %lt3A_23 : i1
      %mul3A_24 = arith.constant 2 : i32
      %mul3A_25 = arith.muli %mul3A_24, %scan3A_6 : i32
      %add3A_26 = arith.constant 1 : i32
      %add3A_27 = arith.addi %mul3A_25, %add3A_26 : i32
      %lt3A_28 = arith.constant 40 : i32
      %lt3A_29 = arith.cmpi slt, %add3A_27, %lt3A_28 : i32
      %lt3A_30 = arith.constant 1250 : i32
      %lt3A_31 = arith.cmpi slt, %add3A_18, %lt3A_30 : i32
      %and3A_32 = arith.andi %lt3A_29, %lt3A_31 : i1
      %convert_element_type3A = arith.extui %and3A : i1 to i32
      %cond3A = arith.constant 0 : i32
      %cond3A_33 = arith.cmpi ne, %convert_element_type3A, %cond3A : i32
      scf.if %cond3A_33 {
        %mul3A_49 = arith.constant 128 : i32
        %mul3A_50 = arith.muli %add3A_11, %mul3A_49 : i32
        "tpu.region"() ({
          %run_scoped3A = tpu.sem_alloc : memref<!tpu.dma_semaphore, #tpu.memory_space<semaphore_mem>>
          %dma_start3A_59 = tpu.memref_slice %arg6[%mul3A_50] : memref<160000xi32, #tpu.memory_space<hbm>> -> memref<128xi32, #tpu.memory_space<hbm>>
          %dma_start3A_60 = tpu.memref_slice %arg6[%mul3A_50] : memref<160000xi32, #tpu.memory_space<hbm>> -> memref<128xi32, #tpu.memory_space<hbm>>
          tpu.enqueue_dma source(%dma_start3A_60 : memref<128xi32, #tpu.memory_space<hbm>>) target(%arg10 : memref<128xi32, #tpu.memory_space<vmem>>) target_semaphore(%run_scoped3A : memref<!tpu.dma_semaphore, #tpu.memory_space<semaphore_mem>>)
          %dma_wait3A = tpu.memref_slice %arg6[%mul3A_50] : memref<160000xi32, #tpu.memory_space<hbm>> -> memref<128xi32, #tpu.memory_space<hbm>>
          %dma_wait3A_61 = tpu.memref_slice %arg6[%mul3A_50] : memref<160000xi32, #tpu.memory_space<hbm>> -> memref<128xi32, #tpu.memory_space<hbm>>
          tpu.wait_dma2 semaphore(%run_scoped3A : memref<!tpu.dma_semaphore, #tpu.memory_space<semaphore_mem>>) src(%dma_wait3A_61 : memref<128xi32, #tpu.memory_space<hbm>>) dst(%arg10 : memref<128xi32, #tpu.memory_space<vmem>>)
          tpu.yield
        }) : () -> ()
        "tpu.region"() ({
          %run_scoped3A = tpu.sem_alloc : memref<!tpu.dma_semaphore, #tpu.memory_space<semaphore_mem>>
          %dma_start3A_59 = tpu.memref_slice %arg5[%mul3A_50] : memref<160000xi32, #tpu.memory_space<hbm>> -> memref<128xi32, #tpu.memory_space<hbm>>
          %dma_start3A_60 = tpu.memref_slice %arg5[%mul3A_50] : memref<160000xi32, #tpu.memory_space<hbm>> -> memref<128xi32, #tpu.memory_space<hbm>>
          tpu.enqueue_dma source(%dma_start3A_60 : memref<128xi32, #tpu.memory_space<hbm>>) target(%arg11 : memref<128xi32, #tpu.memory_space<vmem>>) target_semaphore(%run_scoped3A : memref<!tpu.dma_semaphore, #tpu.memory_space<semaphore_mem>>)
          %dma_wait3A = tpu.memref_slice %arg5[%mul3A_50] : memref<160000xi32, #tpu.memory_space<hbm>> -> memref<128xi32, #tpu.memory_space<hbm>>
          %dma_wait3A_61 = tpu.memref_slice %arg5[%mul3A_50] : memref<160000xi32, #tpu.memory_space<hbm>> -> memref<128xi32, #tpu.memory_space<hbm>>
          tpu.wait_dma2 semaphore(%run_scoped3A : memref<!tpu.dma_semaphore, #tpu.memory_space<semaphore_mem>>) src(%dma_wait3A_61 : memref<128xi32, #tpu.memory_space<hbm>>) dst(%arg11 : memref<128xi32, #tpu.memory_space<vmem>>)
          tpu.yield
        }) : () -> ()
        %dma_start3A = arith.constant 0 : i32
        %dma_start3A_51 = arith.constant 0 : i32
        %dma_start3A_52 = tpu.memref_slice %arg2[%dma_start3A, %dma_start3A_51] : memref<10000x128xf32, #tpu.memory_space<hbm>> -> memref<10000x128xf32, #tpu.memory_space<hbm>>
        tpu.enqueue_indirect_dma source(%dma_start3A_52 : memref<10000x128xf32, #tpu.memory_space<hbm>>) target(%arg14 : memref<128x128xf32, #tpu.memory_space<vmem>>) offsets(%arg10 : memref<128xi32, #tpu.memory_space<vmem>>) semaphore(%arg20 : memref<!tpu.dma_semaphore, #tpu.memory_space<semaphore_mem>>)
        %dma_start3A_53 = arith.constant 0 : i32
        %dma_start3A_54 = arith.constant 0 : i32
        %dma_start3A_55 = tpu.memref_slice %arg3[%dma_start3A_53, %dma_start3A_54] : memref<10000x128xf32, #tpu.memory_space<hbm>> -> memref<10000x128xf32, #tpu.memory_space<hbm>>
        tpu.enqueue_indirect_dma source(%dma_start3A_55 : memref<10000x128xf32, #tpu.memory_space<hbm>>) target(%arg15 : memref<128x128xf32, #tpu.memory_space<vmem>>) offsets(%arg11 : memref<128xi32, #tpu.memory_space<vmem>>) semaphore(%arg20 : memref<!tpu.dma_semaphore, #tpu.memory_space<semaphore_mem>>)
        %dma_start3A_56 = arith.constant 0 : i32
        %dma_start3A_57 = arith.constant 0 : i32
        %dma_start3A_58 = tpu.memref_slice %arg4[%dma_start3A_56, %dma_start3A_57] : memref<10000x128xf32, #tpu.memory_space<hbm>> -> memref<10000x128xf32, #tpu.memory_space<hbm>>
        tpu.enqueue_indirect_dma source(%dma_start3A_58 : memref<10000x128xf32, #tpu.memory_space<hbm>>) target(%arg16 : memref<128x128xf32, #tpu.memory_space<vmem>>) offsets(%arg11 : memref<128xi32, #tpu.memory_space<vmem>>) semaphore(%arg20 : memref<!tpu.dma_semaphore, #tpu.memory_space<semaphore_mem>>)
      } else {
      }
      %convert_element_type3A_34 = arith.extui %and3A_32 : i1 to i32
      %cond3A_35 = arith.constant 0 : i32
      %cond3A_36 = arith.cmpi ne, %convert_element_type3A_34, %cond3A_35 : i32
      scf.if %cond3A_36 {
        %mul3A_49 = arith.constant 128 : i32
        %mul3A_50 = arith.muli %add3A_18, %mul3A_49 : i32
        "tpu.region"() ({
          %run_scoped3A = tpu.sem_alloc : memref<!tpu.dma_semaphore, #tpu.memory_space<semaphore_mem>>
          %dma_start3A_59 = tpu.memref_slice %arg6[%mul3A_50] : memref<160000xi32, #tpu.memory_space<hbm>> -> memref<128xi32, #tpu.memory_space<hbm>>
          %dma_start3A_60 = tpu.memref_slice %arg6[%mul3A_50] : memref<160000xi32, #tpu.memory_space<hbm>> -> memref<128xi32, #tpu.memory_space<hbm>>
          tpu.enqueue_dma source(%dma_start3A_60 : memref<128xi32, #tpu.memory_space<hbm>>) target(%arg12 : memref<128xi32, #tpu.memory_space<vmem>>) target_semaphore(%run_scoped3A : memref<!tpu.dma_semaphore, #tpu.memory_space<semaphore_mem>>)
          %dma_wait3A = tpu.memref_slice %arg6[%mul3A_50] : memref<160000xi32, #tpu.memory_space<hbm>> -> memref<128xi32, #tpu.memory_space<hbm>>
          %dma_wait3A_61 = tpu.memref_slice %arg6[%mul3A_50] : memref<160000xi32, #tpu.memory_space<hbm>> -> memref<128xi32, #tpu.memory_space<hbm>>
          tpu.wait_dma2 semaphore(%run_scoped3A : memref<!tpu.dma_semaphore, #tpu.memory_space<semaphore_mem>>) src(%dma_wait3A_61 : memref<128xi32, #tpu.memory_space<hbm>>) dst(%arg12 : memref<128xi32, #tpu.memory_space<vmem>>)
          tpu.yield
        }) : () -> ()
        "tpu.region"() ({
          %run_scoped3A = tpu.sem_alloc : memref<!tpu.dma_semaphore, #tpu.memory_space<semaphore_mem>>
          %dma_start3A_59 = tpu.memref_slice %arg5[%mul3A_50] : memref<160000xi32, #tpu.memory_space<hbm>> -> memref<128xi32, #tpu.memory_space<hbm>>
          %dma_start3A_60 = tpu.memref_slice %arg5[%mul3A_50] : memref<160000xi32, #tpu.memory_space<hbm>> -> memref<128xi32, #tpu.memory_space<hbm>>
          tpu.enqueue_dma source(%dma_start3A_60 : memref<128xi32, #tpu.memory_space<hbm>>) target(%arg13 : memref<128xi32, #tpu.memory_space<vmem>>) target_semaphore(%run_scoped3A : memref<!tpu.dma_semaphore, #tpu.memory_space<semaphore_mem>>)
          %dma_wait3A = tpu.memref_slice %arg5[%mul3A_50] : memref<160000xi32, #tpu.memory_space<hbm>> -> memref<128xi32, #tpu.memory_space<hbm>>
          %dma_wait3A_61 = tpu.memref_slice %arg5[%mul3A_50] : memref<160000xi32, #tpu.memory_space<hbm>> -> memref<128xi32, #tpu.memory_space<hbm>>
          tpu.wait_dma2 semaphore(%run_scoped3A : memref<!tpu.dma_semaphore, #tpu.memory_space<semaphore_mem>>) src(%dma_wait3A_61 : memref<128xi32, #tpu.memory_space<hbm>>) dst(%arg13 : memref<128xi32, #tpu.memory_space<vmem>>)
          tpu.yield
        }) : () -> ()
        %dma_start3A = arith.constant 0 : i32
        %dma_start3A_51 = arith.constant 0 : i32
        %dma_start3A_52 = tpu.memref_slice %arg2[%dma_start3A, %dma_start3A_51] : memref<10000x128xf32, #tpu.memory_space<hbm>> -> memref<10000x128xf32, #tpu.memory_space<hbm>>
        tpu.enqueue_indirect_dma source(%dma_start3A_52 : memref<10000x128xf32, #tpu.memory_space<hbm>>) target(%arg17 : memref<128x128xf32, #tpu.memory_space<vmem>>) offsets(%arg12 : memref<128xi32, #tpu.memory_space<vmem>>) semaphore(%arg20 : memref<!tpu.dma_semaphore, #tpu.memory_space<semaphore_mem>>)
        %dma_start3A_53 = arith.constant 0 : i32
        %dma_start3A_54 = arith.constant 0 : i32
        %dma_start3A_55 = tpu.memref_slice %arg3[%dma_start3A_53, %dma_start3A_54] : memref<10000x128xf32, #tpu.memory_space<hbm>> -> memref<10000x128xf32, #tpu.memory_space<hbm>>
        tpu.enqueue_indirect_dma source(%dma_start3A_55 : memref<10000x128xf32, #tpu.memory_space<hbm>>) target(%arg18 : memref<128x128xf32, #tpu.memory_space<vmem>>) offsets(%arg13 : memref<128xi32, #tpu.memory_space<vmem>>) semaphore(%arg20 : memref<!tpu.dma_semaphore, #tpu.memory_space<semaphore_mem>>)
        %dma_start3A_56 = arith.constant 0 : i32
        %dma_start3A_57 = arith.constant 0 : i32
        %dma_start3A_58 = tpu.memref_slice %arg4[%dma_start3A_56, %dma_start3A_57] : memref<10000x128xf32, #tpu.memory_space<hbm>> -> memref<10000x128xf32, #tpu.memory_space<hbm>>
        tpu.enqueue_indirect_dma source(%dma_start3A_58 : memref<10000x128xf32, #tpu.memory_space<hbm>>) target(%arg19 : memref<128x128xf32, #tpu.memory_space<vmem>>) offsets(%arg13 : memref<128xi32, #tpu.memory_space<vmem>>) semaphore(%arg20 : memref<!tpu.dma_semaphore, #tpu.memory_space<semaphore_mem>>)
      } else {
      }
      %convert_element_type3A_37 = arith.extui %and3A : i1 to i32
      %cond3A_38 = arith.constant 0 : i32
      %cond3A_39 = arith.cmpi ne, %convert_element_type3A_37, %cond3A_38 : i32
      scf.if %cond3A_39 {
        %mul3A_49 = arith.constant 128 : i32
        %mul3A_50 = arith.muli %add3A_11, %mul3A_49 : i32
        %dma_wait3A = arith.constant 0 : i32
        %dma_wait3A_51 = arith.constant 0 : i32
        %dma_wait3A_52 = tpu.memref_slice %arg2[%dma_wait3A, %dma_wait3A_51] : memref<10000x128xf32, #tpu.memory_space<hbm>> -> memref<10000x128xf32, #tpu.memory_space<hbm>>
        tpu.wait_indirect_dma semaphore(%arg20 : memref<!tpu.dma_semaphore, #tpu.memory_space<semaphore_mem>>) src(%dma_wait3A_52 : memref<10000x128xf32, #tpu.memory_space<hbm>>) dst(%arg14 : memref<128x128xf32, #tpu.memory_space<vmem>>)
        %dma_wait3A_53 = arith.constant 0 : i32
        %dma_wait3A_54 = arith.constant 0 : i32
        %dma_wait3A_55 = tpu.memref_slice %arg3[%dma_wait3A_53, %dma_wait3A_54] : memref<10000x128xf32, #tpu.memory_space<hbm>> -> memref<10000x128xf32, #tpu.memory_space<hbm>>
        tpu.wait_indirect_dma semaphore(%arg20 : memref<!tpu.dma_semaphore, #tpu.memory_space<semaphore_mem>>) src(%dma_wait3A_55 : memref<10000x128xf32, #tpu.memory_space<hbm>>) dst(%arg15 : memref<128x128xf32, #tpu.memory_space<vmem>>)
        %dma_wait3A_56 = arith.constant 0 : i32
        %dma_wait3A_57 = arith.constant 0 : i32
        %dma_wait3A_58 = tpu.memref_slice %arg4[%dma_wait3A_56, %dma_wait3A_57] : memref<10000x128xf32, #tpu.memory_space<hbm>> -> memref<10000x128xf32, #tpu.memory_space<hbm>>
        tpu.wait_indirect_dma semaphore(%arg20 : memref<!tpu.dma_semaphore, #tpu.memory_space<semaphore_mem>>) src(%dma_wait3A_58 : memref<10000x128xf32, #tpu.memory_space<hbm>>) dst(%arg16 : memref<128x128xf32, #tpu.memory_space<vmem>>)
        %dma_start3A = arith.constant 0 : i32
        %dma_start3A_59 = tpu.memref_slice %arg7[%mul3A_50, %dma_start3A] : memref<160000x128xf32, #tpu.memory_space<hbm>> -> memref<128x128xf32, #tpu.memory_space<hbm>>
        %dma_start3A_60 = arith.constant 0 : i32
        %dma_start3A_61 = tpu.memref_slice %arg7[%mul3A_50, %dma_start3A_60] : memref<160000x128xf32, #tpu.memory_space<hbm>> -> memref<128x128xf32, #tpu.memory_space<hbm>>
        tpu.enqueue_dma source(%arg14 : memref<128x128xf32, #tpu.memory_space<vmem>>) target(%dma_start3A_61 : memref<128x128xf32, #tpu.memory_space<hbm>>) target_semaphore(%arg21 : memref<!tpu.dma_semaphore, #tpu.memory_space<semaphore_mem>>)
        %dma_start3A_62 = arith.constant 0 : i32
        %dma_start3A_63 = tpu.memref_slice %arg8[%mul3A_50, %dma_start3A_62] : memref<160000x128xf32, #tpu.memory_space<hbm>> -> memref<128x128xf32, #tpu.memory_space<hbm>>
        %dma_start3A_64 = arith.constant 0 : i32
        %dma_start3A_65 = tpu.memref_slice %arg8[%mul3A_50, %dma_start3A_64] : memref<160000x128xf32, #tpu.memory_space<hbm>> -> memref<128x128xf32, #tpu.memory_space<hbm>>
        tpu.enqueue_dma source(%arg15 : memref<128x128xf32, #tpu.memory_space<vmem>>) target(%dma_start3A_65 : memref<128x128xf32, #tpu.memory_space<hbm>>) target_semaphore(%arg21 : memref<!tpu.dma_semaphore, #tpu.memory_space<semaphore_mem>>)
        %dma_start3A_66 = arith.constant 0 : i32
        %dma_start3A_67 = tpu.memref_slice %arg9[%mul3A_50, %dma_start3A_66] : memref<160000x128xf32, #tpu.memory_space<hbm>> -> memref<128x128xf32, #tpu.memory_space<hbm>>
        %dma_start3A_68 = arith.constant 0 : i32
        %dma_start3A_69 = tpu.memref_slice %arg9[%mul3A_50, %dma_start3A_68] : memref<160000x128xf32, #tpu.memory_space<hbm>> -> memref<128x128xf32, #tpu.memory_space<hbm>>
        tpu.enqueue_dma source(%arg16 : memref<128x128xf32, #tpu.memory_space<vmem>>) target(%dma_start3A_69 : memref<128x128xf32, #tpu.memory_space<hbm>>) target_semaphore(%arg21 : memref<!tpu.dma_semaphore, #tpu.memory_space<semaphore_mem>>)
      } else {
      }
      %convert_element_type3A_40 = arith.extui %and3A_32 : i1 to i32
      %cond3A_41 = arith.constant 0 : i32
      %cond3A_42 = arith.cmpi ne, %convert_element_type3A_40, %cond3A_41 : i32
      scf.if %cond3A_42 {
        %mul3A_49 = arith.constant 128 : i32
        %mul3A_50 = arith.muli %add3A_18, %mul3A_49 : i32
        %dma_wait3A = arith.constant 0 : i32
        %dma_wait3A_51 = arith.constant 0 : i32
        %dma_wait3A_52 = tpu.memref_slice %arg2[%dma_wait3A, %dma_wait3A_51] : memref<10000x128xf32, #tpu.memory_space<hbm>> -> memref<10000x128xf32, #tpu.memory_space<hbm>>
        tpu.wait_indirect_dma semaphore(%arg20 : memref<!tpu.dma_semaphore, #tpu.memory_space<semaphore_mem>>) src(%dma_wait3A_52 : memref<10000x128xf32, #tpu.memory_space<hbm>>) dst(%arg17 : memref<128x128xf32, #tpu.memory_space<vmem>>)
        %dma_wait3A_53 = arith.constant 0 : i32
        %dma_wait3A_54 = arith.constant 0 : i32
        %dma_wait3A_55 = tpu.memref_slice %arg3[%dma_wait3A_53, %dma_wait3A_54] : memref<10000x128xf32, #tpu.memory_space<hbm>> -> memref<10000x128xf32, #tpu.memory_space<hbm>>
        tpu.wait_indirect_dma semaphore(%arg20 : memref<!tpu.dma_semaphore, #tpu.memory_space<semaphore_mem>>) src(%dma_wait3A_55 : memref<10000x128xf32, #tpu.memory_space<hbm>>) dst(%arg18 : memref<128x128xf32, #tpu.memory_space<vmem>>)
        %dma_wait3A_56 = arith.constant 0 : i32
        %dma_wait3A_57 = arith.constant 0 : i32
        %dma_wait3A_58 = tpu.memref_slice %arg4[%dma_wait3A_56, %dma_wait3A_57] : memref<10000x128xf32, #tpu.memory_space<hbm>> -> memref<10000x128xf32, #tpu.memory_space<hbm>>
        tpu.wait_indirect_dma semaphore(%arg20 : memref<!tpu.dma_semaphore, #tpu.memory_space<semaphore_mem>>) src(%dma_wait3A_58 : memref<10000x128xf32, #tpu.memory_space<hbm>>) dst(%arg19 : memref<128x128xf32, #tpu.memory_space<vmem>>)
        %dma_start3A = arith.constant 0 : i32
        %dma_start3A_59 = tpu.memref_slice %arg7[%mul3A_50, %dma_start3A] : memref<160000x128xf32, #tpu.memory_space<hbm>> -> memref<128x128xf32, #tpu.memory_space<hbm>>
        %dma_start3A_60 = arith.constant 0 : i32
        %dma_start3A_61 = tpu.memref_slice %arg7[%mul3A_50, %dma_start3A_60] : memref<160000x128xf32, #tpu.memory_space<hbm>> -> memref<128x128xf32, #tpu.memory_space<hbm>>
        tpu.enqueue_dma source(%arg17 : memref<128x128xf32, #tpu.memory_space<vmem>>) target(%dma_start3A_61 : memref<128x128xf32, #tpu.memory_space<hbm>>) target_semaphore(%arg21 : memref<!tpu.dma_semaphore, #tpu.memory_space<semaphore_mem>>)
        %dma_start3A_62 = arith.constant 0 : i32
        %dma_start3A_63 = tpu.memref_slice %arg8[%mul3A_50, %dma_start3A_62] : memref<160000x128xf32, #tpu.memory_space<hbm>> -> memref<128x128xf32, #tpu.memory_space<hbm>>
        %dma_start3A_64 = arith.constant 0 : i32
        %dma_start3A_65 = tpu.memref_slice %arg8[%mul3A_50, %dma_start3A_64] : memref<160000x128xf32, #tpu.memory_space<hbm>> -> memref<128x128xf32, #tpu.memory_space<hbm>>
        tpu.enqueue_dma source(%arg18 : memref<128x128xf32, #tpu.memory_space<vmem>>) target(%dma_start3A_65 : memref<128x128xf32, #tpu.memory_space<hbm>>) target_semaphore(%arg21 : memref<!tpu.dma_semaphore, #tpu.memory_space<semaphore_mem>>)
        %dma_start3A_66 = arith.constant 0 : i32
        %dma_start3A_67 = tpu.memref_slice %arg9[%mul3A_50, %dma_start3A_66] : memref<160000x128xf32, #tpu.memory_space<hbm>> -> memref<128x128xf32, #tpu.memory_space<hbm>>
        %dma_start3A_68 = arith.constant 0 : i32
        %dma_start3A_69 = tpu.memref_slice %arg9[%mul3A_50, %dma_start3A_68] : memref<160000x128xf32, #tpu.memory_space<hbm>> -> memref<128x128xf32, #tpu.memory_space<hbm>>
        tpu.enqueue_dma source(%arg19 : memref<128x128xf32, #tpu.memory_space<vmem>>) target(%dma_start3A_69 : memref<128x128xf32, #tpu.memory_space<hbm>>) target_semaphore(%arg21 : memref<!tpu.dma_semaphore, #tpu.memory_space<semaphore_mem>>)
      } else {
      }
      %convert_element_type3A_43 = arith.extui %and3A : i1 to i32
      %cond3A_44 = arith.constant 0 : i32
      %cond3A_45 = arith.cmpi ne, %convert_element_type3A_43, %cond3A_44 : i32
      scf.if %cond3A_45 {
        %mul3A_49 = arith.constant 128 : i32
        %mul3A_50 = arith.muli %add3A_11, %mul3A_49 : i32
        %dma_wait3A = arith.constant 0 : i32
        %dma_wait3A_51 = tpu.memref_slice %arg7[%mul3A_50, %dma_wait3A] : memref<160000x128xf32, #tpu.memory_space<hbm>> -> memref<128x128xf32, #tpu.memory_space<hbm>>
        %dma_wait3A_52 = arith.constant 0 : i32
        %dma_wait3A_53 = tpu.memref_slice %arg7[%mul3A_50, %dma_wait3A_52] : memref<160000x128xf32, #tpu.memory_space<hbm>> -> memref<128x128xf32, #tpu.memory_space<hbm>>
        tpu.wait_dma2 semaphore(%arg21 : memref<!tpu.dma_semaphore, #tpu.memory_space<semaphore_mem>>) src(%arg14 : memref<128x128xf32, #tpu.memory_space<vmem>>) dst(%dma_wait3A_53 : memref<128x128xf32, #tpu.memory_space<hbm>>)
        %dma_wait3A_54 = arith.constant 0 : i32
        %dma_wait3A_55 = tpu.memref_slice %arg8[%mul3A_50, %dma_wait3A_54] : memref<160000x128xf32, #tpu.memory_space<hbm>> -> memref<128x128xf32, #tpu.memory_space<hbm>>
        %dma_wait3A_56 = arith.constant 0 : i32
        %dma_wait3A_57 = tpu.memref_slice %arg8[%mul3A_50, %dma_wait3A_56] : memref<160000x128xf32, #tpu.memory_space<hbm>> -> memref<128x128xf32, #tpu.memory_space<hbm>>
        tpu.wait_dma2 semaphore(%arg21 : memref<!tpu.dma_semaphore, #tpu.memory_space<semaphore_mem>>) src(%arg15 : memref<128x128xf32, #tpu.memory_space<vmem>>) dst(%dma_wait3A_57 : memref<128x128xf32, #tpu.memory_space<hbm>>)
        %dma_wait3A_58 = arith.constant 0 : i32
        %dma_wait3A_59 = tpu.memref_slice %arg9[%mul3A_50, %dma_wait3A_58] : memref<160000x128xf32, #tpu.memory_space<hbm>> -> memref<128x128xf32, #tpu.memory_space<hbm>>
        %dma_wait3A_60 = arith.constant 0 : i32
        %dma_wait3A_61 = tpu.memref_slice %arg9[%mul3A_50, %dma_wait3A_60] : memref<160000x128xf32, #tpu.memory_space<hbm>> -> memref<128x128xf32, #tpu.memory_space<hbm>>
        tpu.wait_dma2 semaphore(%arg21 : memref<!tpu.dma_semaphore, #tpu.memory_space<semaphore_mem>>) src(%arg16 : memref<128x128xf32, #tpu.memory_space<vmem>>) dst(%dma_wait3A_61 : memref<128x128xf32, #tpu.memory_space<hbm>>)
      } else {
      }
      %convert_element_type3A_46 = arith.extui %and3A_32 : i1 to i32
      %cond3A_47 = arith.constant 0 : i32
      %cond3A_48 = arith.cmpi ne, %convert_element_type3A_46, %cond3A_47 : i32
      scf.if %cond3A_48 {
        %mul3A_49 = arith.constant 128 : i32
        %mul3A_50 = arith.muli %add3A_18, %mul3A_49 : i32
        %dma_wait3A = arith.constant 0 : i32
        %dma_wait3A_51 = tpu.memref_slice %arg7[%mul3A_50, %dma_wait3A] : memref<160000x128xf32, #tpu.memory_space<hbm>> -> memref<128x128xf32, #tpu.memory_space<hbm>>
        %dma_wait3A_52 = arith.constant 0 : i32
        %dma_wait3A_53 = tpu.memref_slice %arg7[%mul3A_50, %dma_wait3A_52] : memref<160000x128xf32, #tpu.memory_space<hbm>> -> memref<128x128xf32, #tpu.memory_space<hbm>>
        tpu.wait_dma2 semaphore(%arg21 : memref<!tpu.dma_semaphore, #tpu.memory_space<semaphore_mem>>) src(%arg17 : memref<128x128xf32, #tpu.memory_space<vmem>>) dst(%dma_wait3A_53 : memref<128x128xf32, #tpu.memory_space<hbm>>)
        %dma_wait3A_54 = arith.constant 0 : i32
        %dma_wait3A_55 = tpu.memref_slice %arg8[%mul3A_50, %dma_wait3A_54] : memref<160000x128xf32, #tpu.memory_space<hbm>> -> memref<128x128xf32, #tpu.memory_space<hbm>>
        %dma_wait3A_56 = arith.constant 0 : i32
        %dma_wait3A_57 = tpu.memref_slice %arg8[%mul3A_50, %dma_wait3A_56] : memref<160000x128xf32, #tpu.memory_space<hbm>> -> memref<128x128xf32, #tpu.memory_space<hbm>>
        tpu.wait_dma2 semaphore(%arg21 : memref<!tpu.dma_semaphore, #tpu.memory_space<semaphore_mem>>) src(%arg18 : memref<128x128xf32, #tpu.memory_space<vmem>>) dst(%dma_wait3A_57 : memref<128x128xf32, #tpu.memory_space<hbm>>)
        %dma_wait3A_58 = arith.constant 0 : i32
        %dma_wait3A_59 = tpu.memref_slice %arg9[%mul3A_50, %dma_wait3A_58] : memref<160000x128xf32, #tpu.memory_space<hbm>> -> memref<128x128xf32, #tpu.memory_space<hbm>>
        %dma_wait3A_60 = arith.constant 0 : i32
        %dma_wait3A_61 = tpu.memref_slice %arg9[%mul3A_50, %dma_wait3A_60] : memref<160000x128xf32, #tpu.memory_space<hbm>> -> memref<128x128xf32, #tpu.memory_space<hbm>>
        tpu.wait_dma2 semaphore(%arg21 : memref<!tpu.dma_semaphore, #tpu.memory_space<semaphore_mem>>) src(%arg19 : memref<128x128xf32, #tpu.memory_space<vmem>>) dst(%dma_wait3A_61 : memref<128x128xf32, #tpu.memory_space<hbm>>)
      } else {
      }
    }
    %scan3A_5 = arith.constant 20 : i32
    return
  }
}

#map = affine_map<(d0, d1) -> (0, 0)>
#map1 = affine_map<(d0, d1) -> (0)>
#map2 = affine_map<(d0, d1) -> (0, 0, 0)>
module attributes {stable_mosaic.version = 14 : i64} {
  func.func @_p4_body(%arg0: i32, %arg1: i32, %arg2: memref<160000x128xf32, #tpu.memory_space<hbm>>, %arg3: memref<160000x128xf32, #tpu.memory_space<hbm>>, %arg4: memref<320000xi32, #tpu.memory_space<hbm>>, %arg5: memref<2x10112x128xf32, #tpu.memory_space<hbm>>, %arg6: memref<128xi32, #tpu.memory_space<vmem>>, %arg7: memref<128x128xf32, #tpu.memory_space<vmem>>, %arg8: memref<10112x128xf32, #tpu.memory_space<vmem_shared>>, %arg9: memref<!tpu.dma_semaphore, #tpu.memory_space<semaphore_mem>>) attributes {dimension_semantics = [#tpu.dimension_semantics<core_parallel>, #tpu.dimension_semantics<subcore_parallel>], iteration_bounds = array<i64: 2, 16>, scalar_prefetch = 0 : i64, scratch_operands = 4 : i64, tpu.core_type = #tpu.core_type<sc_vector_subcore>, window_params = [{transform_indices = #map}, {transform_indices = #map}, {transform_indices = #map1}, {transform_indices = #map2}]} {
    %mul3A = arith.constant 632 : i32
    %mul3A_0 = arith.muli %arg1, %mul3A : i32
    %scan3A = arith.constant 0 : i32
    %scan3A_1 = arith.constant 0 : i32
    %scan3A_2 = arith.constant 128 : i32
    %scan3A_3 = arith.addi %scan3A_1, %scan3A_2 : i32
    %scan3A_4 = arith.constant 1 : i32
    scf.for %scan3A_42 = %scan3A_1 to %scan3A_3 step %scan3A_4  : i32 {
      %broadcast_in_dim3A = arith.constant 0.000000e+00 : f32
      %broadcast_in_dim3A_43 = vector.broadcast %broadcast_in_dim3A : f32 to vector<16xf32>
      %swap3A = arith.index_cast %scan3A_42 : i32 to index
      %swap3A_44 = arith.constant 0 : index
      %swap3A_45 = tpu.vector_load %arg7[%swap3A, %swap3A_44] {strides = array<i32>} : memref<128x128xf32, #tpu.memory_space<vmem>>, vector<1x16xf32>,
      %swap3A_46 = vector.shape_cast %swap3A_45 : vector<1x16xf32> to vector<16xf32>
      %swap3A_47 = vector.shape_cast %broadcast_in_dim3A_43 : vector<16xf32> to vector<1x16xf32>
      tpu.vector_store %arg7[%swap3A, %swap3A_44], %swap3A_47 {strides = array<i32>} : memref<128x128xf32, #tpu.memory_space<vmem>>, vector<1x16xf32>,
      %broadcast_in_dim3A_48 = arith.constant 0.000000e+00 : f32
      %broadcast_in_dim3A_49 = vector.broadcast %broadcast_in_dim3A_48 : f32 to vector<16xf32>
      %swap3A_50 = arith.index_cast %scan3A_42 : i32 to index
      %swap3A_51 = arith.constant 16 : index
      %swap3A_52 = tpu.vector_load %arg7[%swap3A_50, %swap3A_51] {strides = array<i32>} : memref<128x128xf32, #tpu.memory_space<vmem>>, vector<1x16xf32>,
      %swap3A_53 = vector.shape_cast %swap3A_52 : vector<1x16xf32> to vector<16xf32>
      %swap3A_54 = vector.shape_cast %broadcast_in_dim3A_49 : vector<16xf32> to vector<1x16xf32>
      tpu.vector_store %arg7[%swap3A_50, %swap3A_51], %swap3A_54 {strides = array<i32>} : memref<128x128xf32, #tpu.memory_space<vmem>>, vector<1x16xf32>,
      %broadcast_in_dim3A_55 = arith.constant 0.000000e+00 : f32
      %broadcast_in_dim3A_56 = vector.broadcast %broadcast_in_dim3A_55 : f32 to vector<16xf32>
      %swap3A_57 = arith.index_cast %scan3A_42 : i32 to index
      %swap3A_58 = arith.constant 32 : index
      %swap3A_59 = tpu.vector_load %arg7[%swap3A_57, %swap3A_58] {strides = array<i32>} : memref<128x128xf32, #tpu.memory_space<vmem>>, vector<1x16xf32>,
      %swap3A_60 = vector.shape_cast %swap3A_59 : vector<1x16xf32> to vector<16xf32>
      %swap3A_61 = vector.shape_cast %broadcast_in_dim3A_56 : vector<16xf32> to vector<1x16xf32>
      tpu.vector_store %arg7[%swap3A_57, %swap3A_58], %swap3A_61 {strides = array<i32>} : memref<128x128xf32, #tpu.memory_space<vmem>>, vector<1x16xf32>,
      %broadcast_in_dim3A_62 = arith.constant 0.000000e+00 : f32
      %broadcast_in_dim3A_63 = vector.broadcast %broadcast_in_dim3A_62 : f32 to vector<16xf32>
      %swap3A_64 = arith.index_cast %scan3A_42 : i32 to index
      %swap3A_65 = arith.constant 48 : index
      %swap3A_66 = tpu.vector_load %arg7[%swap3A_64, %swap3A_65] {strides = array<i32>} : memref<128x128xf32, #tpu.memory_space<vmem>>, vector<1x16xf32>,
      %swap3A_67 = vector.shape_cast %swap3A_66 : vector<1x16xf32> to vector<16xf32>
      %swap3A_68 = vector.shape_cast %broadcast_in_dim3A_63 : vector<16xf32> to vector<1x16xf32>
      tpu.vector_store %arg7[%swap3A_64, %swap3A_65], %swap3A_68 {strides = array<i32>} : memref<128x128xf32, #tpu.memory_space<vmem>>, vector<1x16xf32>,
      %broadcast_in_dim3A_69 = arith.constant 0.000000e+00 : f32
      %broadcast_in_dim3A_70 = vector.broadcast %broadcast_in_dim3A_69 : f32 to vector<16xf32>
      %swap3A_71 = arith.index_cast %scan3A_42 : i32 to index
      %swap3A_72 = arith.constant 64 : index
      %swap3A_73 = tpu.vector_load %arg7[%swap3A_71, %swap3A_72] {strides = array<i32>} : memref<128x128xf32, #tpu.memory_space<vmem>>, vector<1x16xf32>,
      %swap3A_74 = vector.shape_cast %swap3A_73 : vector<1x16xf32> to vector<16xf32>
      %swap3A_75 = vector.shape_cast %broadcast_in_dim3A_70 : vector<16xf32> to vector<1x16xf32>
      tpu.vector_store %arg7[%swap3A_71, %swap3A_72], %swap3A_75 {strides = array<i32>} : memref<128x128xf32, #tpu.memory_space<vmem>>, vector<1x16xf32>,
      %broadcast_in_dim3A_76 = arith.constant 0.000000e+00 : f32
      %broadcast_in_dim3A_77 = vector.broadcast %broadcast_in_dim3A_76 : f32 to vector<16xf32>
      %swap3A_78 = arith.index_cast %scan3A_42 : i32 to index
      %swap3A_79 = arith.constant 80 : index
      %swap3A_80 = tpu.vector_load %arg7[%swap3A_78, %swap3A_79] {strides = array<i32>} : memref<128x128xf32, #tpu.memory_space<vmem>>, vector<1x16xf32>,
      %swap3A_81 = vector.shape_cast %swap3A_80 : vector<1x16xf32> to vector<16xf32>
      %swap3A_82 = vector.shape_cast %broadcast_in_dim3A_77 : vector<16xf32> to vector<1x16xf32>
      tpu.vector_store %arg7[%swap3A_78, %swap3A_79], %swap3A_82 {strides = array<i32>} : memref<128x128xf32, #tpu.memory_space<vmem>>, vector<1x16xf32>,
      %broadcast_in_dim3A_83 = arith.constant 0.000000e+00 : f32
      %broadcast_in_dim3A_84 = vector.broadcast %broadcast_in_dim3A_83 : f32 to vector<16xf32>
      %swap3A_85 = arith.index_cast %scan3A_42 : i32 to index
      %swap3A_86 = arith.constant 96 : index
      %swap3A_87 = tpu.vector_load %arg7[%swap3A_85, %swap3A_86] {strides = array<i32>} : memref<128x128xf32, #tpu.memory_space<vmem>>, vector<1x16xf32>,
      %swap3A_88 = vector.shape_cast %swap3A_87 : vector<1x16xf32> to vector<16xf32>
      %swap3A_89 = vector.shape_cast %broadcast_in_dim3A_84 : vector<16xf32> to vector<1x16xf32>
      tpu.vector_store %arg7[%swap3A_85, %swap3A_86], %swap3A_89 {strides = array<i32>} : memref<128x128xf32, #tpu.memory_space<vmem>>, vector<1x16xf32>,
      %broadcast_in_dim3A_90 = arith.constant 0.000000e+00 : f32
      %broadcast_in_dim3A_91 = vector.broadcast %broadcast_in_dim3A_90 : f32 to vector<16xf32>
      %swap3A_92 = arith.index_cast %scan3A_42 : i32 to index
      %swap3A_93 = arith.constant 112 : index
      %swap3A_94 = tpu.vector_load %arg7[%swap3A_92, %swap3A_93] {strides = array<i32>} : memref<128x128xf32, #tpu.memory_space<vmem>>, vector<1x16xf32>,
      %swap3A_95 = vector.shape_cast %swap3A_94 : vector<1x16xf32> to vector<16xf32>
      %swap3A_96 = vector.shape_cast %broadcast_in_dim3A_91 : vector<16xf32> to vector<1x16xf32>
      tpu.vector_store %arg7[%swap3A_92, %swap3A_93], %swap3A_96 {strides = array<i32>} : memref<128x128xf32, #tpu.memory_space<vmem>>, vector<1x16xf32>,
    }
    %scan3A_5 = arith.constant 128 : i32
    %add3A = arith.constant 0 : i32
    %add3A_6 = arith.addi %mul3A_0, %add3A : i32
    "tpu.region"() ({
      %run_scoped3A = tpu.sem_alloc : memref<!tpu.dma_semaphore, #tpu.memory_space<semaphore_mem>>
      %dma_start3A = arith.constant 0 : i32
      %dma_start3A_42 = tpu.memref_slice %arg8[%add3A_6, %dma_start3A] : memref<10112x128xf32, #tpu.memory_space<vmem_shared>> -> memref<128x128xf32, #tpu.memory_space<vmem_shared>>
      %dma_start3A_43 = arith.constant 0 : i32
      %dma_start3A_44 = tpu.memref_slice %arg8[%add3A_6, %dma_start3A_43] : memref<10112x128xf32, #tpu.memory_space<vmem_shared>> -> memref<128x128xf32, #tpu.memory_space<vmem_shared>>
      tpu.enqueue_dma source(%arg7 : memref<128x128xf32, #tpu.memory_space<vmem>>) target(%dma_start3A_44 : memref<128x128xf32, #tpu.memory_space<vmem_shared>>) target_semaphore(%run_scoped3A : memref<!tpu.dma_semaphore, #tpu.memory_space<semaphore_mem>>)
      %dma_wait3A = arith.constant 0 : i32
      %dma_wait3A_45 = tpu.memref_slice %arg8[%add3A_6, %dma_wait3A] : memref<10112x128xf32, #tpu.memory_space<vmem_shared>> -> memref<128x128xf32, #tpu.memory_space<vmem_shared>>
      %dma_wait3A_46 = arith.constant 0 : i32
      %dma_wait3A_47 = tpu.memref_slice %arg8[%add3A_6, %dma_wait3A_46] : memref<10112x128xf32, #tpu.memory_space<vmem_shared>> -> memref<128x128xf32, #tpu.memory_space<vmem_shared>>
      tpu.wait_dma2 semaphore(%run_scoped3A : memref<!tpu.dma_semaphore, #tpu.memory_space<semaphore_mem>>) src(%arg7 : memref<128x128xf32, #tpu.memory_space<vmem>>) dst(%dma_wait3A_47 : memref<128x128xf32, #tpu.memory_space<vmem_shared>>)
      tpu.yield
    }) : () -> ()
    %add3A_7 = arith.constant 128 : i32
    %add3A_8 = arith.addi %mul3A_0, %add3A_7 : i32
    "tpu.region"() ({
      %run_scoped3A = tpu.sem_alloc : memref<!tpu.dma_semaphore, #tpu.memory_space<semaphore_mem>>
      %dma_start3A = arith.constant 0 : i32
      %dma_start3A_42 = tpu.memref_slice %arg8[%add3A_8, %dma_start3A] : memref<10112x128xf32, #tpu.memory_space<vmem_shared>> -> memref<128x128xf32, #tpu.memory_space<vmem_shared>>
      %dma_start3A_43 = arith.constant 0 : i32
      %dma_start3A_44 = tpu.memref_slice %arg8[%add3A_8, %dma_start3A_43] : memref<10112x128xf32, #tpu.memory_space<vmem_shared>> -> memref<128x128xf32, #tpu.memory_space<vmem_shared>>
      tpu.enqueue_dma source(%arg7 : memref<128x128xf32, #tpu.memory_space<vmem>>) target(%dma_start3A_44 : memref<128x128xf32, #tpu.memory_space<vmem_shared>>) target_semaphore(%run_scoped3A : memref<!tpu.dma_semaphore, #tpu.memory_space<semaphore_mem>>)
      %dma_wait3A = arith.constant 0 : i32
      %dma_wait3A_45 = tpu.memref_slice %arg8[%add3A_8, %dma_wait3A] : memref<10112x128xf32, #tpu.memory_space<vmem_shared>> -> memref<128x128xf32, #tpu.memory_space<vmem_shared>>
      %dma_wait3A_46 = arith.constant 0 : i32
      %dma_wait3A_47 = tpu.memref_slice %arg8[%add3A_8, %dma_wait3A_46] : memref<10112x128xf32, #tpu.memory_space<vmem_shared>> -> memref<128x128xf32, #tpu.memory_space<vmem_shared>>
      tpu.wait_dma2 semaphore(%run_scoped3A : memref<!tpu.dma_semaphore, #tpu.memory_space<semaphore_mem>>) src(%arg7 : memref<128x128xf32, #tpu.memory_space<vmem>>) dst(%dma_wait3A_47 : memref<128x128xf32, #tpu.memory_space<vmem_shared>>)
      tpu.yield
    }) : () -> ()
    %add3A_9 = arith.constant 256 : i32
    %add3A_10 = arith.addi %mul3A_0, %add3A_9 : i32
    "tpu.region"() ({
      %run_scoped3A = tpu.sem_alloc : memref<!tpu.dma_semaphore, #tpu.memory_space<semaphore_mem>>
      %dma_start3A = arith.constant 0 : i32
      %dma_start3A_42 = tpu.memref_slice %arg8[%add3A_10, %dma_start3A] : memref<10112x128xf32, #tpu.memory_space<vmem_shared>> -> memref<128x128xf32, #tpu.memory_space<vmem_shared>>
      %dma_start3A_43 = arith.constant 0 : i32
      %dma_start3A_44 = tpu.memref_slice %arg8[%add3A_10, %dma_start3A_43] : memref<10112x128xf32, #tpu.memory_space<vmem_shared>> -> memref<128x128xf32, #tpu.memory_space<vmem_shared>>
      tpu.enqueue_dma source(%arg7 : memref<128x128xf32, #tpu.memory_space<vmem>>) target(%dma_start3A_44 : memref<128x128xf32, #tpu.memory_space<vmem_shared>>) target_semaphore(%run_scoped3A : memref<!tpu.dma_semaphore, #tpu.memory_space<semaphore_mem>>)
      %dma_wait3A = arith.constant 0 : i32
      %dma_wait3A_45 = tpu.memref_slice %arg8[%add3A_10, %dma_wait3A] : memref<10112x128xf32, #tpu.memory_space<vmem_shared>> -> memref<128x128xf32, #tpu.memory_space<vmem_shared>>
      %dma_wait3A_46 = arith.constant 0 : i32
      %dma_wait3A_47 = tpu.memref_slice %arg8[%add3A_10, %dma_wait3A_46] : memref<10112x128xf32, #tpu.memory_space<vmem_shared>> -> memref<128x128xf32, #tpu.memory_space<vmem_shared>>
      tpu.wait_dma2 semaphore(%run_scoped3A : memref<!tpu.dma_semaphore, #tpu.memory_space<semaphore_mem>>) src(%arg7 : memref<128x128xf32, #tpu.memory_space<vmem>>) dst(%dma_wait3A_47 : memref<128x128xf32, #tpu.memory_space<vmem_shared>>)
      tpu.yield
    }) : () -> ()
    %add3A_11 = arith.constant 384 : i32
    %add3A_12 = arith.addi %mul3A_0, %add3A_11 : i32
    "tpu.region"() ({
      %run_scoped3A = tpu.sem_alloc : memref<!tpu.dma_semaphore, #tpu.memory_space<semaphore_mem>>
      %dma_start3A = arith.constant 0 : i32
      %dma_start3A_42 = tpu.memref_slice %arg8[%add3A_12, %dma_start3A] : memref<10112x128xf32, #tpu.memory_space<vmem_shared>> -> memref<128x128xf32, #tpu.memory_space<vmem_shared>>
      %dma_start3A_43 = arith.constant 0 : i32
      %dma_start3A_44 = tpu.memref_slice %arg8[%add3A_12, %dma_start3A_43] : memref<10112x128xf32, #tpu.memory_space<vmem_shared>> -> memref<128x128xf32, #tpu.memory_space<vmem_shared>>
      tpu.enqueue_dma source(%arg7 : memref<128x128xf32, #tpu.memory_space<vmem>>) target(%dma_start3A_44 : memref<128x128xf32, #tpu.memory_space<vmem_shared>>) target_semaphore(%run_scoped3A : memref<!tpu.dma_semaphore, #tpu.memory_space<semaphore_mem>>)
      %dma_wait3A = arith.constant 0 : i32
      %dma_wait3A_45 = tpu.memref_slice %arg8[%add3A_12, %dma_wait3A] : memref<10112x128xf32, #tpu.memory_space<vmem_shared>> -> memref<128x128xf32, #tpu.memory_space<vmem_shared>>
      %dma_wait3A_46 = arith.constant 0 : i32
      %dma_wait3A_47 = tpu.memref_slice %arg8[%add3A_12, %dma_wait3A_46] : memref<10112x128xf32, #tpu.memory_space<vmem_shared>> -> memref<128x128xf32, #tpu.memory_space<vmem_shared>>
      tpu.wait_dma2 semaphore(%run_scoped3A : memref<!tpu.dma_semaphore, #tpu.memory_space<semaphore_mem>>) src(%arg7 : memref<128x128xf32, #tpu.memory_space<vmem>>) dst(%dma_wait3A_47 : memref<128x128xf32, #tpu.memory_space<vmem_shared>>)
      tpu.yield
    }) : () -> ()
    %add3A_13 = arith.constant 512 : i32
    %add3A_14 = arith.addi %mul3A_0, %add3A_13 : i32
    "tpu.region"() ({
      %run_scoped3A = tpu.sem_alloc : memref<!tpu.dma_semaphore, #tpu.memory_space<semaphore_mem>>
      %dma_start3A = arith.constant 0 : i32
      %dma_start3A_42 = arith.constant 0 : i32
      %dma_start3A_43 = tpu.memref_slice %arg7[%dma_start3A, %dma_start3A_42] : memref<128x128xf32, #tpu.memory_space<vmem>> -> memref<120x128xf32, #tpu.memory_space<vmem>>
      %dma_start3A_44 = arith.constant 0 : i32
      %dma_start3A_45 = tpu.memref_slice %arg8[%add3A_14, %dma_start3A_44] : memref<10112x128xf32, #tpu.memory_space<vmem_shared>> -> memref<120x128xf32, #tpu.memory_space<vmem_shared>>
      %dma_start3A_46 = arith.constant 0 : i32
      %dma_start3A_47 = tpu.memref_slice %arg8[%add3A_14, %dma_start3A_46] : memref<10112x128xf32, #tpu.memory_space<vmem_shared>> -> memref<120x128xf32, #tpu.memory_space<vmem_shared>>
      %dma_start3A_48 = arith.constant 0 : i32
      %dma_start3A_49 = arith.constant 0 : i32
      %dma_start3A_50 = tpu.memref_slice %arg7[%dma_start3A_48, %dma_start3A_49] : memref<128x128xf32, #tpu.memory_space<vmem>> -> memref<120x128xf32, #tpu.memory_space<vmem>>
      tpu.enqueue_dma source(%dma_start3A_50 : memref<120x128xf32, #tpu.memory_space<vmem>>) target(%dma_start3A_47 : memref<120x128xf32, #tpu.memory_space<vmem_shared>>) target_semaphore(%run_scoped3A : memref<!tpu.dma_semaphore, #tpu.memory_space<semaphore_mem>>)
      %dma_wait3A = arith.constant 0 : i32
      %dma_wait3A_51 = arith.constant 0 : i32
      %dma_wait3A_52 = tpu.memref_slice %arg7[%dma_wait3A, %dma_wait3A_51] : memref<128x128xf32, #tpu.memory_space<vmem>> -> memref<120x128xf32, #tpu.memory_space<vmem>>
      %dma_wait3A_53 = arith.constant 0 : i32
      %dma_wait3A_54 = tpu.memref_slice %arg8[%add3A_14, %dma_wait3A_53] : memref<10112x128xf32, #tpu.memory_space<vmem_shared>> -> memref<120x128xf32, #tpu.memory_space<vmem_shared>>
      %dma_wait3A_55 = arith.constant 0 : i32
      %dma_wait3A_56 = tpu.memref_slice %arg8[%add3A_14, %dma_wait3A_55] : memref<10112x128xf32, #tpu.memory_space<vmem_shared>> -> memref<120x128xf32, #tpu.memory_space<vmem_shared>>
      %dma_wait3A_57 = arith.constant 0 : i32
      %dma_wait3A_58 = arith.constant 0 : i32
      %dma_wait3A_59 = tpu.memref_slice %arg7[%dma_wait3A_57, %dma_wait3A_58] : memref<128x128xf32, #tpu.memory_space<vmem>> -> memref<120x128xf32, #tpu.memory_space<vmem>>
      tpu.wait_dma2 semaphore(%run_scoped3A : memref<!tpu.dma_semaphore, #tpu.memory_space<semaphore_mem>>) src(%dma_wait3A_59 : memref<120x128xf32, #tpu.memory_space<vmem>>) dst(%dma_wait3A_56 : memref<120x128xf32, #tpu.memory_space<vmem_shared>>)
      tpu.yield
    }) : () -> ()
    %barrier3A = arith.constant 0 : index
    tpu.barrier barrier_id(%barrier3A)
    %scan3A_15 = arith.constant 0 : i32
    %scan3A_16 = arith.constant 0 : i32
    %scan3A_17 = arith.constant 79 : i32
    %scan3A_18 = arith.addi %scan3A_16, %scan3A_17 : i32
    %scan3A_19 = arith.constant 1 : i32
    scf.for %scan3A_42 = %scan3A_16 to %scan3A_18 step %scan3A_19  : i32 {
      %mul3A_43 = arith.constant 79 : i32
      %mul3A_44 = arith.muli %arg1, %mul3A_43 : i32
      %add3A_45 = arith.addi %mul3A_44, %scan3A_42 : i32
      %lt3A = arith.constant 1250 : i32
      %lt3A_46 = arith.cmpi slt, %add3A_45, %lt3A : i32
      %convert_element_type3A = arith.extui %lt3A_46 : i1 to i32
      %cond3A = arith.constant 0 : i32
      %cond3A_47 = arith.cmpi ne, %convert_element_type3A, %cond3A : i32
      scf.if %cond3A_47 {
        %mul3A_48 = arith.constant 160000 : i32
        %mul3A_49 = arith.muli %arg0, %mul3A_48 : i32
        %mul3A_50 = arith.constant 128 : i32
        %mul3A_51 = arith.muli %add3A_45, %mul3A_50 : i32
        %add3A_52 = arith.addi %mul3A_49, %mul3A_51 : i32
        "tpu.region"() ({
          %run_scoped3A = tpu.sem_alloc : memref<!tpu.dma_semaphore, #tpu.memory_space<semaphore_mem>>
          %dma_start3A = tpu.memref_slice %arg4[%add3A_52] : memref<320000xi32, #tpu.memory_space<hbm>> -> memref<128xi32, #tpu.memory_space<hbm>>
          %dma_start3A_62 = tpu.memref_slice %arg4[%add3A_52] : memref<320000xi32, #tpu.memory_space<hbm>> -> memref<128xi32, #tpu.memory_space<hbm>>
          tpu.enqueue_dma source(%dma_start3A_62 : memref<128xi32, #tpu.memory_space<hbm>>) target(%arg6 : memref<128xi32, #tpu.memory_space<vmem>>) target_semaphore(%run_scoped3A : memref<!tpu.dma_semaphore, #tpu.memory_space<semaphore_mem>>)
          %dma_wait3A = tpu.memref_slice %arg4[%add3A_52] : memref<320000xi32, #tpu.memory_space<hbm>> -> memref<128xi32, #tpu.memory_space<hbm>>
          %dma_wait3A_63 = tpu.memref_slice %arg4[%add3A_52] : memref<320000xi32, #tpu.memory_space<hbm>> -> memref<128xi32, #tpu.memory_space<hbm>>
          tpu.wait_dma2 semaphore(%run_scoped3A : memref<!tpu.dma_semaphore, #tpu.memory_space<semaphore_mem>>) src(%dma_wait3A_63 : memref<128xi32, #tpu.memory_space<hbm>>) dst(%arg6 : memref<128xi32, #tpu.memory_space<vmem>>)
          tpu.yield
        }) : () -> ()
        %eq3A = arith.constant 0 : i32
        %eq3A_53 = arith.cmpi eq, %arg0, %eq3A : i32
        %convert_element_type3A_54 = arith.extui %eq3A_53 : i1 to i32
        %cond3A_55 = arith.constant 0 : i32
        %cond3A_56 = arith.cmpi ne, %convert_element_type3A_54, %cond3A_55 : i32
        scf.if %cond3A_56 {
          %mul3A_62 = arith.constant 128 : i32
          %mul3A_63 = arith.muli %add3A_45, %mul3A_62 : i32
          "tpu.region"() ({
            %run_scoped3A = tpu.sem_alloc : memref<!tpu.dma_semaphore, #tpu.memory_space<semaphore_mem>>
            %dma_start3A = arith.constant 0 : i32
            %dma_start3A_64 = tpu.memref_slice %arg2[%mul3A_63, %dma_start3A] : memref<160000x128xf32, #tpu.memory_space<hbm>> -> memref<128x128xf32, #tpu.memory_space<hbm>>
            %dma_start3A_65 = arith.constant 0 : i32
            %dma_start3A_66 = tpu.memref_slice %arg2[%mul3A_63, %dma_start3A_65] : memref<160000x128xf32, #tpu.memory_space<hbm>> -> memref<128x128xf32, #tpu.memory_space<hbm>>
            tpu.enqueue_dma source(%dma_start3A_66 : memref<128x128xf32, #tpu.memory_space<hbm>>) target(%arg7 : memref<128x128xf32, #tpu.memory_space<vmem>>) target_semaphore(%run_scoped3A : memref<!tpu.dma_semaphore, #tpu.memory_space<semaphore_mem>>)
            %dma_wait3A = arith.constant 0 : i32
            %dma_wait3A_67 = tpu.memref_slice %arg2[%mul3A_63, %dma_wait3A] : memref<160000x128xf32, #tpu.memory_space<hbm>> -> memref<128x128xf32, #tpu.memory_space<hbm>>
            %dma_wait3A_68 = arith.constant 0 : i32
            %dma_wait3A_69 = tpu.memref_slice %arg2[%mul3A_63, %dma_wait3A_68] : memref<160000x128xf32, #tpu.memory_space<hbm>> -> memref<128x128xf32, #tpu.memory_space<hbm>>
            tpu.wait_dma2 semaphore(%run_scoped3A : memref<!tpu.dma_semaphore, #tpu.memory_space<semaphore_mem>>) src(%dma_wait3A_69 : memref<128x128xf32, #tpu.memory_space<hbm>>) dst(%arg7 : memref<128x128xf32, #tpu.memory_space<vmem>>)
            tpu.yield
          }) : () -> ()
        } else {
        }
        %eq3A_57 = arith.constant 1 : i32
        %eq3A_58 = arith.cmpi eq, %arg0, %eq3A_57 : i32
        %convert_element_type3A_59 = arith.extui %eq3A_58 : i1 to i32
        %cond3A_60 = arith.constant 0 : i32
        %cond3A_61 = arith.cmpi ne, %convert_element_type3A_59, %cond3A_60 : i32
        scf.if %cond3A_61 {
          %mul3A_62 = arith.constant 128 : i32
          %mul3A_63 = arith.muli %add3A_45, %mul3A_62 : i32
          "tpu.region"() ({
            %run_scoped3A = tpu.sem_alloc : memref<!tpu.dma_semaphore, #tpu.memory_space<semaphore_mem>>
            %dma_start3A = arith.constant 0 : i32
            %dma_start3A_64 = tpu.memref_slice %arg3[%mul3A_63, %dma_start3A] : memref<160000x128xf32, #tpu.memory_space<hbm>> -> memref<128x128xf32, #tpu.memory_space<hbm>>
            %dma_start3A_65 = arith.constant 0 : i32
            %dma_start3A_66 = tpu.memref_slice %arg3[%mul3A_63, %dma_start3A_65] : memref<160000x128xf32, #tpu.memory_space<hbm>> -> memref<128x128xf32, #tpu.memory_space<hbm>>
            tpu.enqueue_dma source(%dma_start3A_66 : memref<128x128xf32, #tpu.memory_space<hbm>>) target(%arg7 : memref<128x128xf32, #tpu.memory_space<vmem>>) target_semaphore(%run_scoped3A : memref<!tpu.dma_semaphore, #tpu.memory_space<semaphore_mem>>)
            %dma_wait3A = arith.constant 0 : i32
            %dma_wait3A_67 = tpu.memref_slice %arg3[%mul3A_63, %dma_wait3A] : memref<160000x128xf32, #tpu.memory_space<hbm>> -> memref<128x128xf32, #tpu.memory_space<hbm>>
            %dma_wait3A_68 = arith.constant 0 : i32
            %dma_wait3A_69 = tpu.memref_slice %arg3[%mul3A_63, %dma_wait3A_68] : memref<160000x128xf32, #tpu.memory_space<hbm>> -> memref<128x128xf32, #tpu.memory_space<hbm>>
            tpu.wait_dma2 semaphore(%run_scoped3A : memref<!tpu.dma_semaphore, #tpu.memory_space<semaphore_mem>>) src(%dma_wait3A_69 : memref<128x128xf32, #tpu.memory_space<hbm>>) dst(%arg7 : memref<128x128xf32, #tpu.memory_space<vmem>>)
            tpu.yield
          }) : () -> ()
        } else {
        }
        "tpu.region"() ({
          %run_scoped3A = tpu.sem_alloc : memref<!tpu.dma_semaphore, #tpu.memory_space<semaphore_mem>>
          %dma_start3A = arith.constant 0 : i32
          %dma_start3A_62 = arith.constant 0 : i32
          %dma_start3A_63 = tpu.memref_slice %arg8[%dma_start3A, %dma_start3A_62] : memref<10112x128xf32, #tpu.memory_space<vmem_shared>> -> memref<10112x128xf32, #tpu.memory_space<vmem_shared>>
          tpu.enqueue_indirect_dma source(%arg7 : memref<128x128xf32, #tpu.memory_space<vmem>>) target(%dma_start3A_63 : memref<10112x128xf32, #tpu.memory_space<vmem_shared>>) offsets(%arg6 : memref<128xi32, #tpu.memory_space<vmem>>) semaphore(%run_scoped3A : memref<!tpu.dma_semaphore, #tpu.memory_space<semaphore_mem>>) {add = true}
          %dma_wait3A = arith.constant 0 : i32
          %dma_wait3A_64 = arith.constant 0 : i32
          %dma_wait3A_65 = tpu.memref_slice %arg8[%dma_wait3A, %dma_wait3A_64] : memref<10112x128xf32, #tpu.memory_space<vmem_shared>> -> memref<10112x128xf32, #tpu.memory_space<vmem_shared>>
          tpu.wait_indirect_dma semaphore(%run_scoped3A : memref<!tpu.dma_semaphore, #tpu.memory_space<semaphore_mem>>) src(%arg7 : memref<128x128xf32, #tpu.memory_space<vmem>>) dst(%dma_wait3A_65 : memref<10112x128xf32, #tpu.memory_space<vmem_shared>>)
          tpu.yield
        }) : () -> ()
      } else {
      }
    }
    %scan3A_20 = arith.constant 79 : i32
    %barrier3A_21 = arith.constant 0 : index
    tpu.barrier barrier_id(%barrier3A_21)
    %add3A_22 = arith.constant 0 : i32
    %add3A_23 = arith.addi %mul3A_0, %add3A_22 : i32
    %add3A_24 = arith.constant 0 : i32
    %add3A_25 = arith.addi %mul3A_0, %add3A_24 : i32
    "tpu.region"() ({
      %run_scoped3A = tpu.sem_alloc : memref<!tpu.dma_semaphore, #tpu.memory_space<semaphore_mem>>
      %dma_start3A = arith.constant 0 : i32
      %dma_start3A_42 = tpu.memref_slice %arg5[%arg0, %add3A_25, %dma_start3A] : memref<2x10112x128xf32, #tpu.memory_space<hbm>> -> memref<1x128x128xf32, #tpu.memory_space<hbm>>
      %dma_start3A_43 = tpu.memref_squeeze %dma_start3A_42 : memref<1x128x128xf32, #tpu.memory_space<hbm>> -> memref<128x128xf32, #tpu.memory_space<hbm>>
      %dma_start3A_44 = arith.constant 0 : i32
      %dma_start3A_45 = tpu.memref_slice %arg8[%add3A_23, %dma_start3A_44] : memref<10112x128xf32, #tpu.memory_space<vmem_shared>> -> memref<128x128xf32, #tpu.memory_space<vmem_shared>>
      tpu.enqueue_dma source(%dma_start3A_45 : memref<128x128xf32, #tpu.memory_space<vmem_shared>>) target(%dma_start3A_43 : memref<128x128xf32, #tpu.memory_space<hbm>>) target_semaphore(%run_scoped3A : memref<!tpu.dma_semaphore, #tpu.memory_space<semaphore_mem>>)
      %dma_wait3A = arith.constant 0 : i32
      %dma_wait3A_46 = tpu.memref_slice %arg5[%arg0, %add3A_25, %dma_wait3A] : memref<2x10112x128xf32, #tpu.memory_space<hbm>> -> memref<1x128x128xf32, #tpu.memory_space<hbm>>
      %dma_wait3A_47 = tpu.memref_squeeze %dma_wait3A_46 : memref<1x128x128xf32, #tpu.memory_space<hbm>> -> memref<128x128xf32, #tpu.memory_space<hbm>>
      %dma_wait3A_48 = arith.constant 0 : i32
      %dma_wait3A_49 = tpu.memref_slice %arg8[%add3A_23, %dma_wait3A_48] : memref<10112x128xf32, #tpu.memory_space<vmem_shared>> -> memref<128x128xf32, #tpu.memory_space<vmem_shared>>
      tpu.wait_dma2 semaphore(%run_scoped3A : memref<!tpu.dma_semaphore, #tpu.memory_space<semaphore_mem>>) src(%dma_wait3A_49 : memref<128x128xf32, #tpu.memory_space<vmem_shared>>) dst(%dma_wait3A_47 : memref<128x128xf32, #tpu.memory_space<hbm>>)
      tpu.yield
    }) : () -> ()
    %add3A_26 = arith.constant 128 : i32
    %add3A_27 = arith.addi %mul3A_0, %add3A_26 : i32
    %add3A_28 = arith.constant 128 : i32
    %add3A_29 = arith.addi %mul3A_0, %add3A_28 : i32
    "tpu.region"() ({
      %run_scoped3A = tpu.sem_alloc : memref<!tpu.dma_semaphore, #tpu.memory_space<semaphore_mem>>
      %dma_start3A = arith.constant 0 : i32
      %dma_start3A_42 = tpu.memref_slice %arg5[%arg0, %add3A_29, %dma_start3A] : memref<2x10112x128xf32, #tpu.memory_space<hbm>> -> memref<1x128x128xf32, #tpu.memory_space<hbm>>
      %dma_start3A_43 = tpu.memref_squeeze %dma_start3A_42 : memref<1x128x128xf32, #tpu.memory_space<hbm>> -> memref<128x128xf32, #tpu.memory_space<hbm>>
      %dma_start3A_44 = arith.constant 0 : i32
      %dma_start3A_45 = tpu.memref_slice %arg8[%add3A_27, %dma_start3A_44] : memref<10112x128xf32, #tpu.memory_space<vmem_shared>> -> memref<128x128xf32, #tpu.memory_space<vmem_shared>>
      tpu.enqueue_dma source(%dma_start3A_45 : memref<128x128xf32, #tpu.memory_space<vmem_shared>>) target(%dma_start3A_43 : memref<128x128xf32, #tpu.memory_space<hbm>>) target_semaphore(%run_scoped3A : memref<!tpu.dma_semaphore, #tpu.memory_space<semaphore_mem>>)
      %dma_wait3A = arith.constant 0 : i32
      %dma_wait3A_46 = tpu.memref_slice %arg5[%arg0, %add3A_29, %dma_wait3A] : memref<2x10112x128xf32, #tpu.memory_space<hbm>> -> memref<1x128x128xf32, #tpu.memory_space<hbm>>
      %dma_wait3A_47 = tpu.memref_squeeze %dma_wait3A_46 : memref<1x128x128xf32, #tpu.memory_space<hbm>> -> memref<128x128xf32, #tpu.memory_space<hbm>>
      %dma_wait3A_48 = arith.constant 0 : i32
      %dma_wait3A_49 = tpu.memref_slice %arg8[%add3A_27, %dma_wait3A_48] : memref<10112x128xf32, #tpu.memory_space<vmem_shared>> -> memref<128x128xf32, #tpu.memory_space<vmem_shared>>
      tpu.wait_dma2 semaphore(%run_scoped3A : memref<!tpu.dma_semaphore, #tpu.memory_space<semaphore_mem>>) src(%dma_wait3A_49 : memref<128x128xf32, #tpu.memory_space<vmem_shared>>) dst(%dma_wait3A_47 : memref<128x128xf32, #tpu.memory_space<hbm>>)
      tpu.yield
    }) : () -> ()
    %add3A_30 = arith.constant 256 : i32
    %add3A_31 = arith.addi %mul3A_0, %add3A_30 : i32
    %add3A_32 = arith.constant 256 : i32
    %add3A_33 = arith.addi %mul3A_0, %add3A_32 : i32
    "tpu.region"() ({
      %run_scoped3A = tpu.sem_alloc : memref<!tpu.dma_semaphore, #tpu.memory_space<semaphore_mem>>
      %dma_start3A = arith.constant 0 : i32
      %dma_start3A_42 = tpu.memref_slice %arg5[%arg0, %add3A_33, %dma_start3A] : memref<2x10112x128xf32, #tpu.memory_space<hbm>> -> memref<1x128x128xf32, #tpu.memory_space<hbm>>
      %dma_start3A_43 = tpu.memref_squeeze %dma_start3A_42 : memref<1x128x128xf32, #tpu.memory_space<hbm>> -> memref<128x128xf32, #tpu.memory_space<hbm>>
      %dma_start3A_44 = arith.constant 0 : i32
      %dma_start3A_45 = tpu.memref_slice %arg8[%add3A_31, %dma_start3A_44] : memref<10112x128xf32, #tpu.memory_space<vmem_shared>> -> memref<128x128xf32, #tpu.memory_space<vmem_shared>>
      tpu.enqueue_dma source(%dma_start3A_45 : memref<128x128xf32, #tpu.memory_space<vmem_shared>>) target(%dma_start3A_43 : memref<128x128xf32, #tpu.memory_space<hbm>>) target_semaphore(%run_scoped3A : memref<!tpu.dma_semaphore, #tpu.memory_space<semaphore_mem>>)
      %dma_wait3A = arith.constant 0 : i32
      %dma_wait3A_46 = tpu.memref_slice %arg5[%arg0, %add3A_33, %dma_wait3A] : memref<2x10112x128xf32, #tpu.memory_space<hbm>> -> memref<1x128x128xf32, #tpu.memory_space<hbm>>
      %dma_wait3A_47 = tpu.memref_squeeze %dma_wait3A_46 : memref<1x128x128xf32, #tpu.memory_space<hbm>> -> memref<128x128xf32, #tpu.memory_space<hbm>>
      %dma_wait3A_48 = arith.constant 0 : i32
      %dma_wait3A_49 = tpu.memref_slice %arg8[%add3A_31, %dma_wait3A_48] : memref<10112x128xf32, #tpu.memory_space<vmem_shared>> -> memref<128x128xf32, #tpu.memory_space<vmem_shared>>
      tpu.wait_dma2 semaphore(%run_scoped3A : memref<!tpu.dma_semaphore, #tpu.memory_space<semaphore_mem>>) src(%dma_wait3A_49 : memref<128x128xf32, #tpu.memory_space<vmem_shared>>) dst(%dma_wait3A_47 : memref<128x128xf32, #tpu.memory_space<hbm>>)
      tpu.yield
    }) : () -> ()
    %add3A_34 = arith.constant 384 : i32
    %add3A_35 = arith.addi %mul3A_0, %add3A_34 : i32
    %add3A_36 = arith.constant 384 : i32
    %add3A_37 = arith.addi %mul3A_0, %add3A_36 : i32
    "tpu.region"() ({
      %run_scoped3A = tpu.sem_alloc : memref<!tpu.dma_semaphore, #tpu.memory_space<semaphore_mem>>
      %dma_start3A = arith.constant 0 : i32
      %dma_start3A_42 = tpu.memref_slice %arg5[%arg0, %add3A_37, %dma_start3A] : memref<2x10112x128xf32, #tpu.memory_space<hbm>> -> memref<1x128x128xf32, #tpu.memory_space<hbm>>
      %dma_start3A_43 = tpu.memref_squeeze %dma_start3A_42 : memref<1x128x128xf32, #tpu.memory_space<hbm>> -> memref<128x128xf32, #tpu.memory_space<hbm>>
      %dma_start3A_44 = arith.constant 0 : i32
      %dma_start3A_45 = tpu.memref_slice %arg8[%add3A_35, %dma_start3A_44] : memref<10112x128xf32, #tpu.memory_space<vmem_shared>> -> memref<128x128xf32, #tpu.memory_space<vmem_shared>>
      tpu.enqueue_dma source(%dma_start3A_45 : memref<128x128xf32, #tpu.memory_space<vmem_shared>>) target(%dma_start3A_43 : memref<128x128xf32, #tpu.memory_space<hbm>>) target_semaphore(%run_scoped3A : memref<!tpu.dma_semaphore, #tpu.memory_space<semaphore_mem>>)
      %dma_wait3A = arith.constant 0 : i32
      %dma_wait3A_46 = tpu.memref_slice %arg5[%arg0, %add3A_37, %dma_wait3A] : memref<2x10112x128xf32, #tpu.memory_space<hbm>> -> memref<1x128x128xf32, #tpu.memory_space<hbm>>
      %dma_wait3A_47 = tpu.memref_squeeze %dma_wait3A_46 : memref<1x128x128xf32, #tpu.memory_space<hbm>> -> memref<128x128xf32, #tpu.memory_space<hbm>>
      %dma_wait3A_48 = arith.constant 0 : i32
      %dma_wait3A_49 = tpu.memref_slice %arg8[%add3A_35, %dma_wait3A_48] : memref<10112x128xf32, #tpu.memory_space<vmem_shared>> -> memref<128x128xf32, #tpu.memory_space<vmem_shared>>
      tpu.wait_dma2 semaphore(%run_scoped3A : memref<!tpu.dma_semaphore, #tpu.memory_space<semaphore_mem>>) src(%dma_wait3A_49 : memref<128x128xf32, #tpu.memory_space<vmem_shared>>) dst(%dma_wait3A_47 : memref<128x128xf32, #tpu.memory_space<hbm>>)
      tpu.yield
    }) : () -> ()
    %add3A_38 = arith.constant 512 : i32
    %add3A_39 = arith.addi %mul3A_0, %add3A_38 : i32
    %add3A_40 = arith.constant 512 : i32
    %add3A_41 = arith.addi %mul3A_0, %add3A_40 : i32
    "tpu.region"() ({
      %run_scoped3A = tpu.sem_alloc : memref<!tpu.dma_semaphore, #tpu.memory_space<semaphore_mem>>
      %dma_start3A = arith.constant 0 : i32
      %dma_start3A_42 = tpu.memref_slice %arg5[%arg0, %add3A_41, %dma_start3A] : memref<2x10112x128xf32, #tpu.memory_space<hbm>> -> memref<1x120x128xf32, #tpu.memory_space<hbm>>
      %dma_start3A_43 = tpu.memref_squeeze %dma_start3A_42 : memref<1x120x128xf32, #tpu.memory_space<hbm>> -> memref<120x128xf32, #tpu.memory_space<hbm>>
      %dma_start3A_44 = arith.constant 0 : i32
      %dma_start3A_45 = tpu.memref_slice %arg8[%add3A_39, %dma_start3A_44] : memref<10112x128xf32, #tpu.memory_space<vmem_shared>> -> memref<120x128xf32, #tpu.memory_space<vmem_shared>>
      tpu.enqueue_dma source(%dma_start3A_45 : memref<120x128xf32, #tpu.memory_space<vmem_shared>>) target(%dma_start3A_43 : memref<120x128xf32, #tpu.memory_space<hbm>>) target_semaphore(%run_scoped3A : memref<!tpu.dma_semaphore, #tpu.memory_space<semaphore_mem>>)
      %dma_wait3A = arith.constant 0 : i32
      %dma_wait3A_46 = tpu.memref_slice %arg5[%arg0, %add3A_41, %dma_wait3A] : memref<2x10112x128xf32, #tpu.memory_space<hbm>> -> memref<1x120x128xf32, #tpu.memory_space<hbm>>
      %dma_wait3A_47 = tpu.memref_squeeze %dma_wait3A_46 : memref<1x120x128xf32, #tpu.memory_space<hbm>> -> memref<120x128xf32, #tpu.memory_space<hbm>>
      %dma_wait3A_48 = arith.constant 0 : i32
      %dma_wait3A_49 = tpu.memref_slice %arg8[%add3A_39, %dma_wait3A_48] : memref<10112x128xf32, #tpu.memory_space<vmem_shared>> -> memref<120x128xf32, #tpu.memory_space<vmem_shared>>
      tpu.wait_dma2 semaphore(%run_scoped3A : memref<!tpu.dma_semaphore, #tpu.memory_space<semaphore_mem>>) src(%dma_wait3A_49 : memref<120x128xf32, #tpu.memory_space<vmem_shared>>) dst(%dma_wait3A_47 : memref<120x128xf32, #tpu.memory_space<hbm>>)
      tpu.yield
    }) : () -> ()
    return
  }
}

#map = affine_map<(d0, d1) -> (0, 0)>
#map1 = affine_map<(d0, d1) -> (0)>
module attributes {stable_mosaic.version = 14 : i64} {
  func.func @_lambda_(%arg0: i32, %arg1: i32, %arg2: memref<10000x128xf32, #tpu.memory_space<hbm>>, %arg3: memref<10000x128xf32, #tpu.memory_space<hbm>>, %arg4: memref<10000x128xf32, #tpu.memory_space<hbm>>, %arg5: memref<160000xi32, #tpu.memory_space<hbm>>, %arg6: memref<160000xi32, #tpu.memory_space<hbm>>, %arg7: memref<160000x128xf32, #tpu.memory_space<hbm>>, %arg8: memref<160000x128xf32, #tpu.memory_space<hbm>>, %arg9: memref<160000x128xf32, #tpu.memory_space<hbm>>, %arg10: memref<128xi32, #tpu.memory_space<vmem>>, %arg11: memref<128xi32, #tpu.memory_space<vmem>>, %arg12: memref<128xi32, #tpu.memory_space<vmem>>, %arg13: memref<128xi32, #tpu.memory_space<vmem>>, %arg14: memref<128x128xf32, #tpu.memory_space<vmem>>, %arg15: memref<128x128xf32, #tpu.memory_space<vmem>>, %arg16: memref<128x128xf32, #tpu.memory_space<vmem>>, %arg17: memref<128x128xf32, #tpu.memory_space<vmem>>, %arg18: memref<128x128xf32, #tpu.memory_space<vmem>>, %arg19: memref<128x128xf32, #tpu.memory_space<vmem>>, %arg20: memref<!tpu.dma_semaphore, #tpu.memory_space<semaphore_mem>>, %arg21: memref<!tpu.dma_semaphore, #tpu.memory_space<semaphore_mem>>) attributes {dimension_semantics = [#tpu.dimension_semantics<core_parallel>, #tpu.dimension_semantics<subcore_parallel>], iteration_bounds = array<i64: 2, 16>, scalar_prefetch = 0 : i64, scratch_operands = 12 : i64, tpu.core_type = #tpu.core_type<sc_vector_subcore>, window_params = [{transform_indices = #map}, {transform_indices = #map}, {transform_indices = #map}, {transform_indices = #map1}, {transform_indices = #map1}, {transform_indices = #map}, {transform_indices = #map}, {transform_indices = #map}]} {
    %mul3A = arith.constant 2 : i32
    %mul3A_0 = arith.muli %arg1, %mul3A : i32
    %add3A = arith.addi %mul3A_0, %arg0 : i32
    %scan3A = arith.constant 0 : i32
    %scan3A_1 = arith.constant 0 : i32
    %scan3A_2 = arith.constant 20 : i32
    %scan3A_3 = arith.addi %scan3A_1, %scan3A_2 : i32
    %scan3A_4 = arith.constant 1 : i32
    scf.for %scan3A_6 = %scan3A_1 to %scan3A_3 step %scan3A_4  : i32 {
      %mul3A_7 = arith.constant 40 : i32
      %mul3A_8 = arith.muli %add3A, %mul3A_7 : i32
      %mul3A_9 = arith.constant 2 : i32
      %mul3A_10 = arith.muli %mul3A_9, %scan3A_6 : i32
      %add3A_11 = arith.addi %mul3A_8, %mul3A_10 : i32
      %mul3A_12 = arith.constant 40 : i32
      %mul3A_13 = arith.muli %add3A, %mul3A_12 : i32
      %mul3A_14 = arith.constant 2 : i32
      %mul3A_15 = arith.muli %mul3A_14, %scan3A_6 : i32
      %add3A_16 = arith.addi %mul3A_13, %mul3A_15 : i32
      %add3A_17 = arith.constant 1 : i32
      %add3A_18 = arith.addi %add3A_16, %add3A_17 : i32
      %mul3A_19 = arith.constant 2 : i32
      %mul3A_20 = arith.muli %mul3A_19, %scan3A_6 : i32
      %lt3A = arith.constant 40 : i32
      %lt3A_21 = arith.cmpi slt, %mul3A_20, %lt3A : i32
      %lt3A_22 = arith.constant 1250 : i32
      %lt3A_23 = arith.cmpi slt, %add3A_11, %lt3A_22 : i32
      %and3A = arith.andi %lt3A_21, %lt3A_23 : i1
      %mul3A_24 = arith.constant 2 : i32
      %mul3A_25 = arith.muli %mul3A_24, %scan3A_6 : i32
      %add3A_26 = arith.constant 1 : i32
      %add3A_27 = arith.addi %mul3A_25, %add3A_26 : i32
      %lt3A_28 = arith.constant 40 : i32
      %lt3A_29 = arith.cmpi slt, %add3A_27, %lt3A_28 : i32
      %lt3A_30 = arith.constant 1250 : i32
      %lt3A_31 = arith.cmpi slt, %add3A_18, %lt3A_30 : i32
      %and3A_32 = arith.andi %lt3A_29, %lt3A_31 : i1
      %convert_element_type3A = arith.extui %and3A : i1 to i32
      %cond3A = arith.constant 0 : i32
      %cond3A_33 = arith.cmpi ne, %convert_element_type3A, %cond3A : i32
      scf.if %cond3A_33 {
        %mul3A_49 = arith.constant 128 : i32
        %mul3A_50 = arith.muli %add3A_11, %mul3A_49 : i32
        "tpu.region"() ({
          %run_scoped3A = tpu.sem_alloc : memref<!tpu.dma_semaphore, #tpu.memory_space<semaphore_mem>>
          %dma_start3A_59 = tpu.memref_slice %arg6[%mul3A_50] : memref<160000xi32, #tpu.memory_space<hbm>> -> memref<128xi32, #tpu.memory_space<hbm>>
          %dma_start3A_60 = tpu.memref_slice %arg6[%mul3A_50] : memref<160000xi32, #tpu.memory_space<hbm>> -> memref<128xi32, #tpu.memory_space<hbm>>
          tpu.enqueue_dma source(%dma_start3A_60 : memref<128xi32, #tpu.memory_space<hbm>>) target(%arg10 : memref<128xi32, #tpu.memory_space<vmem>>) target_semaphore(%run_scoped3A : memref<!tpu.dma_semaphore, #tpu.memory_space<semaphore_mem>>)
          %dma_wait3A = tpu.memref_slice %arg6[%mul3A_50] : memref<160000xi32, #tpu.memory_space<hbm>> -> memref<128xi32, #tpu.memory_space<hbm>>
          %dma_wait3A_61 = tpu.memref_slice %arg6[%mul3A_50] : memref<160000xi32, #tpu.memory_space<hbm>> -> memref<128xi32, #tpu.memory_space<hbm>>
          tpu.wait_dma2 semaphore(%run_scoped3A : memref<!tpu.dma_semaphore, #tpu.memory_space<semaphore_mem>>) src(%dma_wait3A_61 : memref<128xi32, #tpu.memory_space<hbm>>) dst(%arg10 : memref<128xi32, #tpu.memory_space<vmem>>)
          tpu.yield
        }) : () -> ()
        "tpu.region"() ({
          %run_scoped3A = tpu.sem_alloc : memref<!tpu.dma_semaphore, #tpu.memory_space<semaphore_mem>>
          %dma_start3A_59 = tpu.memref_slice %arg5[%mul3A_50] : memref<160000xi32, #tpu.memory_space<hbm>> -> memref<128xi32, #tpu.memory_space<hbm>>
          %dma_start3A_60 = tpu.memref_slice %arg5[%mul3A_50] : memref<160000xi32, #tpu.memory_space<hbm>> -> memref<128xi32, #tpu.memory_space<hbm>>
          tpu.enqueue_dma source(%dma_start3A_60 : memref<128xi32, #tpu.memory_space<hbm>>) target(%arg11 : memref<128xi32, #tpu.memory_space<vmem>>) target_semaphore(%run_scoped3A : memref<!tpu.dma_semaphore, #tpu.memory_space<semaphore_mem>>)
          %dma_wait3A = tpu.memref_slice %arg5[%mul3A_50] : memref<160000xi32, #tpu.memory_space<hbm>> -> memref<128xi32, #tpu.memory_space<hbm>>
          %dma_wait3A_61 = tpu.memref_slice %arg5[%mul3A_50] : memref<160000xi32, #tpu.memory_space<hbm>> -> memref<128xi32, #tpu.memory_space<hbm>>
          tpu.wait_dma2 semaphore(%run_scoped3A : memref<!tpu.dma_semaphore, #tpu.memory_space<semaphore_mem>>) src(%dma_wait3A_61 : memref<128xi32, #tpu.memory_space<hbm>>) dst(%arg11 : memref<128xi32, #tpu.memory_space<vmem>>)
          tpu.yield
        }) : () -> ()
        %dma_start3A = arith.constant 0 : i32
        %dma_start3A_51 = arith.constant 0 : i32
        %dma_start3A_52 = tpu.memref_slice %arg2[%dma_start3A, %dma_start3A_51] : memref<10000x128xf32, #tpu.memory_space<hbm>> -> memref<10000x128xf32, #tpu.memory_space<hbm>>
        tpu.enqueue_indirect_dma source(%dma_start3A_52 : memref<10000x128xf32, #tpu.memory_space<hbm>>) target(%arg14 : memref<128x128xf32, #tpu.memory_space<vmem>>) offsets(%arg10 : memref<128xi32, #tpu.memory_space<vmem>>) semaphore(%arg20 : memref<!tpu.dma_semaphore, #tpu.memory_space<semaphore_mem>>)
        %dma_start3A_53 = arith.constant 0 : i32
        %dma_start3A_54 = arith.constant 0 : i32
        %dma_start3A_55 = tpu.memref_slice %arg3[%dma_start3A_53, %dma_start3A_54] : memref<10000x128xf32, #tpu.memory_space<hbm>> -> memref<10000x128xf32, #tpu.memory_space<hbm>>
        tpu.enqueue_indirect_dma source(%dma_start3A_55 : memref<10000x128xf32, #tpu.memory_space<hbm>>) target(%arg15 : memref<128x128xf32, #tpu.memory_space<vmem>>) offsets(%arg11 : memref<128xi32, #tpu.memory_space<vmem>>) semaphore(%arg20 : memref<!tpu.dma_semaphore, #tpu.memory_space<semaphore_mem>>)
        %dma_start3A_56 = arith.constant 0 : i32
        %dma_start3A_57 = arith.constant 0 : i32
        %dma_start3A_58 = tpu.memref_slice %arg4[%dma_start3A_56, %dma_start3A_57] : memref<10000x128xf32, #tpu.memory_space<hbm>> -> memref<10000x128xf32, #tpu.memory_space<hbm>>
        tpu.enqueue_indirect_dma source(%dma_start3A_58 : memref<10000x128xf32, #tpu.memory_space<hbm>>) target(%arg16 : memref<128x128xf32, #tpu.memory_space<vmem>>) offsets(%arg11 : memref<128xi32, #tpu.memory_space<vmem>>) semaphore(%arg20 : memref<!tpu.dma_semaphore, #tpu.memory_space<semaphore_mem>>)
      } else {
      }
      %convert_element_type3A_34 = arith.extui %and3A_32 : i1 to i32
      %cond3A_35 = arith.constant 0 : i32
      %cond3A_36 = arith.cmpi ne, %convert_element_type3A_34, %cond3A_35 : i32
      scf.if %cond3A_36 {
        %mul3A_49 = arith.constant 128 : i32
        %mul3A_50 = arith.muli %add3A_18, %mul3A_49 : i32
        "tpu.region"() ({
          %run_scoped3A = tpu.sem_alloc : memref<!tpu.dma_semaphore, #tpu.memory_space<semaphore_mem>>
          %dma_start3A_59 = tpu.memref_slice %arg6[%mul3A_50] : memref<160000xi32, #tpu.memory_space<hbm>> -> memref<128xi32, #tpu.memory_space<hbm>>
          %dma_start3A_60 = tpu.memref_slice %arg6[%mul3A_50] : memref<160000xi32, #tpu.memory_space<hbm>> -> memref<128xi32, #tpu.memory_space<hbm>>
          tpu.enqueue_dma source(%dma_start3A_60 : memref<128xi32, #tpu.memory_space<hbm>>) target(%arg12 : memref<128xi32, #tpu.memory_space<vmem>>) target_semaphore(%run_scoped3A : memref<!tpu.dma_semaphore, #tpu.memory_space<semaphore_mem>>)
          %dma_wait3A = tpu.memref_slice %arg6[%mul3A_50] : memref<160000xi32, #tpu.memory_space<hbm>> -> memref<128xi32, #tpu.memory_space<hbm>>
          %dma_wait3A_61 = tpu.memref_slice %arg6[%mul3A_50] : memref<160000xi32, #tpu.memory_space<hbm>> -> memref<128xi32, #tpu.memory_space<hbm>>
          tpu.wait_dma2 semaphore(%run_scoped3A : memref<!tpu.dma_semaphore, #tpu.memory_space<semaphore_mem>>) src(%dma_wait3A_61 : memref<128xi32, #tpu.memory_space<hbm>>) dst(%arg12 : memref<128xi32, #tpu.memory_space<vmem>>)
          tpu.yield
        }) : () -> ()
        "tpu.region"() ({
          %run_scoped3A = tpu.sem_alloc : memref<!tpu.dma_semaphore, #tpu.memory_space<semaphore_mem>>
          %dma_start3A_59 = tpu.memref_slice %arg5[%mul3A_50] : memref<160000xi32, #tpu.memory_space<hbm>> -> memref<128xi32, #tpu.memory_space<hbm>>
          %dma_start3A_60 = tpu.memref_slice %arg5[%mul3A_50] : memref<160000xi32, #tpu.memory_space<hbm>> -> memref<128xi32, #tpu.memory_space<hbm>>
          tpu.enqueue_dma source(%dma_start3A_60 : memref<128xi32, #tpu.memory_space<hbm>>) target(%arg13 : memref<128xi32, #tpu.memory_space<vmem>>) target_semaphore(%run_scoped3A : memref<!tpu.dma_semaphore, #tpu.memory_space<semaphore_mem>>)
          %dma_wait3A = tpu.memref_slice %arg5[%mul3A_50] : memref<160000xi32, #tpu.memory_space<hbm>> -> memref<128xi32, #tpu.memory_space<hbm>>
          %dma_wait3A_61 = tpu.memref_slice %arg5[%mul3A_50] : memref<160000xi32, #tpu.memory_space<hbm>> -> memref<128xi32, #tpu.memory_space<hbm>>
          tpu.wait_dma2 semaphore(%run_scoped3A : memref<!tpu.dma_semaphore, #tpu.memory_space<semaphore_mem>>) src(%dma_wait3A_61 : memref<128xi32, #tpu.memory_space<hbm>>) dst(%arg13 : memref<128xi32, #tpu.memory_space<vmem>>)
          tpu.yield
        }) : () -> ()
        %dma_start3A = arith.constant 0 : i32
        %dma_start3A_51 = arith.constant 0 : i32
        %dma_start3A_52 = tpu.memref_slice %arg2[%dma_start3A, %dma_start3A_51] : memref<10000x128xf32, #tpu.memory_space<hbm>> -> memref<10000x128xf32, #tpu.memory_space<hbm>>
        tpu.enqueue_indirect_dma source(%dma_start3A_52 : memref<10000x128xf32, #tpu.memory_space<hbm>>) target(%arg17 : memref<128x128xf32, #tpu.memory_space<vmem>>) offsets(%arg12 : memref<128xi32, #tpu.memory_space<vmem>>) semaphore(%arg20 : memref<!tpu.dma_semaphore, #tpu.memory_space<semaphore_mem>>)
        %dma_start3A_53 = arith.constant 0 : i32
        %dma_start3A_54 = arith.constant 0 : i32
        %dma_start3A_55 = tpu.memref_slice %arg3[%dma_start3A_53, %dma_start3A_54] : memref<10000x128xf32, #tpu.memory_space<hbm>> -> memref<10000x128xf32, #tpu.memory_space<hbm>>
        tpu.enqueue_indirect_dma source(%dma_start3A_55 : memref<10000x128xf32, #tpu.memory_space<hbm>>) target(%arg18 : memref<128x128xf32, #tpu.memory_space<vmem>>) offsets(%arg13 : memref<128xi32, #tpu.memory_space<vmem>>) semaphore(%arg20 : memref<!tpu.dma_semaphore, #tpu.memory_space<semaphore_mem>>)
        %dma_start3A_56 = arith.constant 0 : i32
        %dma_start3A_57 = arith.constant 0 : i32
        %dma_start3A_58 = tpu.memref_slice %arg4[%dma_start3A_56, %dma_start3A_57] : memref<10000x128xf32, #tpu.memory_space<hbm>> -> memref<10000x128xf32, #tpu.memory_space<hbm>>
        tpu.enqueue_indirect_dma source(%dma_start3A_58 : memref<10000x128xf32, #tpu.memory_space<hbm>>) target(%arg19 : memref<128x128xf32, #tpu.memory_space<vmem>>) offsets(%arg13 : memref<128xi32, #tpu.memory_space<vmem>>) semaphore(%arg20 : memref<!tpu.dma_semaphore, #tpu.memory_space<semaphore_mem>>)
      } else {
      }
      %convert_element_type3A_37 = arith.extui %and3A : i1 to i32
      %cond3A_38 = arith.constant 0 : i32
      %cond3A_39 = arith.cmpi ne, %convert_element_type3A_37, %cond3A_38 : i32
      scf.if %cond3A_39 {
        %mul3A_49 = arith.constant 128 : i32
        %mul3A_50 = arith.muli %add3A_11, %mul3A_49 : i32
        %dma_wait3A = arith.constant 0 : i32
        %dma_wait3A_51 = arith.constant 0 : i32
        %dma_wait3A_52 = tpu.memref_slice %arg2[%dma_wait3A, %dma_wait3A_51] : memref<10000x128xf32, #tpu.memory_space<hbm>> -> memref<10000x128xf32, #tpu.memory_space<hbm>>
        tpu.wait_indirect_dma semaphore(%arg20 : memref<!tpu.dma_semaphore, #tpu.memory_space<semaphore_mem>>) src(%dma_wait3A_52 : memref<10000x128xf32, #tpu.memory_space<hbm>>) dst(%arg14 : memref<128x128xf32, #tpu.memory_space<vmem>>)
        %dma_wait3A_53 = arith.constant 0 : i32
        %dma_wait3A_54 = arith.constant 0 : i32
        %dma_wait3A_55 = tpu.memref_slice %arg3[%dma_wait3A_53, %dma_wait3A_54] : memref<10000x128xf32, #tpu.memory_space<hbm>> -> memref<10000x128xf32, #tpu.memory_space<hbm>>
        tpu.wait_indirect_dma semaphore(%arg20 : memref<!tpu.dma_semaphore, #tpu.memory_space<semaphore_mem>>) src(%dma_wait3A_55 : memref<10000x128xf32, #tpu.memory_space<hbm>>) dst(%arg15 : memref<128x128xf32, #tpu.memory_space<vmem>>)
        %dma_wait3A_56 = arith.constant 0 : i32
        %dma_wait3A_57 = arith.constant 0 : i32
        %dma_wait3A_58 = tpu.memref_slice %arg4[%dma_wait3A_56, %dma_wait3A_57] : memref<10000x128xf32, #tpu.memory_space<hbm>> -> memref<10000x128xf32, #tpu.memory_space<hbm>>
        tpu.wait_indirect_dma semaphore(%arg20 : memref<!tpu.dma_semaphore, #tpu.memory_space<semaphore_mem>>) src(%dma_wait3A_58 : memref<10000x128xf32, #tpu.memory_space<hbm>>) dst(%arg16 : memref<128x128xf32, #tpu.memory_space<vmem>>)
        %dma_start3A = arith.constant 0 : i32
        %dma_start3A_59 = tpu.memref_slice %arg7[%mul3A_50, %dma_start3A] : memref<160000x128xf32, #tpu.memory_space<hbm>> -> memref<128x128xf32, #tpu.memory_space<hbm>>
        %dma_start3A_60 = arith.constant 0 : i32
        %dma_start3A_61 = tpu.memref_slice %arg7[%mul3A_50, %dma_start3A_60] : memref<160000x128xf32, #tpu.memory_space<hbm>> -> memref<128x128xf32, #tpu.memory_space<hbm>>
        tpu.enqueue_dma source(%arg14 : memref<128x128xf32, #tpu.memory_space<vmem>>) target(%dma_start3A_61 : memref<128x128xf32, #tpu.memory_space<hbm>>) target_semaphore(%arg21 : memref<!tpu.dma_semaphore, #tpu.memory_space<semaphore_mem>>)
        %dma_start3A_62 = arith.constant 0 : i32
        %dma_start3A_63 = tpu.memref_slice %arg8[%mul3A_50, %dma_start3A_62] : memref<160000x128xf32, #tpu.memory_space<hbm>> -> memref<128x128xf32, #tpu.memory_space<hbm>>
        %dma_start3A_64 = arith.constant 0 : i32
        %dma_start3A_65 = tpu.memref_slice %arg8[%mul3A_50, %dma_start3A_64] : memref<160000x128xf32, #tpu.memory_space<hbm>> -> memref<128x128xf32, #tpu.memory_space<hbm>>
        tpu.enqueue_dma source(%arg15 : memref<128x128xf32, #tpu.memory_space<vmem>>) target(%dma_start3A_65 : memref<128x128xf32, #tpu.memory_space<hbm>>) target_semaphore(%arg21 : memref<!tpu.dma_semaphore, #tpu.memory_space<semaphore_mem>>)
        %dma_start3A_66 = arith.constant 0 : i32
        %dma_start3A_67 = tpu.memref_slice %arg9[%mul3A_50, %dma_start3A_66] : memref<160000x128xf32, #tpu.memory_space<hbm>> -> memref<128x128xf32, #tpu.memory_space<hbm>>
        %dma_start3A_68 = arith.constant 0 : i32
        %dma_start3A_69 = tpu.memref_slice %arg9[%mul3A_50, %dma_start3A_68] : memref<160000x128xf32, #tpu.memory_space<hbm>> -> memref<128x128xf32, #tpu.memory_space<hbm>>
        tpu.enqueue_dma source(%arg16 : memref<128x128xf32, #tpu.memory_space<vmem>>) target(%dma_start3A_69 : memref<128x128xf32, #tpu.memory_space<hbm>>) target_semaphore(%arg21 : memref<!tpu.dma_semaphore, #tpu.memory_space<semaphore_mem>>)
      } else {
      }
      %convert_element_type3A_40 = arith.extui %and3A_32 : i1 to i32
      %cond3A_41 = arith.constant 0 : i32
      %cond3A_42 = arith.cmpi ne, %convert_element_type3A_40, %cond3A_41 : i32
      scf.if %cond3A_42 {
        %mul3A_49 = arith.constant 128 : i32
        %mul3A_50 = arith.muli %add3A_18, %mul3A_49 : i32
        %dma_wait3A = arith.constant 0 : i32
        %dma_wait3A_51 = arith.constant 0 : i32
        %dma_wait3A_52 = tpu.memref_slice %arg2[%dma_wait3A, %dma_wait3A_51] : memref<10000x128xf32, #tpu.memory_space<hbm>> -> memref<10000x128xf32, #tpu.memory_space<hbm>>
        tpu.wait_indirect_dma semaphore(%arg20 : memref<!tpu.dma_semaphore, #tpu.memory_space<semaphore_mem>>) src(%dma_wait3A_52 : memref<10000x128xf32, #tpu.memory_space<hbm>>) dst(%arg17 : memref<128x128xf32, #tpu.memory_space<vmem>>)
        %dma_wait3A_53 = arith.constant 0 : i32
        %dma_wait3A_54 = arith.constant 0 : i32
        %dma_wait3A_55 = tpu.memref_slice %arg3[%dma_wait3A_53, %dma_wait3A_54] : memref<10000x128xf32, #tpu.memory_space<hbm>> -> memref<10000x128xf32, #tpu.memory_space<hbm>>
        tpu.wait_indirect_dma semaphore(%arg20 : memref<!tpu.dma_semaphore, #tpu.memory_space<semaphore_mem>>) src(%dma_wait3A_55 : memref<10000x128xf32, #tpu.memory_space<hbm>>) dst(%arg18 : memref<128x128xf32, #tpu.memory_space<vmem>>)
        %dma_wait3A_56 = arith.constant 0 : i32
        %dma_wait3A_57 = arith.constant 0 : i32
        %dma_wait3A_58 = tpu.memref_slice %arg4[%dma_wait3A_56, %dma_wait3A_57] : memref<10000x128xf32, #tpu.memory_space<hbm>> -> memref<10000x128xf32, #tpu.memory_space<hbm>>
        tpu.wait_indirect_dma semaphore(%arg20 : memref<!tpu.dma_semaphore, #tpu.memory_space<semaphore_mem>>) src(%dma_wait3A_58 : memref<10000x128xf32, #tpu.memory_space<hbm>>) dst(%arg19 : memref<128x128xf32, #tpu.memory_space<vmem>>)
        %dma_start3A = arith.constant 0 : i32
        %dma_start3A_59 = tpu.memref_slice %arg7[%mul3A_50, %dma_start3A] : memref<160000x128xf32, #tpu.memory_space<hbm>> -> memref<128x128xf32, #tpu.memory_space<hbm>>
        %dma_start3A_60 = arith.constant 0 : i32
        %dma_start3A_61 = tpu.memref_slice %arg7[%mul3A_50, %dma_start3A_60] : memref<160000x128xf32, #tpu.memory_space<hbm>> -> memref<128x128xf32, #tpu.memory_space<hbm>>
        tpu.enqueue_dma source(%arg17 : memref<128x128xf32, #tpu.memory_space<vmem>>) target(%dma_start3A_61 : memref<128x128xf32, #tpu.memory_space<hbm>>) target_semaphore(%arg21 : memref<!tpu.dma_semaphore, #tpu.memory_space<semaphore_mem>>)
        %dma_start3A_62 = arith.constant 0 : i32
        %dma_start3A_63 = tpu.memref_slice %arg8[%mul3A_50, %dma_start3A_62] : memref<160000x128xf32, #tpu.memory_space<hbm>> -> memref<128x128xf32, #tpu.memory_space<hbm>>
        %dma_start3A_64 = arith.constant 0 : i32
        %dma_start3A_65 = tpu.memref_slice %arg8[%mul3A_50, %dma_start3A_64] : memref<160000x128xf32, #tpu.memory_space<hbm>> -> memref<128x128xf32, #tpu.memory_space<hbm>>
        tpu.enqueue_dma source(%arg18 : memref<128x128xf32, #tpu.memory_space<vmem>>) target(%dma_start3A_65 : memref<128x128xf32, #tpu.memory_space<hbm>>) target_semaphore(%arg21 : memref<!tpu.dma_semaphore, #tpu.memory_space<semaphore_mem>>)
        %dma_start3A_66 = arith.constant 0 : i32
        %dma_start3A_67 = tpu.memref_slice %arg9[%mul3A_50, %dma_start3A_66] : memref<160000x128xf32, #tpu.memory_space<hbm>> -> memref<128x128xf32, #tpu.memory_space<hbm>>
        %dma_start3A_68 = arith.constant 0 : i32
        %dma_start3A_69 = tpu.memref_slice %arg9[%mul3A_50, %dma_start3A_68] : memref<160000x128xf32, #tpu.memory_space<hbm>> -> memref<128x128xf32, #tpu.memory_space<hbm>>
        tpu.enqueue_dma source(%arg19 : memref<128x128xf32, #tpu.memory_space<vmem>>) target(%dma_start3A_69 : memref<128x128xf32, #tpu.memory_space<hbm>>) target_semaphore(%arg21 : memref<!tpu.dma_semaphore, #tpu.memory_space<semaphore_mem>>)
      } else {
      }
      %convert_element_type3A_43 = arith.extui %and3A : i1 to i32
      %cond3A_44 = arith.constant 0 : i32
      %cond3A_45 = arith.cmpi ne, %convert_element_type3A_43, %cond3A_44 : i32
      scf.if %cond3A_45 {
        %mul3A_49 = arith.constant 128 : i32
        %mul3A_50 = arith.muli %add3A_11, %mul3A_49 : i32
        %dma_wait3A = arith.constant 0 : i32
        %dma_wait3A_51 = tpu.memref_slice %arg7[%mul3A_50, %dma_wait3A] : memref<160000x128xf32, #tpu.memory_space<hbm>> -> memref<128x128xf32, #tpu.memory_space<hbm>>
        %dma_wait3A_52 = arith.constant 0 : i32
        %dma_wait3A_53 = tpu.memref_slice %arg7[%mul3A_50, %dma_wait3A_52] : memref<160000x128xf32, #tpu.memory_space<hbm>> -> memref<128x128xf32, #tpu.memory_space<hbm>>
        tpu.wait_dma2 semaphore(%arg21 : memref<!tpu.dma_semaphore, #tpu.memory_space<semaphore_mem>>) src(%arg14 : memref<128x128xf32, #tpu.memory_space<vmem>>) dst(%dma_wait3A_53 : memref<128x128xf32, #tpu.memory_space<hbm>>)
        %dma_wait3A_54 = arith.constant 0 : i32
        %dma_wait3A_55 = tpu.memref_slice %arg8[%mul3A_50, %dma_wait3A_54] : memref<160000x128xf32, #tpu.memory_space<hbm>> -> memref<128x128xf32, #tpu.memory_space<hbm>>
        %dma_wait3A_56 = arith.constant 0 : i32
        %dma_wait3A_57 = tpu.memref_slice %arg8[%mul3A_50, %dma_wait3A_56] : memref<160000x128xf32, #tpu.memory_space<hbm>> -> memref<128x128xf32, #tpu.memory_space<hbm>>
        tpu.wait_dma2 semaphore(%arg21 : memref<!tpu.dma_semaphore, #tpu.memory_space<semaphore_mem>>) src(%arg15 : memref<128x128xf32, #tpu.memory_space<vmem>>) dst(%dma_wait3A_57 : memref<128x128xf32, #tpu.memory_space<hbm>>)
        %dma_wait3A_58 = arith.constant 0 : i32
        %dma_wait3A_59 = tpu.memref_slice %arg9[%mul3A_50, %dma_wait3A_58] : memref<160000x128xf32, #tpu.memory_space<hbm>> -> memref<128x128xf32, #tpu.memory_space<hbm>>
        %dma_wait3A_60 = arith.constant 0 : i32
        %dma_wait3A_61 = tpu.memref_slice %arg9[%mul3A_50, %dma_wait3A_60] : memref<160000x128xf32, #tpu.memory_space<hbm>> -> memref<128x128xf32, #tpu.memory_space<hbm>>
        tpu.wait_dma2 semaphore(%arg21 : memref<!tpu.dma_semaphore, #tpu.memory_space<semaphore_mem>>) src(%arg16 : memref<128x128xf32, #tpu.memory_space<vmem>>) dst(%dma_wait3A_61 : memref<128x128xf32, #tpu.memory_space<hbm>>)
      } else {
      }
      %convert_element_type3A_46 = arith.extui %and3A_32 : i1 to i32
      %cond3A_47 = arith.constant 0 : i32
      %cond3A_48 = arith.cmpi ne, %convert_element_type3A_46, %cond3A_47 : i32
      scf.if %cond3A_48 {
        %mul3A_49 = arith.constant 128 : i32
        %mul3A_50 = arith.muli %add3A_18, %mul3A_49 : i32
        %dma_wait3A = arith.constant 0 : i32
        %dma_wait3A_51 = tpu.memref_slice %arg7[%mul3A_50, %dma_wait3A] : memref<160000x128xf32, #tpu.memory_space<hbm>> -> memref<128x128xf32, #tpu.memory_space<hbm>>
        %dma_wait3A_52 = arith.constant 0 : i32
        %dma_wait3A_53 = tpu.memref_slice %arg7[%mul3A_50, %dma_wait3A_52] : memref<160000x128xf32, #tpu.memory_space<hbm>> -> memref<128x128xf32, #tpu.memory_space<hbm>>
        tpu.wait_dma2 semaphore(%arg21 : memref<!tpu.dma_semaphore, #tpu.memory_space<semaphore_mem>>) src(%arg17 : memref<128x128xf32, #tpu.memory_space<vmem>>) dst(%dma_wait3A_53 : memref<128x128xf32, #tpu.memory_space<hbm>>)
        %dma_wait3A_54 = arith.constant 0 : i32
        %dma_wait3A_55 = tpu.memref_slice %arg8[%mul3A_50, %dma_wait3A_54] : memref<160000x128xf32, #tpu.memory_space<hbm>> -> memref<128x128xf32, #tpu.memory_space<hbm>>
        %dma_wait3A_56 = arith.constant 0 : i32
        %dma_wait3A_57 = tpu.memref_slice %arg8[%mul3A_50, %dma_wait3A_56] : memref<160000x128xf32, #tpu.memory_space<hbm>> -> memref<128x128xf32, #tpu.memory_space<hbm>>
        tpu.wait_dma2 semaphore(%arg21 : memref<!tpu.dma_semaphore, #tpu.memory_space<semaphore_mem>>) src(%arg18 : memref<128x128xf32, #tpu.memory_space<vmem>>) dst(%dma_wait3A_57 : memref<128x128xf32, #tpu.memory_space<hbm>>)
        %dma_wait3A_58 = arith.constant 0 : i32
        %dma_wait3A_59 = tpu.memref_slice %arg9[%mul3A_50, %dma_wait3A_58] : memref<160000x128xf32, #tpu.memory_space<hbm>> -> memref<128x128xf32, #tpu.memory_space<hbm>>
        %dma_wait3A_60 = arith.constant 0 : i32
        %dma_wait3A_61 = tpu.memref_slice %arg9[%mul3A_50, %dma_wait3A_60] : memref<160000x128xf32, #tpu.memory_space<hbm>> -> memref<128x128xf32, #tpu.memory_space<hbm>>
        tpu.wait_dma2 semaphore(%arg21 : memref<!tpu.dma_semaphore, #tpu.memory_space<semaphore_mem>>) src(%arg19 : memref<128x128xf32, #tpu.memory_space<vmem>>) dst(%dma_wait3A_61 : memref<128x128xf32, #tpu.memory_space<hbm>>)
      } else {
      }
    }
    %scan3A_5 = arith.constant 20 : i32
    return
  }
}

module attributes {stable_mosaic.version = 14 : i64} {
  func.func @_p1_body(%arg0: i32, %arg1: memref<1000x128xf32, #tpu.memory_space<vmem>>, %arg2: memref<1x128xf32, #tpu.memory_space<vmem>>, %arg3: memref<1x128xf32, #tpu.memory_space<vmem>>, %arg4: memref<128x128xf32, #tpu.memory_space<vmem>>, %arg5: memref<1x128xf32, #tpu.memory_space<vmem>>, %arg6: memref<128x128xf32, #tpu.memory_space<vmem>>, %arg7: memref<1x128xf32, #tpu.memory_space<vmem>>, %arg8: memref<128x128xf32, #tpu.memory_space<vmem>>, %arg9: memref<1x128xf32, #tpu.memory_space<vmem>>, %arg10: memref<1000x128xf32, #tpu.memory_space<vmem>>, %arg11: memref<1000x128xf32, #tpu.memory_space<vmem>>, %arg12: memref<1000x128xf32, #tpu.memory_space<vmem>>, %arg13: memref<1x128xf32, #tpu.memory_space<vmem>>, %arg14: memref<16x128xf32, #tpu.memory_space<vmem>>) attributes {dimension_semantics = [#tpu.dimension_semantics<arbitrary>], iteration_bounds = array<i64: 10>, scalar_prefetch = 0 : i64, scratch_operands = 1 : i64, tpu.core_type = #tpu.core_type<tc>, window_params = [{transform_indices = @transform_0, window_bounds = array<i64: 1000, 128>}, {pipeline_mode = #tpu.pipeline_mode<synchronous>, transform_indices = @transform_1, window_bounds = array<i64: 1, 128>}, {pipeline_mode = #tpu.pipeline_mode<synchronous>, transform_indices = @transform_2, window_bounds = array<i64: 1, 128>}, {pipeline_mode = #tpu.pipeline_mode<synchronous>, transform_indices = @transform_3, window_bounds = array<i64: 128, 128>}, {pipeline_mode = #tpu.pipeline_mode<synchronous>, transform_indices = @transform_4, window_bounds = array<i64: 1, 128>}, {pipeline_mode = #tpu.pipeline_mode<synchronous>, transform_indices = @transform_5, window_bounds = array<i64: 128, 128>}, {pipeline_mode = #tpu.pipeline_mode<synchronous>, transform_indices = @transform_6, window_bounds = array<i64: 1, 128>}, {pipeline_mode = #tpu.pipeline_mode<synchronous>, transform_indices = @transform_7, window_bounds = array<i64: 128, 128>}, {pipeline_mode = #tpu.pipeline_mode<synchronous>, transform_indices = @transform_8, window_bounds = array<i64: 1, 128>}, {transform_indices = @transform_9, window_bounds = array<i64: 1000, 128>}, {transform_indices = @transform_10, window_bounds = array<i64: 1000, 128>}, {transform_indices = @transform_11, window_bounds = array<i64: 1000, 128>}, {pipeline_mode = #tpu.pipeline_mode<synchronous>, transform_indices = @transform_12, window_bounds = array<i64: 1, 128>}]} {
    %get3A = arith.constant 0 : index
    %get3A_0 = arith.constant 0 : index
    %get3A_1 = vector.load %arg1[%get3A, %get3A_0] : memref<1000x128xf32, #tpu.memory_space<vmem>>, vector<1000x128xf32>
    %get3A_2 = arith.constant 0 : index
    %get3A_3 = arith.constant 0 : index
    %get3A_4 = vector.load %arg2[%get3A_2, %get3A_3] : memref<1x128xf32, #tpu.memory_space<vmem>>, vector<1x128xf32>
    %get3A_5 = arith.constant 0 : index
    %get3A_6 = arith.constant 0 : index
    %get3A_7 = vector.load %arg3[%get3A_5, %get3A_6] : memref<1x128xf32, #tpu.memory_space<vmem>>, vector<1x128xf32>
    %slice3A = vector.extract_strided_slice %get3A_1 {offsets = [0, 0], sizes = [1000, 8], strides = [1, 1]} : vector<1000x128xf32> to vector<1000x8xf32>
    %slice3A_8 = vector.extract_strided_slice %get3A_1 {offsets = [0, 8], sizes = [1000, 8], strides = [1, 1]} : vector<1000x128xf32> to vector<1000x8xf32>
    %add3A = arith.addf %slice3A, %slice3A_8 : vector<1000x8xf32>
    %slice3A_9 = vector.extract_strided_slice %get3A_1 {offsets = [0, 16], sizes = [1000, 8], strides = [1, 1]} : vector<1000x128xf32> to vector<1000x8xf32>
    %add3A_10 = arith.addf %add3A, %slice3A_9 : vector<1000x8xf32>
    %slice3A_11 = vector.extract_strided_slice %get3A_1 {offsets = [0, 24], sizes = [1000, 8], strides = [1, 1]} : vector<1000x128xf32> to vector<1000x8xf32>
    %add3A_12 = arith.addf %add3A_10, %slice3A_11 : vector<1000x8xf32>
    %slice3A_13 = vector.extract_strided_slice %get3A_1 {offsets = [0, 32], sizes = [1000, 8], strides = [1, 1]} : vector<1000x128xf32> to vector<1000x8xf32>
    %add3A_14 = arith.addf %add3A_12, %slice3A_13 : vector<1000x8xf32>
    %slice3A_15 = vector.extract_strided_slice %get3A_1 {offsets = [0, 40], sizes = [1000, 8], strides = [1, 1]} : vector<1000x128xf32> to vector<1000x8xf32>
    %add3A_16 = arith.addf %add3A_14, %slice3A_15 : vector<1000x8xf32>
    %slice3A_17 = vector.extract_strided_slice %get3A_1 {offsets = [0, 48], sizes = [1000, 8], strides = [1, 1]} : vector<1000x128xf32> to vector<1000x8xf32>
    %add3A_18 = arith.addf %add3A_16, %slice3A_17 : vector<1000x8xf32>
    %slice3A_19 = vector.extract_strided_slice %get3A_1 {offsets = [0, 56], sizes = [1000, 8], strides = [1, 1]} : vector<1000x128xf32> to vector<1000x8xf32>
    %add3A_20 = arith.addf %add3A_18, %slice3A_19 : vector<1000x8xf32>
    %slice3A_21 = vector.extract_strided_slice %get3A_1 {offsets = [0, 64], sizes = [1000, 8], strides = [1, 1]} : vector<1000x128xf32> to vector<1000x8xf32>
    %add3A_22 = arith.addf %add3A_20, %slice3A_21 : vector<1000x8xf32>
    %slice3A_23 = vector.extract_strided_slice %get3A_1 {offsets = [0, 72], sizes = [1000, 8], strides = [1, 1]} : vector<1000x128xf32> to vector<1000x8xf32>
    %add3A_24 = arith.addf %add3A_22, %slice3A_23 : vector<1000x8xf32>
    %slice3A_25 = vector.extract_strided_slice %get3A_1 {offsets = [0, 80], sizes = [1000, 8], strides = [1, 1]} : vector<1000x128xf32> to vector<1000x8xf32>
    %add3A_26 = arith.addf %add3A_24, %slice3A_25 : vector<1000x8xf32>
    %slice3A_27 = vector.extract_strided_slice %get3A_1 {offsets = [0, 88], sizes = [1000, 8], strides = [1, 1]} : vector<1000x128xf32> to vector<1000x8xf32>
    %add3A_28 = arith.addf %add3A_26, %slice3A_27 : vector<1000x8xf32>
    %slice3A_29 = vector.extract_strided_slice %get3A_1 {offsets = [0, 96], sizes = [1000, 8], strides = [1, 1]} : vector<1000x128xf32> to vector<1000x8xf32>
    %add3A_30 = arith.addf %add3A_28, %slice3A_29 : vector<1000x8xf32>
    %slice3A_31 = vector.extract_strided_slice %get3A_1 {offsets = [0, 104], sizes = [1000, 8], strides = [1, 1]} : vector<1000x128xf32> to vector<1000x8xf32>
    %add3A_32 = arith.addf %add3A_30, %slice3A_31 : vector<1000x8xf32>
    %slice3A_33 = vector.extract_strided_slice %get3A_1 {offsets = [0, 112], sizes = [1000, 8], strides = [1, 1]} : vector<1000x128xf32> to vector<1000x8xf32>
    %add3A_34 = arith.addf %add3A_32, %slice3A_33 : vector<1000x8xf32>
    %slice3A_35 = vector.extract_strided_slice %get3A_1 {offsets = [0, 120], sizes = [1000, 8], strides = [1, 1]} : vector<1000x128xf32> to vector<1000x8xf32>
    %add3A_36 = arith.addf %add3A_34, %slice3A_35 : vector<1000x8xf32>
    %slice3A_37 = vector.extract_strided_slice %add3A_36 {offsets = [0, 0], sizes = [1000, 4], strides = [1, 1]} : vector<1000x8xf32> to vector<1000x4xf32>
    %slice3A_38 = vector.extract_strided_slice %add3A_36 {offsets = [0, 4], sizes = [1000, 4], strides = [1, 1]} : vector<1000x8xf32> to vector<1000x4xf32>
    %add3A_39 = arith.addf %slice3A_37, %slice3A_38 : vector<1000x4xf32>
    %slice3A_40 = vector.extract_strided_slice %add3A_39 {offsets = [0, 0], sizes = [1000, 2], strides = [1, 1]} : vector<1000x4xf32> to vector<1000x2xf32>
    %slice3A_41 = vector.extract_strided_slice %add3A_39 {offsets = [0, 2], sizes = [1000, 2], strides = [1, 1]} : vector<1000x4xf32> to vector<1000x2xf32>
    %add3A_42 = arith.addf %slice3A_40, %slice3A_41 : vector<1000x2xf32>
    %slice3A_43 = vector.extract_strided_slice %add3A_42 {offsets = [0, 0], sizes = [1000, 1], strides = [1, 1]} : vector<1000x2xf32> to vector<1000x1xf32>
    %slice3A_44 = vector.extract_strided_slice %add3A_42 {offsets = [0, 1], sizes = [1000, 1], strides = [1, 1]} : vector<1000x2xf32> to vector<1000x1xf32>
    %add3A_45 = arith.addf %slice3A_43, %slice3A_44 : vector<1000x1xf32>
    %mul3A = arith.constant 7.812500e-03 : f32
    %mul3A_46 = vector.broadcast %mul3A : f32 to vector<1000x1xf32>
    %mul3A_47 = arith.mulf %add3A_45, %mul3A_46 : vector<1000x1xf32>
    %sub3A = vector.broadcast %mul3A_47 : vector<1000x1xf32> to vector<1000x128xf32>
    %sub3A_48 = arith.subf %get3A_1, %sub3A : vector<1000x128xf32>
    %integer_pow3A = arith.mulf %sub3A_48, %sub3A_48 : vector<1000x128xf32>
    %slice3A_49 = vector.extract_strided_slice %integer_pow3A {offsets = [0, 0], sizes = [1000, 8], strides = [1, 1]} : vector<1000x128xf32> to vector<1000x8xf32>
    %slice3A_50 = vector.extract_strided_slice %integer_pow3A {offsets = [0, 8], sizes = [1000, 8], strides = [1, 1]} : vector<1000x128xf32> to vector<1000x8xf32>
    %add3A_51 = arith.addf %slice3A_49, %slice3A_50 : vector<1000x8xf32>
    %slice3A_52 = vector.extract_strided_slice %integer_pow3A {offsets = [0, 16], sizes = [1000, 8], strides = [1, 1]} : vector<1000x128xf32> to vector<1000x8xf32>
    %add3A_53 = arith.addf %add3A_51, %slice3A_52 : vector<1000x8xf32>
    %slice3A_54 = vector.extract_strided_slice %integer_pow3A {offsets = [0, 24], sizes = [1000, 8], strides = [1, 1]} : vector<1000x128xf32> to vector<1000x8xf32>
    %add3A_55 = arith.addf %add3A_53, %slice3A_54 : vector<1000x8xf32>
    %slice3A_56 = vector.extract_strided_slice %integer_pow3A {offsets = [0, 32], sizes = [1000, 8], strides = [1, 1]} : vector<1000x128xf32> to vector<1000x8xf32>
    %add3A_57 = arith.addf %add3A_55, %slice3A_56 : vector<1000x8xf32>
    %slice3A_58 = vector.extract_strided_slice %integer_pow3A {offsets = [0, 40], sizes = [1000, 8], strides = [1, 1]} : vector<1000x128xf32> to vector<1000x8xf32>
    %add3A_59 = arith.addf %add3A_57, %slice3A_58 : vector<1000x8xf32>
    %slice3A_60 = vector.extract_strided_slice %integer_pow3A {offsets = [0, 48], sizes = [1000, 8], strides = [1, 1]} : vector<1000x128xf32> to vector<1000x8xf32>
    %add3A_61 = arith.addf %add3A_59, %slice3A_60 : vector<1000x8xf32>
    %slice3A_62 = vector.extract_strided_slice %integer_pow3A {offsets = [0, 56], sizes = [1000, 8], strides = [1, 1]} : vector<1000x128xf32> to vector<1000x8xf32>
    %add3A_63 = arith.addf %add3A_61, %slice3A_62 : vector<1000x8xf32>
    %slice3A_64 = vector.extract_strided_slice %integer_pow3A {offsets = [0, 64], sizes = [1000, 8], strides = [1, 1]} : vector<1000x128xf32> to vector<1000x8xf32>
    %add3A_65 = arith.addf %add3A_63, %slice3A_64 : vector<1000x8xf32>
    %slice3A_66 = vector.extract_strided_slice %integer_pow3A {offsets = [0, 72], sizes = [1000, 8], strides = [1, 1]} : vector<1000x128xf32> to vector<1000x8xf32>
    %add3A_67 = arith.addf %add3A_65, %slice3A_66 : vector<1000x8xf32>
    %slice3A_68 = vector.extract_strided_slice %integer_pow3A {offsets = [0, 80], sizes = [1000, 8], strides = [1, 1]} : vector<1000x128xf32> to vector<1000x8xf32>
    %add3A_69 = arith.addf %add3A_67, %slice3A_68 : vector<1000x8xf32>
    %slice3A_70 = vector.extract_strided_slice %integer_pow3A {offsets = [0, 88], sizes = [1000, 8], strides = [1, 1]} : vector<1000x128xf32> to vector<1000x8xf32>
    %add3A_71 = arith.addf %add3A_69, %slice3A_70 : vector<1000x8xf32>
    %slice3A_72 = vector.extract_strided_slice %integer_pow3A {offsets = [0, 96], sizes = [1000, 8], strides = [1, 1]} : vector<1000x128xf32> to vector<1000x8xf32>
    %add3A_73 = arith.addf %add3A_71, %slice3A_72 : vector<1000x8xf32>
    %slice3A_74 = vector.extract_strided_slice %integer_pow3A {offsets = [0, 104], sizes = [1000, 8], strides = [1, 1]} : vector<1000x128xf32> to vector<1000x8xf32>
    %add3A_75 = arith.addf %add3A_73, %slice3A_74 : vector<1000x8xf32>
    %slice3A_76 = vector.extract_strided_slice %integer_pow3A {offsets = [0, 112], sizes = [1000, 8], strides = [1, 1]} : vector<1000x128xf32> to vector<1000x8xf32>
    %add3A_77 = arith.addf %add3A_75, %slice3A_76 : vector<1000x8xf32>
    %slice3A_78 = vector.extract_strided_slice %integer_pow3A {offsets = [0, 120], sizes = [1000, 8], strides = [1, 1]} : vector<1000x128xf32> to vector<1000x8xf32>
    %add3A_79 = arith.addf %add3A_77, %slice3A_78 : vector<1000x8xf32>
    %slice3A_80 = vector.extract_strided_slice %add3A_79 {offsets = [0, 0], sizes = [1000, 4], strides = [1, 1]} : vector<1000x8xf32> to vector<1000x4xf32>
    %slice3A_81 = vector.extract_strided_slice %add3A_79 {offsets = [0, 4], sizes = [1000, 4], strides = [1, 1]} : vector<1000x8xf32> to vector<1000x4xf32>
    %add3A_82 = arith.addf %slice3A_80, %slice3A_81 : vector<1000x4xf32>
    %slice3A_83 = vector.extract_strided_slice %add3A_82 {offsets = [0, 0], sizes = [1000, 2], strides = [1, 1]} : vector<1000x4xf32> to vector<1000x2xf32>
    %slice3A_84 = vector.extract_strided_slice %add3A_82 {offsets = [0, 2], sizes = [1000, 2], strides = [1, 1]} : vector<1000x4xf32> to vector<1000x2xf32>
    %add3A_85 = arith.addf %slice3A_83, %slice3A_84 : vector<1000x2xf32>
    %slice3A_86 = vector.extract_strided_slice %add3A_85 {offsets = [0, 0], sizes = [1000, 1], strides = [1, 1]} : vector<1000x2xf32> to vector<1000x1xf32>
    %slice3A_87 = vector.extract_strided_slice %add3A_85 {offsets = [0, 1], sizes = [1000, 1], strides = [1, 1]} : vector<1000x2xf32> to vector<1000x1xf32>
    %add3A_88 = arith.addf %slice3A_86, %slice3A_87 : vector<1000x1xf32>
    %mul3A_89 = arith.constant 7.812500e-03 : f32
    %mul3A_90 = vector.broadcast %mul3A_89 : f32 to vector<1000x1xf32>
    %mul3A_91 = arith.mulf %add3A_88, %mul3A_90 : vector<1000x1xf32>
    %sub3A_92 = vector.broadcast %mul3A_47 : vector<1000x1xf32> to vector<1000x128xf32>
    %sub3A_93 = arith.subf %get3A_1, %sub3A_92 : vector<1000x128xf32>
    %add3A_94 = arith.constant 9.99999997E-7 : f32
    %add3A_95 = vector.broadcast %add3A_94 : f32 to vector<1000x1xf32>
    %add3A_96 = arith.addf %mul3A_91, %add3A_95 : vector<1000x1xf32>
    %sqrt3A = math.sqrt %add3A_96 : vector<1000x1xf32>
    %div3A = vector.broadcast %sqrt3A : vector<1000x1xf32> to vector<1000x128xf32>
    %div3A_97 = arith.divf %sub3A_93, %div3A : vector<1000x128xf32>
    %mul3A_98 = vector.broadcast %get3A_4 : vector<1x128xf32> to vector<1000x128xf32>
    %mul3A_99 = arith.mulf %div3A_97, %mul3A_98 : vector<1000x128xf32>
    %add3A_100 = vector.broadcast %get3A_7 : vector<1x128xf32> to vector<1000x128xf32>
    %add3A_101 = arith.addf %mul3A_99, %add3A_100 : vector<1000x128xf32>
    %get3A_102 = arith.constant 0 : index
    %get3A_103 = arith.constant 0 : index
    %get3A_104 = vector.load %arg4[%get3A_102, %get3A_103] : memref<128x128xf32, #tpu.memory_space<vmem>>, vector<128x128xf32>
    %dot_general3A = arith.constant dense<0.000000e+00> : vector<1000x128xf32>
    %dot_general3A_105 = tpu.matmul %add3A_101, %get3A_104, %dot_general3A {dimension_numbers = #tpu.dot_dimension_numbers<[1], [0], [0], [1], [0, 0, 1, 1], [], []>, transpose_lhs_hint = false} : vector<1000x128xf32>, vector<128x128xf32>, vector<1000x128xf32> -> vector<1000x128xf32>
    %get3A_106 = arith.constant 0 : index
    %get3A_107 = arith.constant 0 : index
    %get3A_108 = vector.load %arg5[%get3A_106, %get3A_107] : memref<1x128xf32, #tpu.memory_space<vmem>>, vector<1x128xf32>
    %add3A_109 = vector.broadcast %get3A_108 : vector<1x128xf32> to vector<1000x128xf32>
    %add3A_110 = arith.addf %dot_general3A_105, %add3A_109 : vector<1000x128xf32>
    %get3A_111 = arith.constant 0 : index
    %get3A_112 = arith.constant 0 : index
    %get3A_113 = vector.load %arg6[%get3A_111, %get3A_112] : memref<128x128xf32, #tpu.memory_space<vmem>>, vector<128x128xf32>
    %dot_general3A_114 = arith.constant dense<0.000000e+00> : vector<1000x128xf32>
    %dot_general3A_115 = tpu.matmul %add3A_101, %get3A_113, %dot_general3A_114 {dimension_numbers = #tpu.dot_dimension_numbers<[1], [0], [0], [1], [0, 0, 1, 1], [], []>, transpose_lhs_hint = false} : vector<1000x128xf32>, vector<128x128xf32>, vector<1000x128xf32> -> vector<1000x128xf32>
    %get3A_116 = arith.constant 0 : index
    %get3A_117 = arith.constant 0 : index
    %get3A_118 = vector.load %arg7[%get3A_116, %get3A_117] : memref<1x128xf32, #tpu.memory_space<vmem>>, vector<1x128xf32>
    %add3A_119 = vector.broadcast %get3A_118 : vector<1x128xf32> to vector<1000x128xf32>
    %add3A_120 = arith.addf %dot_general3A_115, %add3A_119 : vector<1000x128xf32>
    %get3A_121 = arith.constant 0 : index
    %get3A_122 = arith.constant 0 : index
    %get3A_123 = vector.load %arg8[%get3A_121, %get3A_122] : memref<128x128xf32, #tpu.memory_space<vmem>>, vector<128x128xf32>
    %dot_general3A_124 = arith.constant dense<0.000000e+00> : vector<1000x128xf32>
    %dot_general3A_125 = tpu.matmul %add3A_101, %get3A_123, %dot_general3A_124 {dimension_numbers = #tpu.dot_dimension_numbers<[1], [0], [0], [1], [0, 0, 1, 1], [], []>, transpose_lhs_hint = false} : vector<1000x128xf32>, vector<128x128xf32>, vector<1000x128xf32> -> vector<1000x128xf32>
    %get3A_126 = arith.constant 0 : index
    %get3A_127 = arith.constant 0 : index
    %get3A_128 = vector.load %arg9[%get3A_126, %get3A_127] : memref<1x128xf32, #tpu.memory_space<vmem>>, vector<1x128xf32>
    %add3A_129 = vector.broadcast %get3A_128 : vector<1x128xf32> to vector<1000x128xf32>
    %add3A_130 = arith.addf %dot_general3A_125, %add3A_129 : vector<1000x128xf32>
    %swap3A = arith.constant 0 : index
    %swap3A_131 = arith.constant 0 : index
    %swap3A_132 = vector.load %arg10[%swap3A, %swap3A_131] : memref<1000x128xf32, #tpu.memory_space<vmem>>, vector<1000x128xf32>
    tpu.vector_store %arg10[%swap3A, %swap3A_131], %add3A_110 {strides = array<i32>} : memref<1000x128xf32, #tpu.memory_space<vmem>>, vector<1000x128xf32>,
    %swap3A_133 = arith.constant 0 : index
    %swap3A_134 = arith.constant 0 : index
    %swap3A_135 = vector.load %arg11[%swap3A_133, %swap3A_134] : memref<1000x128xf32, #tpu.memory_space<vmem>>, vector<1000x128xf32>
    tpu.vector_store %arg11[%swap3A_133, %swap3A_134], %add3A_120 {strides = array<i32>} : memref<1000x128xf32, #tpu.memory_space<vmem>>, vector<1000x128xf32>,
    %swap3A_136 = arith.constant 0 : index
    %swap3A_137 = arith.constant 0 : index
    %swap3A_138 = vector.load %arg12[%swap3A_136, %swap3A_137] : memref<1000x128xf32, #tpu.memory_space<vmem>>, vector<1000x128xf32>
    tpu.vector_store %arg12[%swap3A_136, %swap3A_137], %add3A_130 {strides = array<i32>} : memref<1000x128xf32, #tpu.memory_space<vmem>>, vector<1000x128xf32>,
    %eq3A = arith.constant 0 : i32
    %eq3A_139 = arith.cmpi eq, %arg0, %eq3A : i32
    %convert_element_type3A = arith.extui %eq3A_139 : i1 to i32
    %cond3A = arith.constant 0 : i32
    %cond3A_140 = arith.cmpi ne, %convert_element_type3A, %cond3A : i32
    scf.if %cond3A_140 {
      %broadcast_in_dim3A = arith.constant 0.000000e+00 : f32
      %broadcast_in_dim3A_179 = vector.broadcast %broadcast_in_dim3A : f32 to vector<16x128xf32>
      %swap3A_180 = arith.constant 0 : index
      %swap3A_181 = arith.constant 0 : index
      %swap3A_182 = vector.load %arg14[%swap3A_180, %swap3A_181] : memref<16x128xf32, #tpu.memory_space<vmem>>, vector<16x128xf32>
      tpu.vector_store %arg14[%swap3A_180, %swap3A_181], %broadcast_in_dim3A_179 {strides = array<i32>} : memref<16x128xf32, #tpu.memory_space<vmem>>, vector<16x128xf32>,
    } else {
    }
    %jit3A = arith.constant 5 : i32
    %div3A_141 = arith.divsi %arg0, %jit3A : i32
    %sign3A = arith.constant 0 : i32
    %sign3A_142 = arith.cmpi sgt, %arg0, %sign3A : i32
    %sign3A_143 = arith.extui %sign3A_142 : i1 to i32
    %sign3A_144 = arith.constant 0 : i32
    %sign3A_145 = arith.cmpi slt, %arg0, %sign3A_144 : i32
    %sign3A_146 = arith.extui %sign3A_145 : i1 to i32
    %sign3A_147 = arith.subi %sign3A_143, %sign3A_146 : i32
    %sign3A_148 = arith.constant 0 : i32
    %sign3A_149 = arith.cmpi sgt, %jit3A, %sign3A_148 : i32
    %sign3A_150 = arith.extui %sign3A_149 : i1 to i32
    %sign3A_151 = arith.constant 0 : i32
    %sign3A_152 = arith.cmpi slt, %jit3A, %sign3A_151 : i32
    %sign3A_153 = arith.extui %sign3A_152 : i1 to i32
    %sign3A_154 = arith.subi %sign3A_150, %sign3A_153 : i32
    %ne3A = arith.cmpi ne, %sign3A_147, %sign3A_154 : i32
    %rem3A = arith.remsi %arg0, %jit3A : i32
    %ne3A_155 = arith.constant 0 : i32
    %ne3A_156 = arith.cmpi ne, %rem3A, %ne3A_155 : i32
    %and3A = arith.andi %ne3A, %ne3A_156 : i1
    %sub3A_157 = arith.constant 1 : i32
    %sub3A_158 = arith.subi %div3A_141, %sub3A_157 : i32
    %select_n3A = arith.select %and3A, %sub3A_158, %div3A_141 : i32
    %mul3A_159 = arith.constant 8 : i32
    %mul3A_160 = arith.muli %select_n3A, %mul3A_159 : i32
    %get3A_161 = arith.index_cast %mul3A_160 : i32 to index
    %get3A_162 = arith.constant 0 : index
    %get3A_163 = vector.load %arg14[%get3A_161, %get3A_162] : memref<16x128xf32, #tpu.memory_space<vmem>>, vector<8x128xf32>
    %scan3A = arith.constant 0 : i32
    %scan3A_164 = arith.constant 125 : i32
    %scan3A_165 = arith.addi %scan3A, %scan3A_164 : i32
    %scan3A_166 = arith.constant 1 : i32
    %scan3A_167 = scf.for %scan3A_179 = %scan3A to %scan3A_165 step %scan3A_166 iter_args(%scan3A_180 = %get3A_163) -> (vector<8x128xf32>)  : i32 {
      %mul3A_181 = arith.constant 8 : i32
      %mul3A_182 = arith.muli %scan3A_179, %mul3A_181 : i32
      %get3A_183 = arith.index_cast %mul3A_182 : i32 to index
      %get3A_184 = arith.constant 0 : index
      %get3A_185 = vector.load %arg11[%get3A_183, %get3A_184] : memref<1000x128xf32, #tpu.memory_space<vmem>>, vector<8x128xf32>
      %add3A_186 = arith.addf %scan3A_180, %get3A_185 : vector<8x128xf32>
      scf.yield %add3A_186 : vector<8x128xf32>
    }
    %scan3A_168 = arith.constant 125 : i32
    %mul3A_169 = arith.constant 8 : i32
    %mul3A_170 = arith.muli %select_n3A, %mul3A_169 : i32
    %swap3A_171 = arith.index_cast %mul3A_170 : i32 to index
    %swap3A_172 = arith.constant 0 : index
    %swap3A_173 = vector.load %arg14[%swap3A_171, %swap3A_172] : memref<16x128xf32, #tpu.memory_space<vmem>>, vector<8x128xf32>
    tpu.vector_store %arg14[%swap3A_171, %swap3A_172], %scan3A_167 {strides = array<i32>} : memref<16x128xf32, #tpu.memory_space<vmem>>, vector<8x128xf32>,
    %eq3A_174 = arith.constant 9 : i32
    %eq3A_175 = arith.cmpi eq, %arg0, %eq3A_174 : i32
    %convert_element_type3A_176 = arith.extui %eq3A_175 : i1 to i32
    %cond3A_177 = arith.constant 0 : i32
    %cond3A_178 = arith.cmpi ne, %convert_element_type3A_176, %cond3A_177 : i32
    scf.if %cond3A_178 {
      %get3A_179 = arith.constant 0 : index
      %get3A_180 = arith.constant 0 : index
      %get3A_181 = vector.load %arg14[%get3A_179, %get3A_180] : memref<16x128xf32, #tpu.memory_space<vmem>>, vector<8x128xf32>
      %slice3A_182 = vector.extract_strided_slice %get3A_181 {offsets = [0, 0], sizes = [4, 128], strides = [1, 1]} : vector<8x128xf32> to vector<4x128xf32>
      %slice3A_183 = vector.extract_strided_slice %get3A_181 {offsets = [4, 0], sizes = [4, 128], strides = [1, 1]} : vector<8x128xf32> to vector<4x128xf32>
      %add3A_184 = arith.addf %slice3A_182, %slice3A_183 : vector<4x128xf32>
      %slice3A_185 = vector.extract_strided_slice %add3A_184 {offsets = [0, 0], sizes = [2, 128], strides = [1, 1]} : vector<4x128xf32> to vector<2x128xf32>
      %slice3A_186 = vector.extract_strided_slice %add3A_184 {offsets = [2, 0], sizes = [2, 128], strides = [1, 1]} : vector<4x128xf32> to vector<2x128xf32>
      %add3A_187 = arith.addf %slice3A_185, %slice3A_186 : vector<2x128xf32>
      %slice3A_188 = vector.extract_strided_slice %add3A_187 {offsets = [0, 0], sizes = [1, 128], strides = [1, 1]} : vector<2x128xf32> to vector<1x128xf32>
      %slice3A_189 = vector.extract_strided_slice %add3A_187 {offsets = [1, 0], sizes = [1, 128], strides = [1, 1]} : vector<2x128xf32> to vector<1x128xf32>
      %add3A_190 = arith.addf %slice3A_188, %slice3A_189 : vector<1x128xf32>
      %get3A_191 = arith.constant 8 : index
      %get3A_192 = arith.constant 0 : index
      %get3A_193 = vector.load %arg14[%get3A_191, %get3A_192] : memref<16x128xf32, #tpu.memory_space<vmem>>, vector<8x128xf32>
      %slice3A_194 = vector.extract_strided_slice %get3A_193 {offsets = [0, 0], sizes = [4, 128], strides = [1, 1]} : vector<8x128xf32> to vector<4x128xf32>
      %slice3A_195 = vector.extract_strided_slice %get3A_193 {offsets = [4, 0], sizes = [4, 128], strides = [1, 1]} : vector<8x128xf32> to vector<4x128xf32>
      %add3A_196 = arith.addf %slice3A_194, %slice3A_195 : vector<4x128xf32>
      %slice3A_197 = vector.extract_strided_slice %add3A_196 {offsets = [0, 0], sizes = [2, 128], strides = [1, 1]} : vector<4x128xf32> to vector<2x128xf32>
      %slice3A_198 = vector.extract_strided_slice %add3A_196 {offsets = [2, 0], sizes = [2, 128], strides = [1, 1]} : vector<4x128xf32> to vector<2x128xf32>
      %add3A_199 = arith.addf %slice3A_197, %slice3A_198 : vector<2x128xf32>
      %slice3A_200 = vector.extract_strided_slice %add3A_199 {offsets = [0, 0], sizes = [1, 128], strides = [1, 1]} : vector<2x128xf32> to vector<1x128xf32>
      %slice3A_201 = vector.extract_strided_slice %add3A_199 {offsets = [1, 0], sizes = [1, 128], strides = [1, 1]} : vector<2x128xf32> to vector<1x128xf32>
      %add3A_202 = arith.addf %slice3A_200, %slice3A_201 : vector<1x128xf32>
      %add3A_203 = arith.addf %add3A_190, %add3A_202 : vector<1x128xf32>
      %swap3A_204 = arith.constant 0 : index
      %swap3A_205 = arith.constant 0 : index
      %swap3A_206 = vector.load %arg13[%swap3A_204, %swap3A_205] : memref<1x128xf32, #tpu.memory_space<vmem>>, vector<1x128xf32>
      tpu.vector_store %arg13[%swap3A_204, %swap3A_205], %add3A_203 {strides = array<i32>} : memref<1x128xf32, #tpu.memory_space<vmem>>, vector<1x128xf32>,
    } else {
    }
    return
  }
  func.func @transform_0(%arg0: i32) -> (i32, i32) {
    %c0_i32 = arith.constant 0 : i32
    %c0_i32_0 = arith.constant 0 : i32
    return %arg0, %c0_i32 : i32, i32
  }
  func.func @transform_1(%arg0: i32) -> (i32, i32) {
    %c0_i32 = arith.constant 0 : i32
    %c0_i32_0 = arith.constant 0 : i32
    %c0_i32_1 = arith.constant 0 : i32
    return %c0_i32, %c0_i32_0 : i32, i32
  }
  func.func @transform_2(%arg0: i32) -> (i32, i32) {
    %c0_i32 = arith.constant 0 : i32
    %c0_i32_0 = arith.constant 0 : i32
    %c0_i32_1 = arith.constant 0 : i32
    return %c0_i32, %c0_i32_0 : i32, i32
  }
  func.func @transform_3(%arg0: i32) -> (i32, i32) {
    %c0_i32 = arith.constant 0 : i32
    %c0_i32_0 = arith.constant 0 : i32
    %c0_i32_1 = arith.constant 0 : i32
    return %c0_i32, %c0_i32_0 : i32, i32
  }
  func.func @transform_4(%arg0: i32) -> (i32, i32) {
    %c0_i32 = arith.constant 0 : i32
    %c0_i32_0 = arith.constant 0 : i32
    %c0_i32_1 = arith.constant 0 : i32
    return %c0_i32, %c0_i32_0 : i32, i32
  }
  func.func @transform_5(%arg0: i32) -> (i32, i32) {
    %c0_i32 = arith.constant 0 : i32
    %c0_i32_0 = arith.constant 0 : i32
    %c0_i32_1 = arith.constant 0 : i32
    return %c0_i32, %c0_i32_0 : i32, i32
  }
  func.func @transform_6(%arg0: i32) -> (i32, i32) {
    %c0_i32 = arith.constant 0 : i32
    %c0_i32_0 = arith.constant 0 : i32
    %c0_i32_1 = arith.constant 0 : i32
    return %c0_i32, %c0_i32_0 : i32, i32
  }
  func.func @transform_7(%arg0: i32) -> (i32, i32) {
    %c0_i32 = arith.constant 0 : i32
    %c0_i32_0 = arith.constant 0 : i32
    %c0_i32_1 = arith.constant 0 : i32
    return %c0_i32, %c0_i32_0 : i32, i32
  }
  func.func @transform_8(%arg0: i32) -> (i32, i32) {
    %c0_i32 = arith.constant 0 : i32
    %c0_i32_0 = arith.constant 0 : i32
    %c0_i32_1 = arith.constant 0 : i32
    return %c0_i32, %c0_i32_0 : i32, i32
  }
  func.func @transform_9(%arg0: i32) -> (i32, i32) {
    %c0_i32 = arith.constant 0 : i32
    %c0_i32_0 = arith.constant 0 : i32
    return %arg0, %c0_i32 : i32, i32
  }
  func.func @transform_10(%arg0: i32) -> (i32, i32) {
    %c0_i32 = arith.constant 0 : i32
    %c0_i32_0 = arith.constant 0 : i32
    return %arg0, %c0_i32 : i32, i32
  }
  func.func @transform_11(%arg0: i32) -> (i32, i32) {
    %c0_i32 = arith.constant 0 : i32
    %c0_i32_0 = arith.constant 0 : i32
    return %arg0, %c0_i32 : i32, i32
  }
  func.func @transform_12(%arg0: i32) -> (i32, i32) {
    %c0_i32 = arith.constant 0 : i32
    %c0_i32_0 = arith.constant 0 : i32
    %c0_i32_1 = arith.constant 0 : i32
    return %c0_i32, %c0_i32_0 : i32, i32
  }
}

module attributes {stable_mosaic.version = 14 : i64} {
  func.func @_p3_body(%arg0: i32, %arg1: memref<2000x128xf32, #tpu.memory_space<vmem>>, %arg2: memref<2000x128xf32, #tpu.memory_space<vmem>>, %arg3: memref<2000x128xf32, #tpu.memory_space<vmem>>, %arg4: memref<1x1x2000xi32, #tpu.memory_space<vmem>>, %arg5: memref<1x1x2000xi32, #tpu.memory_space<vmem>>, %arg6: memref<64x128xf32, #tpu.memory_space<vmem>>, %arg7: memref<512x1xf32, #tpu.memory_space<vmem>>, %arg8: memref<1x128xf32, #tpu.memory_space<vmem>>, %arg9: memref<2000x8xf32, #tpu.memory_space<vmem>>, %arg10: memref<2000x128xf32, #tpu.memory_space<vmem>>) attributes {dimension_semantics = [#tpu.dimension_semantics<arbitrary>], iteration_bounds = array<i64: 80>, scalar_prefetch = 0 : i64, scratch_operands = 0 : i64, tpu.core_type = #tpu.core_type<tc>, window_params = [{transform_indices = @transform_0, window_bounds = array<i64: 2000, 128>}, {transform_indices = @transform_1, window_bounds = array<i64: 2000, 128>}, {transform_indices = @transform_2, window_bounds = array<i64: 2000, 128>}, {transform_indices = @transform_3, window_bounds = array<i64: 1, 1, 2000>}, {transform_indices = @transform_4, window_bounds = array<i64: 1, 1, 2000>}, {pipeline_mode = #tpu.pipeline_mode<synchronous>, transform_indices = @transform_5, window_bounds = array<i64: 64, 128>}, {pipeline_mode = #tpu.pipeline_mode<synchronous>, transform_indices = @transform_6, window_bounds = array<i64: 512, 1>}, {pipeline_mode = #tpu.pipeline_mode<synchronous>, transform_indices = @transform_7, window_bounds = array<i64: 1, 128>}, {transform_indices = @transform_8, window_bounds = array<i64: 2000, 8>}, {transform_indices = @transform_9, window_bounds = array<i64: 2000, 128>}]} {
    %get3A = arith.constant 0 : index
    %get3A_0 = arith.constant 0 : index
    %get3A_1 = arith.constant 0 : index
    %get3A_2 = vector.load %arg4[%get3A, %get3A_0, %get3A_1] : memref<1x1x2000xi32, #tpu.memory_space<vmem>>, vector<1x1x2000xi32>
    %get3A_3 = vector.shape_cast %get3A_2 : vector<1x1x2000xi32> to vector<2000xi32>
    %get3A_4 = arith.constant 0 : index
    %get3A_5 = arith.constant 0 : index
    %get3A_6 = arith.constant 0 : index
    %get3A_7 = vector.load %arg5[%get3A_4, %get3A_5, %get3A_6] : memref<1x1x2000xi32, #tpu.memory_space<vmem>>, vector<1x1x2000xi32>
    %get3A_8 = vector.shape_cast %get3A_7 : vector<1x1x2000xi32> to vector<2000xi32>
    %broadcast_in_dim3A = vector.shape_cast %get3A_3 : vector<2000xi32> to vector<2000x1xi32>
    %iota3A = tpu.iota {dimensions = array<i32: 1>} : vector<2000x64xi32>
    %eq3A = vector.broadcast %broadcast_in_dim3A : vector<2000x1xi32> to vector<2000x64xi32>
    %eq3A_9 = arith.cmpi eq, %eq3A, %iota3A : vector<2000x64xi32>
    %convert_element_type3A = arith.extui %eq3A_9 : vector<2000x64xi1> to vector<2000x64xi32>
    %convert_element_type3A_10 = arith.sitofp %convert_element_type3A : vector<2000x64xi32> to vector<2000x64xf32>
    %get3A_11 = arith.constant 0 : index
    %get3A_12 = arith.constant 0 : index
    %get3A_13 = vector.load %arg6[%get3A_11, %get3A_12] : memref<64x128xf32, #tpu.memory_space<vmem>>, vector<64x128xf32>
    %dot_general3A = arith.constant dense<0.000000e+00> : vector<2000x128xf32>
    %dot_general3A_14 = tpu.matmul %convert_element_type3A_10, %get3A_13, %dot_general3A {dimension_numbers = #tpu.dot_dimension_numbers<[1], [0], [0], [1], [0, 0, 1, 1], [], []>, precision = #tpu.contract_precision<fp32>, transpose_lhs_hint = false} : vector<2000x64xf32>, vector<64x128xf32>, vector<2000x128xf32> -> vector<2000x128xf32>
    %get3A_15 = arith.constant 0 : index
    %get3A_16 = arith.constant 0 : index
    %get3A_17 = vector.load %arg1[%get3A_15, %get3A_16] : memref<2000x128xf32, #tpu.memory_space<vmem>>, vector<2000x128xf32>
    %add3A = arith.addf %get3A_17, %dot_general3A_14 : vector<2000x128xf32>
    %get3A_18 = arith.constant 0 : index
    %get3A_19 = arith.constant 0 : index
    %get3A_20 = vector.load %arg2[%get3A_18, %get3A_19] : memref<2000x128xf32, #tpu.memory_space<vmem>>, vector<2000x128xf32>
    %add3A_21 = arith.addf %get3A_20, %dot_general3A_14 : vector<2000x128xf32>
    %mul3A = arith.mulf %add3A, %add3A_21 : vector<2000x128xf32>
    %slice3A = vector.extract_strided_slice %mul3A {offsets = [0, 1], sizes = [2000, 127], strides = [1, 1]} : vector<2000x128xf32> to vector<2000x127xf32>
    %slice3A_22 = vector.extract_strided_slice %mul3A {offsets = [0, 0], sizes = [2000, 1], strides = [1, 1]} : vector<2000x128xf32> to vector<2000x1xf32>
    %concatenate3A = tpu.concatenate %slice3A, %slice3A_22 in 1 : vector<2000x127xf32>, vector<2000x1xf32> -> vector<2000x128xf32>
    %add3A_23 = arith.addf %mul3A, %concatenate3A : vector<2000x128xf32>
    %slice3A_24 = vector.extract_strided_slice %add3A_23 {offsets = [0, 2], sizes = [2000, 126], strides = [1, 1]} : vector<2000x128xf32> to vector<2000x126xf32>
    %slice3A_25 = vector.extract_strided_slice %add3A_23 {offsets = [0, 0], sizes = [2000, 2], strides = [1, 1]} : vector<2000x128xf32> to vector<2000x2xf32>
    %concatenate3A_26 = tpu.concatenate %slice3A_24, %slice3A_25 in 1 : vector<2000x126xf32>, vector<2000x2xf32> -> vector<2000x128xf32>
    %add3A_27 = arith.addf %add3A_23, %concatenate3A_26 : vector<2000x128xf32>
    %slice3A_28 = vector.extract_strided_slice %add3A_27 {offsets = [0, 4], sizes = [2000, 124], strides = [1, 1]} : vector<2000x128xf32> to vector<2000x124xf32>
    %slice3A_29 = vector.extract_strided_slice %add3A_27 {offsets = [0, 0], sizes = [2000, 4], strides = [1, 1]} : vector<2000x128xf32> to vector<2000x4xf32>
    %concatenate3A_30 = tpu.concatenate %slice3A_28, %slice3A_29 in 1 : vector<2000x124xf32>, vector<2000x4xf32> -> vector<2000x128xf32>
    %add3A_31 = arith.addf %add3A_27, %concatenate3A_30 : vector<2000x128xf32>
    %slice3A_32 = vector.extract_strided_slice %add3A_31 {offsets = [0, 8], sizes = [2000, 120], strides = [1, 1]} : vector<2000x128xf32> to vector<2000x120xf32>
    %slice3A_33 = vector.extract_strided_slice %add3A_31 {offsets = [0, 0], sizes = [2000, 8], strides = [1, 1]} : vector<2000x128xf32> to vector<2000x8xf32>
    %concatenate3A_34 = tpu.concatenate %slice3A_32, %slice3A_33 in 1 : vector<2000x120xf32>, vector<2000x8xf32> -> vector<2000x128xf32>
    %add3A_35 = arith.addf %add3A_31, %concatenate3A_34 : vector<2000x128xf32>
    %slice3A_36 = vector.extract_strided_slice %add3A_35 {offsets = [0, 0], sizes = [2000, 1], strides = [1, 1]} : vector<2000x128xf32> to vector<2000x1xf32>
    %slice3A_37 = vector.extract_strided_slice %add3A_35 {offsets = [0, 16], sizes = [2000, 1], strides = [1, 1]} : vector<2000x128xf32> to vector<2000x1xf32>
    %slice3A_38 = vector.extract_strided_slice %add3A_35 {offsets = [0, 32], sizes = [2000, 1], strides = [1, 1]} : vector<2000x128xf32> to vector<2000x1xf32>
    %slice3A_39 = vector.extract_strided_slice %add3A_35 {offsets = [0, 48], sizes = [2000, 1], strides = [1, 1]} : vector<2000x128xf32> to vector<2000x1xf32>
    %slice3A_40 = vector.extract_strided_slice %add3A_35 {offsets = [0, 64], sizes = [2000, 1], strides = [1, 1]} : vector<2000x128xf32> to vector<2000x1xf32>
    %slice3A_41 = vector.extract_strided_slice %add3A_35 {offsets = [0, 80], sizes = [2000, 1], strides = [1, 1]} : vector<2000x128xf32> to vector<2000x1xf32>
    %slice3A_42 = vector.extract_strided_slice %add3A_35 {offsets = [0, 96], sizes = [2000, 1], strides = [1, 1]} : vector<2000x128xf32> to vector<2000x1xf32>
    %slice3A_43 = vector.extract_strided_slice %add3A_35 {offsets = [0, 112], sizes = [2000, 1], strides = [1, 1]} : vector<2000x128xf32> to vector<2000x1xf32>
    %concatenate3A_44 = tpu.concatenate %slice3A_36, %slice3A_37, %slice3A_38, %slice3A_39, %slice3A_40, %slice3A_41, %slice3A_42, %slice3A_43 in 1 : vector<2000x1xf32>, vector<2000x1xf32>, vector<2000x1xf32>, vector<2000x1xf32>, vector<2000x1xf32>, vector<2000x1xf32>, vector<2000x1xf32>, vector<2000x1xf32> -> vector<2000x8xf32>
    %mul3A_45 = arith.constant 0.594603539 : f32
    %mul3A_46 = vector.broadcast %mul3A_45 : f32 to vector<2000x8xf32>
    %mul3A_47 = arith.mulf %concatenate3A_44, %mul3A_46 : vector<2000x8xf32>
    %broadcast_in_dim3A_48 = vector.shape_cast %get3A_8 : vector<2000xi32> to vector<2000x1xi32>
    %iota3A_49 = tpu.iota {dimensions = array<i32: 1>} : vector<2000x512xi32>
    %eq3A_50 = vector.broadcast %broadcast_in_dim3A_48 : vector<2000x1xi32> to vector<2000x512xi32>
    %eq3A_51 = arith.cmpi eq, %eq3A_50, %iota3A_49 : vector<2000x512xi32>
    %convert_element_type3A_52 = arith.extui %eq3A_51 : vector<2000x512xi1> to vector<2000x512xi32>
    %convert_element_type3A_53 = arith.sitofp %convert_element_type3A_52 : vector<2000x512xi32> to vector<2000x512xf32>
    %get3A_54 = arith.constant 0 : index
    %get3A_55 = arith.constant 0 : index
    %get3A_56 = vector.load %arg7[%get3A_54, %get3A_55] : memref<512x1xf32, #tpu.memory_space<vmem>>, vector<512x1xf32>
    %dot_general3A_57 = arith.constant dense<0.000000e+00> : vector<2000x1xf32>
    %dot_general3A_58 = tpu.matmul %convert_element_type3A_53, %get3A_56, %dot_general3A_57 {dimension_numbers = #tpu.dot_dimension_numbers<[1], [0], [0], [1], [0, 0, 1, 1], [], []>, precision = #tpu.contract_precision<fp32>, transpose_lhs_hint = false} : vector<2000x512xf32>, vector<512x1xf32>, vector<2000x1xf32> -> vector<2000x1xf32>
    %add3A_59 = vector.broadcast %dot_general3A_58 : vector<2000x1xf32> to vector<2000x8xf32>
    %add3A_60 = arith.addf %mul3A_47, %add3A_59 : vector<2000x8xf32>
    %convert_element_type3A_61 = arith.truncf %get3A_17 : vector<2000x128xf32> to vector<2000x128xbf16>
    %convert_element_type3A_62 = arith.extf %convert_element_type3A_61 : vector<2000x128xbf16> to vector<2000x128xf32>
    %get3A_63 = arith.constant 0 : index
    %get3A_64 = arith.constant 0 : index
    %get3A_65 = vector.load %arg8[%get3A_63, %get3A_64] : memref<1x128xf32, #tpu.memory_space<vmem>>, vector<1x128xf32>
    %convert_element_type3A_66 = arith.truncf %get3A_65 : vector<1x128xf32> to vector<1x128xbf16>
    %convert_element_type3A_67 = arith.extf %convert_element_type3A_66 : vector<1x128xbf16> to vector<1x128xf32>
    %mul3A_68 = vector.broadcast %convert_element_type3A_67 : vector<1x128xf32> to vector<2000x128xf32>
    %mul3A_69 = arith.mulf %convert_element_type3A_62, %mul3A_68 : vector<2000x128xf32>
    %slice3A_70 = vector.extract_strided_slice %mul3A_69 {offsets = [0, 1], sizes = [2000, 127], strides = [1, 1]} : vector<2000x128xf32> to vector<2000x127xf32>
    %slice3A_71 = vector.extract_strided_slice %mul3A_69 {offsets = [0, 0], sizes = [2000, 1], strides = [1, 1]} : vector<2000x128xf32> to vector<2000x1xf32>
    %concatenate3A_72 = tpu.concatenate %slice3A_70, %slice3A_71 in 1 : vector<2000x127xf32>, vector<2000x1xf32> -> vector<2000x128xf32>
    %add3A_73 = arith.addf %mul3A_69, %concatenate3A_72 : vector<2000x128xf32>
    %slice3A_74 = vector.extract_strided_slice %add3A_73 {offsets = [0, 2], sizes = [2000, 126], strides = [1, 1]} : vector<2000x128xf32> to vector<2000x126xf32>
    %slice3A_75 = vector.extract_strided_slice %add3A_73 {offsets = [0, 0], sizes = [2000, 2], strides = [1, 1]} : vector<2000x128xf32> to vector<2000x2xf32>
    %concatenate3A_76 = tpu.concatenate %slice3A_74, %slice3A_75 in 1 : vector<2000x126xf32>, vector<2000x2xf32> -> vector<2000x128xf32>
    %add3A_77 = arith.addf %add3A_73, %concatenate3A_76 : vector<2000x128xf32>
    %slice3A_78 = vector.extract_strided_slice %add3A_77 {offsets = [0, 4], sizes = [2000, 124], strides = [1, 1]} : vector<2000x128xf32> to vector<2000x124xf32>
    %slice3A_79 = vector.extract_strided_slice %add3A_77 {offsets = [0, 0], sizes = [2000, 4], strides = [1, 1]} : vector<2000x128xf32> to vector<2000x4xf32>
    %concatenate3A_80 = tpu.concatenate %slice3A_78, %slice3A_79 in 1 : vector<2000x124xf32>, vector<2000x4xf32> -> vector<2000x128xf32>
    %add3A_81 = arith.addf %add3A_77, %concatenate3A_80 : vector<2000x128xf32>
    %slice3A_82 = vector.extract_strided_slice %add3A_81 {offsets = [0, 8], sizes = [2000, 120], strides = [1, 1]} : vector<2000x128xf32> to vector<2000x120xf32>
    %slice3A_83 = vector.extract_strided_slice %add3A_81 {offsets = [0, 0], sizes = [2000, 8], strides = [1, 1]} : vector<2000x128xf32> to vector<2000x8xf32>
    %concatenate3A_84 = tpu.concatenate %slice3A_82, %slice3A_83 in 1 : vector<2000x120xf32>, vector<2000x8xf32> -> vector<2000x128xf32>
    %add3A_85 = arith.addf %add3A_81, %concatenate3A_84 : vector<2000x128xf32>
    %slice3A_86 = vector.extract_strided_slice %add3A_85 {offsets = [0, 0], sizes = [2000, 1], strides = [1, 1]} : vector<2000x128xf32> to vector<2000x1xf32>
    %slice3A_87 = vector.extract_strided_slice %add3A_85 {offsets = [0, 16], sizes = [2000, 1], strides = [1, 1]} : vector<2000x128xf32> to vector<2000x1xf32>
    %slice3A_88 = vector.extract_strided_slice %add3A_85 {offsets = [0, 32], sizes = [2000, 1], strides = [1, 1]} : vector<2000x128xf32> to vector<2000x1xf32>
    %slice3A_89 = vector.extract_strided_slice %add3A_85 {offsets = [0, 48], sizes = [2000, 1], strides = [1, 1]} : vector<2000x128xf32> to vector<2000x1xf32>
    %slice3A_90 = vector.extract_strided_slice %add3A_85 {offsets = [0, 64], sizes = [2000, 1], strides = [1, 1]} : vector<2000x128xf32> to vector<2000x1xf32>
    %slice3A_91 = vector.extract_strided_slice %add3A_85 {offsets = [0, 80], sizes = [2000, 1], strides = [1, 1]} : vector<2000x128xf32> to vector<2000x1xf32>
    %slice3A_92 = vector.extract_strided_slice %add3A_85 {offsets = [0, 96], sizes = [2000, 1], strides = [1, 1]} : vector<2000x128xf32> to vector<2000x1xf32>
    %slice3A_93 = vector.extract_strided_slice %add3A_85 {offsets = [0, 112], sizes = [2000, 1], strides = [1, 1]} : vector<2000x128xf32> to vector<2000x1xf32>
    %concatenate3A_94 = tpu.concatenate %slice3A_86, %slice3A_87, %slice3A_88, %slice3A_89, %slice3A_90, %slice3A_91, %slice3A_92, %slice3A_93 in 1 : vector<2000x1xf32>, vector<2000x1xf32>, vector<2000x1xf32>, vector<2000x1xf32>, vector<2000x1xf32>, vector<2000x1xf32>, vector<2000x1xf32>, vector<2000x1xf32> -> vector<2000x8xf32>
    %div3A = arith.divf %add3A_60, %concatenate3A_94 : vector<2000x8xf32>
    %swap3A = arith.constant 0 : index
    %swap3A_95 = arith.constant 0 : index
    %swap3A_96 = vector.load %arg9[%swap3A, %swap3A_95] : memref<2000x8xf32, #tpu.memory_space<vmem>>, vector<2000x8xf32>
    tpu.vector_store %arg9[%swap3A, %swap3A_95], %div3A {strides = array<i32>} : memref<2000x8xf32, #tpu.memory_space<vmem>>, vector<2000x8xf32>,
    %slice3A_97 = vector.extract_strided_slice %div3A {offsets = [0, 0], sizes = [2000, 1], strides = [1, 1]} : vector<2000x8xf32> to vector<2000x1xf32>
    %broadcast_in_dim3A_98 = vector.shape_cast %slice3A_97 : vector<2000x1xf32> to vector<2000x1xf32>
    %broadcast_in_dim3A_99 = vector.broadcast %broadcast_in_dim3A_98 : vector<2000x1xf32> to vector<2000x16xf32>
    %slice3A_100 = vector.extract_strided_slice %div3A {offsets = [0, 1], sizes = [2000, 1], strides = [1, 1]} : vector<2000x8xf32> to vector<2000x1xf32>
    %broadcast_in_dim3A_101 = vector.shape_cast %slice3A_100 : vector<2000x1xf32> to vector<2000x1xf32>
    %broadcast_in_dim3A_102 = vector.broadcast %broadcast_in_dim3A_101 : vector<2000x1xf32> to vector<2000x16xf32>
    %slice3A_103 = vector.extract_strided_slice %div3A {offsets = [0, 2], sizes = [2000, 1], strides = [1, 1]} : vector<2000x8xf32> to vector<2000x1xf32>
    %broadcast_in_dim3A_104 = vector.shape_cast %slice3A_103 : vector<2000x1xf32> to vector<2000x1xf32>
    %broadcast_in_dim3A_105 = vector.broadcast %broadcast_in_dim3A_104 : vector<2000x1xf32> to vector<2000x16xf32>
    %slice3A_106 = vector.extract_strided_slice %div3A {offsets = [0, 3], sizes = [2000, 1], strides = [1, 1]} : vector<2000x8xf32> to vector<2000x1xf32>
    %broadcast_in_dim3A_107 = vector.shape_cast %slice3A_106 : vector<2000x1xf32> to vector<2000x1xf32>
    %broadcast_in_dim3A_108 = vector.broadcast %broadcast_in_dim3A_107 : vector<2000x1xf32> to vector<2000x16xf32>
    %slice3A_109 = vector.extract_strided_slice %div3A {offsets = [0, 4], sizes = [2000, 1], strides = [1, 1]} : vector<2000x8xf32> to vector<2000x1xf32>
    %broadcast_in_dim3A_110 = vector.shape_cast %slice3A_109 : vector<2000x1xf32> to vector<2000x1xf32>
    %broadcast_in_dim3A_111 = vector.broadcast %broadcast_in_dim3A_110 : vector<2000x1xf32> to vector<2000x16xf32>
    %slice3A_112 = vector.extract_strided_slice %div3A {offsets = [0, 5], sizes = [2000, 1], strides = [1, 1]} : vector<2000x8xf32> to vector<2000x1xf32>
    %broadcast_in_dim3A_113 = vector.shape_cast %slice3A_112 : vector<2000x1xf32> to vector<2000x1xf32>
    %broadcast_in_dim3A_114 = vector.broadcast %broadcast_in_dim3A_113 : vector<2000x1xf32> to vector<2000x16xf32>
    %slice3A_115 = vector.extract_strided_slice %div3A {offsets = [0, 6], sizes = [2000, 1], strides = [1, 1]} : vector<2000x8xf32> to vector<2000x1xf32>
    %broadcast_in_dim3A_116 = vector.shape_cast %slice3A_115 : vector<2000x1xf32> to vector<2000x1xf32>
    %broadcast_in_dim3A_117 = vector.broadcast %broadcast_in_dim3A_116 : vector<2000x1xf32> to vector<2000x16xf32>
    %slice3A_118 = vector.extract_strided_slice %div3A {offsets = [0, 7], sizes = [2000, 1], strides = [1, 1]} : vector<2000x8xf32> to vector<2000x1xf32>
    %broadcast_in_dim3A_119 = vector.shape_cast %slice3A_118 : vector<2000x1xf32> to vector<2000x1xf32>
    %broadcast_in_dim3A_120 = vector.broadcast %broadcast_in_dim3A_119 : vector<2000x1xf32> to vector<2000x16xf32>
    %concatenate3A_121 = tpu.concatenate %broadcast_in_dim3A_99, %broadcast_in_dim3A_102, %broadcast_in_dim3A_105, %broadcast_in_dim3A_108, %broadcast_in_dim3A_111, %broadcast_in_dim3A_114, %broadcast_in_dim3A_117, %broadcast_in_dim3A_120 in 1 : vector<2000x16xf32>, vector<2000x16xf32>, vector<2000x16xf32>, vector<2000x16xf32>, vector<2000x16xf32>, vector<2000x16xf32>, vector<2000x16xf32>, vector<2000x16xf32> -> vector<2000x128xf32>
    %get3A_122 = arith.constant 0 : index
    %get3A_123 = arith.constant 0 : index
    %get3A_124 = vector.load %arg3[%get3A_122, %get3A_123] : memref<2000x128xf32, #tpu.memory_space<vmem>>, vector<2000x128xf32>
    %mul3A_125 = arith.mulf %concatenate3A_121, %get3A_124 : vector<2000x128xf32>
    %swap3A_126 = arith.constant 0 : index
    %swap3A_127 = arith.constant 0 : index
    %swap3A_128 = vector.load %arg10[%swap3A_126, %swap3A_127] : memref<2000x128xf32, #tpu.memory_space<vmem>>, vector<2000x128xf32>
    tpu.vector_store %arg10[%swap3A_126, %swap3A_127], %mul3A_125 {strides = array<i32>} : memref<2000x128xf32, #tpu.memory_space<vmem>>, vector<2000x128xf32>,
    return
  }
  func.func @transform_0(%arg0: i32) -> (i32, i32) {
    %c0_i32 = arith.constant 0 : i32
    %c0_i32_0 = arith.constant 0 : i32
    return %arg0, %c0_i32 : i32, i32
  }
  func.func @transform_1(%arg0: i32) -> (i32, i32) {
    %c0_i32 = arith.constant 0 : i32
    %c0_i32_0 = arith.constant 0 : i32
    return %arg0, %c0_i32 : i32, i32
  }
  func.func @transform_2(%arg0: i32) -> (i32, i32) {
    %c0_i32 = arith.constant 0 : i32
    %c0_i32_0 = arith.constant 0 : i32
    return %arg0, %c0_i32 : i32, i32
  }
  func.func @transform_3(%arg0: i32) -> (i32, i32, i32) {
    %c0_i32 = arith.constant 0 : i32
    %c0_i32_0 = arith.constant 0 : i32
    %c0_i32_1 = arith.constant 0 : i32
    return %arg0, %c0_i32, %c0_i32_0 : i32, i32, i32
  }
  func.func @transform_4(%arg0: i32) -> (i32, i32, i32) {
    %c0_i32 = arith.constant 0 : i32
    %c0_i32_0 = arith.constant 0 : i32
    %c0_i32_1 = arith.constant 0 : i32
    return %arg0, %c0_i32, %c0_i32_0 : i32, i32, i32
  }
  func.func @transform_5(%arg0: i32) -> (i32, i32) {
    %c0_i32 = arith.constant 0 : i32
    %c0_i32_0 = arith.constant 0 : i32
    %c0_i32_1 = arith.constant 0 : i32
    return %c0_i32, %c0_i32_0 : i32, i32
  }
  func.func @transform_6(%arg0: i32) -> (i32, i32) {
    %c0_i32 = arith.constant 0 : i32
    %c0_i32_0 = arith.constant 0 : i32
    %c0_i32_1 = arith.constant 0 : i32
    return %c0_i32, %c0_i32_0 : i32, i32
  }
  func.func @transform_7(%arg0: i32) -> (i32, i32) {
    %c0_i32 = arith.constant 0 : i32
    %c0_i32_0 = arith.constant 0 : i32
    %c0_i32_1 = arith.constant 0 : i32
    return %c0_i32, %c0_i32_0 : i32, i32
  }
  func.func @transform_8(%arg0: i32) -> (i32, i32) {
    %c0_i32 = arith.constant 0 : i32
    %c0_i32_0 = arith.constant 0 : i32
    return %arg0, %c0_i32 : i32, i32
  }
  func.func @transform_9(%arg0: i32) -> (i32, i32) {
    %c0_i32 = arith.constant 0 : i32
    %c0_i32_0 = arith.constant 0 : i32
    return %arg0, %c0_i32 : i32, i32
  }
}

module attributes {stable_mosaic.version = 14 : i64} {
  func.func @_p5_body(%arg0: i32, %arg1: memref<2x2000x128xf32, #tpu.memory_space<vmem>>, %arg2: memref<2000x128xf32, #tpu.memory_space<vmem>>, %arg3: memref<128x128xf32, #tpu.memory_space<vmem>>, %arg4: memref<1x128xf32, #tpu.memory_space<vmem>>, %arg5: memref<1x128xf32, #tpu.memory_space<vmem>>, %arg6: memref<1x128xf32, #tpu.memory_space<vmem>>, %arg7: memref<128x512xf32, #tpu.memory_space<vmem>>, %arg8: memref<1x512xf32, #tpu.memory_space<vmem>>, %arg9: memref<512x128xf32, #tpu.memory_space<vmem>>, %arg10: memref<1x128xf32, #tpu.memory_space<vmem>>, %arg11: memref<2000x128xf32, #tpu.memory_space<vmem>>) attributes {dimension_semantics = [#tpu.dimension_semantics<arbitrary>], iteration_bounds = array<i64: 5>, scalar_prefetch = 0 : i64, scratch_operands = 0 : i64, tpu.core_type = #tpu.core_type<tc>, window_params = [{transform_indices = @transform_0, window_bounds = array<i64: 2, 2000, 128>}, {transform_indices = @transform_1, window_bounds = array<i64: 2000, 128>}, {pipeline_mode = #tpu.pipeline_mode<synchronous>, transform_indices = @transform_2, window_bounds = array<i64: 128, 128>}, {pipeline_mode = #tpu.pipeline_mode<synchronous>, transform_indices = @transform_3, window_bounds = array<i64: 1, 128>}, {pipeline_mode = #tpu.pipeline_mode<synchronous>, transform_indices = @transform_4, window_bounds = array<i64: 1, 128>}, {pipeline_mode = #tpu.pipeline_mode<synchronous>, transform_indices = @transform_5, window_bounds = array<i64: 1, 128>}, {pipeline_mode = #tpu.pipeline_mode<synchronous>, transform_indices = @transform_6, window_bounds = array<i64: 128, 512>}, {pipeline_mode = #tpu.pipeline_mode<synchronous>, transform_indices = @transform_7, window_bounds = array<i64: 1, 512>}, {pipeline_mode = #tpu.pipeline_mode<synchronous>, transform_indices = @transform_8, window_bounds = array<i64: 512, 128>}, {pipeline_mode = #tpu.pipeline_mode<synchronous>, transform_indices = @transform_9, window_bounds = array<i64: 1, 128>}, {transform_indices = @transform_10, window_bounds = array<i64: 2000, 128>}]} {
    %get3A = arith.constant 0 : index
    %get3A_0 = arith.constant 0 : index
    %get3A_1 = arith.constant 0 : index
    %get3A_2 = vector.load %arg1[%get3A, %get3A_0, %get3A_1] : memref<2x2000x128xf32, #tpu.memory_space<vmem>>, vector<1x2000x128xf32>
    %get3A_3 = vector.shape_cast %get3A_2 : vector<1x2000x128xf32> to vector<2000x128xf32>
    %get3A_4 = arith.constant 1 : index
    %get3A_5 = arith.constant 0 : index
    %get3A_6 = arith.constant 0 : index
    %get3A_7 = vector.load %arg1[%get3A_4, %get3A_5, %get3A_6] : memref<2x2000x128xf32, #tpu.memory_space<vmem>>, vector<1x2000x128xf32>
    %get3A_8 = vector.shape_cast %get3A_7 : vector<1x2000x128xf32> to vector<2000x128xf32>
    %add3A = arith.addf %get3A_3, %get3A_8 : vector<2000x128xf32>
    %get3A_9 = arith.constant 0 : index
    %get3A_10 = arith.constant 0 : index
    %get3A_11 = vector.load %arg3[%get3A_9, %get3A_10] : memref<128x128xf32, #tpu.memory_space<vmem>>, vector<128x128xf32>
    %dot_general3A = arith.constant dense<0.000000e+00> : vector<2000x128xf32>
    %dot_general3A_12 = tpu.matmul %add3A, %get3A_11, %dot_general3A {dimension_numbers = #tpu.dot_dimension_numbers<[1], [0], [0], [1], [0, 0, 1, 1], [], []>, transpose_lhs_hint = false} : vector<2000x128xf32>, vector<128x128xf32>, vector<2000x128xf32> -> vector<2000x128xf32>
    %get3A_13 = arith.constant 0 : index
    %get3A_14 = arith.constant 0 : index
    %get3A_15 = vector.load %arg4[%get3A_13, %get3A_14] : memref<1x128xf32, #tpu.memory_space<vmem>>, vector<1x128xf32>
    %add3A_16 = vector.broadcast %get3A_15 : vector<1x128xf32> to vector<2000x128xf32>
    %add3A_17 = arith.addf %dot_general3A_12, %add3A_16 : vector<2000x128xf32>
    %get3A_18 = arith.constant 0 : index
    %get3A_19 = arith.constant 0 : index
    %get3A_20 = vector.load %arg2[%get3A_18, %get3A_19] : memref<2000x128xf32, #tpu.memory_space<vmem>>, vector<2000x128xf32>
    %add3A_21 = arith.addf %add3A_17, %get3A_20 : vector<2000x128xf32>
    %get3A_22 = arith.constant 0 : index
    %get3A_23 = arith.constant 0 : index
    %get3A_24 = vector.load %arg5[%get3A_22, %get3A_23] : memref<1x128xf32, #tpu.memory_space<vmem>>, vector<1x128xf32>
    %get3A_25 = arith.constant 0 : index
    %get3A_26 = arith.constant 0 : index
    %get3A_27 = vector.load %arg6[%get3A_25, %get3A_26] : memref<1x128xf32, #tpu.memory_space<vmem>>, vector<1x128xf32>
    %slice3A = vector.extract_strided_slice %add3A_21 {offsets = [0, 0], sizes = [2000, 8], strides = [1, 1]} : vector<2000x128xf32> to vector<2000x8xf32>
    %slice3A_28 = vector.extract_strided_slice %add3A_21 {offsets = [0, 8], sizes = [2000, 8], strides = [1, 1]} : vector<2000x128xf32> to vector<2000x8xf32>
    %add3A_29 = arith.addf %slice3A, %slice3A_28 : vector<2000x8xf32>
    %slice3A_30 = vector.extract_strided_slice %add3A_21 {offsets = [0, 16], sizes = [2000, 8], strides = [1, 1]} : vector<2000x128xf32> to vector<2000x8xf32>
    %add3A_31 = arith.addf %add3A_29, %slice3A_30 : vector<2000x8xf32>
    %slice3A_32 = vector.extract_strided_slice %add3A_21 {offsets = [0, 24], sizes = [2000, 8], strides = [1, 1]} : vector<2000x128xf32> to vector<2000x8xf32>
    %add3A_33 = arith.addf %add3A_31, %slice3A_32 : vector<2000x8xf32>
    %slice3A_34 = vector.extract_strided_slice %add3A_21 {offsets = [0, 32], sizes = [2000, 8], strides = [1, 1]} : vector<2000x128xf32> to vector<2000x8xf32>
    %add3A_35 = arith.addf %add3A_33, %slice3A_34 : vector<2000x8xf32>
    %slice3A_36 = vector.extract_strided_slice %add3A_21 {offsets = [0, 40], sizes = [2000, 8], strides = [1, 1]} : vector<2000x128xf32> to vector<2000x8xf32>
    %add3A_37 = arith.addf %add3A_35, %slice3A_36 : vector<2000x8xf32>
    %slice3A_38 = vector.extract_strided_slice %add3A_21 {offsets = [0, 48], sizes = [2000, 8], strides = [1, 1]} : vector<2000x128xf32> to vector<2000x8xf32>
    %add3A_39 = arith.addf %add3A_37, %slice3A_38 : vector<2000x8xf32>
    %slice3A_40 = vector.extract_strided_slice %add3A_21 {offsets = [0, 56], sizes = [2000, 8], strides = [1, 1]} : vector<2000x128xf32> to vector<2000x8xf32>
    %add3A_41 = arith.addf %add3A_39, %slice3A_40 : vector<2000x8xf32>
    %slice3A_42 = vector.extract_strided_slice %add3A_21 {offsets = [0, 64], sizes = [2000, 8], strides = [1, 1]} : vector<2000x128xf32> to vector<2000x8xf32>
    %add3A_43 = arith.addf %add3A_41, %slice3A_42 : vector<2000x8xf32>
    %slice3A_44 = vector.extract_strided_slice %add3A_21 {offsets = [0, 72], sizes = [2000, 8], strides = [1, 1]} : vector<2000x128xf32> to vector<2000x8xf32>
    %add3A_45 = arith.addf %add3A_43, %slice3A_44 : vector<2000x8xf32>
    %slice3A_46 = vector.extract_strided_slice %add3A_21 {offsets = [0, 80], sizes = [2000, 8], strides = [1, 1]} : vector<2000x128xf32> to vector<2000x8xf32>
    %add3A_47 = arith.addf %add3A_45, %slice3A_46 : vector<2000x8xf32>
    %slice3A_48 = vector.extract_strided_slice %add3A_21 {offsets = [0, 88], sizes = [2000, 8], strides = [1, 1]} : vector<2000x128xf32> to vector<2000x8xf32>
    %add3A_49 = arith.addf %add3A_47, %slice3A_48 : vector<2000x8xf32>
    %slice3A_50 = vector.extract_strided_slice %add3A_21 {offsets = [0, 96], sizes = [2000, 8], strides = [1, 1]} : vector<2000x128xf32> to vector<2000x8xf32>
    %add3A_51 = arith.addf %add3A_49, %slice3A_50 : vector<2000x8xf32>
    %slice3A_52 = vector.extract_strided_slice %add3A_21 {offsets = [0, 104], sizes = [2000, 8], strides = [1, 1]} : vector<2000x128xf32> to vector<2000x8xf32>
    %add3A_53 = arith.addf %add3A_51, %slice3A_52 : vector<2000x8xf32>
    %slice3A_54 = vector.extract_strided_slice %add3A_21 {offsets = [0, 112], sizes = [2000, 8], strides = [1, 1]} : vector<2000x128xf32> to vector<2000x8xf32>
    %add3A_55 = arith.addf %add3A_53, %slice3A_54 : vector<2000x8xf32>
    %slice3A_56 = vector.extract_strided_slice %add3A_21 {offsets = [0, 120], sizes = [2000, 8], strides = [1, 1]} : vector<2000x128xf32> to vector<2000x8xf32>
    %add3A_57 = arith.addf %add3A_55, %slice3A_56 : vector<2000x8xf32>
    %slice3A_58 = vector.extract_strided_slice %add3A_57 {offsets = [0, 0], sizes = [2000, 4], strides = [1, 1]} : vector<2000x8xf32> to vector<2000x4xf32>
    %slice3A_59 = vector.extract_strided_slice %add3A_57 {offsets = [0, 4], sizes = [2000, 4], strides = [1, 1]} : vector<2000x8xf32> to vector<2000x4xf32>
    %add3A_60 = arith.addf %slice3A_58, %slice3A_59 : vector<2000x4xf32>
    %slice3A_61 = vector.extract_strided_slice %add3A_60 {offsets = [0, 0], sizes = [2000, 2], strides = [1, 1]} : vector<2000x4xf32> to vector<2000x2xf32>
    %slice3A_62 = vector.extract_strided_slice %add3A_60 {offsets = [0, 2], sizes = [2000, 2], strides = [1, 1]} : vector<2000x4xf32> to vector<2000x2xf32>
    %add3A_63 = arith.addf %slice3A_61, %slice3A_62 : vector<2000x2xf32>
    %slice3A_64 = vector.extract_strided_slice %add3A_63 {offsets = [0, 0], sizes = [2000, 1], strides = [1, 1]} : vector<2000x2xf32> to vector<2000x1xf32>
    %slice3A_65 = vector.extract_strided_slice %add3A_63 {offsets = [0, 1], sizes = [2000, 1], strides = [1, 1]} : vector<2000x2xf32> to vector<2000x1xf32>
    %add3A_66 = arith.addf %slice3A_64, %slice3A_65 : vector<2000x1xf32>
    %mul3A = arith.constant 7.812500e-03 : f32
    %mul3A_67 = vector.broadcast %mul3A : f32 to vector<2000x1xf32>
    %mul3A_68 = arith.mulf %add3A_66, %mul3A_67 : vector<2000x1xf32>
    %sub3A = vector.broadcast %mul3A_68 : vector<2000x1xf32> to vector<2000x128xf32>
    %sub3A_69 = arith.subf %add3A_21, %sub3A : vector<2000x128xf32>
    %integer_pow3A = arith.mulf %sub3A_69, %sub3A_69 : vector<2000x128xf32>
    %slice3A_70 = vector.extract_strided_slice %integer_pow3A {offsets = [0, 0], sizes = [2000, 8], strides = [1, 1]} : vector<2000x128xf32> to vector<2000x8xf32>
    %slice3A_71 = vector.extract_strided_slice %integer_pow3A {offsets = [0, 8], sizes = [2000, 8], strides = [1, 1]} : vector<2000x128xf32> to vector<2000x8xf32>
    %add3A_72 = arith.addf %slice3A_70, %slice3A_71 : vector<2000x8xf32>
    %slice3A_73 = vector.extract_strided_slice %integer_pow3A {offsets = [0, 16], sizes = [2000, 8], strides = [1, 1]} : vector<2000x128xf32> to vector<2000x8xf32>
    %add3A_74 = arith.addf %add3A_72, %slice3A_73 : vector<2000x8xf32>
    %slice3A_75 = vector.extract_strided_slice %integer_pow3A {offsets = [0, 24], sizes = [2000, 8], strides = [1, 1]} : vector<2000x128xf32> to vector<2000x8xf32>
    %add3A_76 = arith.addf %add3A_74, %slice3A_75 : vector<2000x8xf32>
    %slice3A_77 = vector.extract_strided_slice %integer_pow3A {offsets = [0, 32], sizes = [2000, 8], strides = [1, 1]} : vector<2000x128xf32> to vector<2000x8xf32>
    %add3A_78 = arith.addf %add3A_76, %slice3A_77 : vector<2000x8xf32>
    %slice3A_79 = vector.extract_strided_slice %integer_pow3A {offsets = [0, 40], sizes = [2000, 8], strides = [1, 1]} : vector<2000x128xf32> to vector<2000x8xf32>
    %add3A_80 = arith.addf %add3A_78, %slice3A_79 : vector<2000x8xf32>
    %slice3A_81 = vector.extract_strided_slice %integer_pow3A {offsets = [0, 48], sizes = [2000, 8], strides = [1, 1]} : vector<2000x128xf32> to vector<2000x8xf32>
    %add3A_82 = arith.addf %add3A_80, %slice3A_81 : vector<2000x8xf32>
    %slice3A_83 = vector.extract_strided_slice %integer_pow3A {offsets = [0, 56], sizes = [2000, 8], strides = [1, 1]} : vector<2000x128xf32> to vector<2000x8xf32>
    %add3A_84 = arith.addf %add3A_82, %slice3A_83 : vector<2000x8xf32>
    %slice3A_85 = vector.extract_strided_slice %integer_pow3A {offsets = [0, 64], sizes = [2000, 8], strides = [1, 1]} : vector<2000x128xf32> to vector<2000x8xf32>
    %add3A_86 = arith.addf %add3A_84, %slice3A_85 : vector<2000x8xf32>
    %slice3A_87 = vector.extract_strided_slice %integer_pow3A {offsets = [0, 72], sizes = [2000, 8], strides = [1, 1]} : vector<2000x128xf32> to vector<2000x8xf32>
    %add3A_88 = arith.addf %add3A_86, %slice3A_87 : vector<2000x8xf32>
    %slice3A_89 = vector.extract_strided_slice %integer_pow3A {offsets = [0, 80], sizes = [2000, 8], strides = [1, 1]} : vector<2000x128xf32> to vector<2000x8xf32>
    %add3A_90 = arith.addf %add3A_88, %slice3A_89 : vector<2000x8xf32>
    %slice3A_91 = vector.extract_strided_slice %integer_pow3A {offsets = [0, 88], sizes = [2000, 8], strides = [1, 1]} : vector<2000x128xf32> to vector<2000x8xf32>
    %add3A_92 = arith.addf %add3A_90, %slice3A_91 : vector<2000x8xf32>
    %slice3A_93 = vector.extract_strided_slice %integer_pow3A {offsets = [0, 96], sizes = [2000, 8], strides = [1, 1]} : vector<2000x128xf32> to vector<2000x8xf32>
    %add3A_94 = arith.addf %add3A_92, %slice3A_93 : vector<2000x8xf32>
    %slice3A_95 = vector.extract_strided_slice %integer_pow3A {offsets = [0, 104], sizes = [2000, 8], strides = [1, 1]} : vector<2000x128xf32> to vector<2000x8xf32>
    %add3A_96 = arith.addf %add3A_94, %slice3A_95 : vector<2000x8xf32>
    %slice3A_97 = vector.extract_strided_slice %integer_pow3A {offsets = [0, 112], sizes = [2000, 8], strides = [1, 1]} : vector<2000x128xf32> to vector<2000x8xf32>
    %add3A_98 = arith.addf %add3A_96, %slice3A_97 : vector<2000x8xf32>
    %slice3A_99 = vector.extract_strided_slice %integer_pow3A {offsets = [0, 120], sizes = [2000, 8], strides = [1, 1]} : vector<2000x128xf32> to vector<2000x8xf32>
    %add3A_100 = arith.addf %add3A_98, %slice3A_99 : vector<2000x8xf32>
    %slice3A_101 = vector.extract_strided_slice %add3A_100 {offsets = [0, 0], sizes = [2000, 4], strides = [1, 1]} : vector<2000x8xf32> to vector<2000x4xf32>
    %slice3A_102 = vector.extract_strided_slice %add3A_100 {offsets = [0, 4], sizes = [2000, 4], strides = [1, 1]} : vector<2000x8xf32> to vector<2000x4xf32>
    %add3A_103 = arith.addf %slice3A_101, %slice3A_102 : vector<2000x4xf32>
    %slice3A_104 = vector.extract_strided_slice %add3A_103 {offsets = [0, 0], sizes = [2000, 2], strides = [1, 1]} : vector<2000x4xf32> to vector<2000x2xf32>
    %slice3A_105 = vector.extract_strided_slice %add3A_103 {offsets = [0, 2], sizes = [2000, 2], strides = [1, 1]} : vector<2000x4xf32> to vector<2000x2xf32>
    %add3A_106 = arith.addf %slice3A_104, %slice3A_105 : vector<2000x2xf32>
    %slice3A_107 = vector.extract_strided_slice %add3A_106 {offsets = [0, 0], sizes = [2000, 1], strides = [1, 1]} : vector<2000x2xf32> to vector<2000x1xf32>
    %slice3A_108 = vector.extract_strided_slice %add3A_106 {offsets = [0, 1], sizes = [2000, 1], strides = [1, 1]} : vector<2000x2xf32> to vector<2000x1xf32>
    %add3A_109 = arith.addf %slice3A_107, %slice3A_108 : vector<2000x1xf32>
    %mul3A_110 = arith.constant 7.812500e-03 : f32
    %mul3A_111 = vector.broadcast %mul3A_110 : f32 to vector<2000x1xf32>
    %mul3A_112 = arith.mulf %add3A_109, %mul3A_111 : vector<2000x1xf32>
    %sub3A_113 = vector.broadcast %mul3A_68 : vector<2000x1xf32> to vector<2000x128xf32>
    %sub3A_114 = arith.subf %add3A_21, %sub3A_113 : vector<2000x128xf32>
    %add3A_115 = arith.constant 9.99999997E-7 : f32
    %add3A_116 = vector.broadcast %add3A_115 : f32 to vector<2000x1xf32>
    %add3A_117 = arith.addf %mul3A_112, %add3A_116 : vector<2000x1xf32>
    %sqrt3A = math.sqrt %add3A_117 : vector<2000x1xf32>
    %div3A = vector.broadcast %sqrt3A : vector<2000x1xf32> to vector<2000x128xf32>
    %div3A_118 = arith.divf %sub3A_114, %div3A : vector<2000x128xf32>
    %mul3A_119 = vector.broadcast %get3A_24 : vector<1x128xf32> to vector<2000x128xf32>
    %mul3A_120 = arith.mulf %div3A_118, %mul3A_119 : vector<2000x128xf32>
    %add3A_121 = vector.broadcast %get3A_27 : vector<1x128xf32> to vector<2000x128xf32>
    %add3A_122 = arith.addf %mul3A_120, %add3A_121 : vector<2000x128xf32>
    %get3A_123 = arith.constant 0 : index
    %get3A_124 = arith.constant 0 : index
    %get3A_125 = vector.load %arg7[%get3A_123, %get3A_124] : memref<128x512xf32, #tpu.memory_space<vmem>>, vector<128x512xf32>
    %dot_general3A_126 = arith.constant dense<0.000000e+00> : vector<2000x512xf32>
    %dot_general3A_127 = tpu.matmul %add3A_122, %get3A_125, %dot_general3A_126 {dimension_numbers = #tpu.dot_dimension_numbers<[1], [0], [0], [1], [0, 0, 1, 1], [], []>, transpose_lhs_hint = false} : vector<2000x128xf32>, vector<128x512xf32>, vector<2000x512xf32> -> vector<2000x512xf32>
    %get3A_128 = arith.constant 0 : index
    %get3A_129 = arith.constant 0 : index
    %get3A_130 = vector.load %arg8[%get3A_128, %get3A_129] : memref<1x512xf32, #tpu.memory_space<vmem>>, vector<1x512xf32>
    %add3A_131 = vector.broadcast %get3A_130 : vector<1x512xf32> to vector<2000x512xf32>
    %add3A_132 = arith.addf %dot_general3A_127, %add3A_131 : vector<2000x512xf32>
    %max3A = arith.constant 0.000000e+00 : f32
    %max3A_133 = vector.broadcast %max3A : f32 to vector<2000x512xf32>
    %max3A_134 = arith.maximumf %add3A_132, %max3A_133 : vector<2000x512xf32>
    %get3A_135 = arith.constant 0 : index
    %get3A_136 = arith.constant 0 : index
    %get3A_137 = vector.load %arg9[%get3A_135, %get3A_136] : memref<512x128xf32, #tpu.memory_space<vmem>>, vector<512x128xf32>
    %dot_general3A_138 = arith.constant dense<0.000000e+00> : vector<2000x128xf32>
    %dot_general3A_139 = tpu.matmul %max3A_134, %get3A_137, %dot_general3A_138 {dimension_numbers = #tpu.dot_dimension_numbers<[1], [0], [0], [1], [0, 0, 1, 1], [], []>, transpose_lhs_hint = false} : vector<2000x512xf32>, vector<512x128xf32>, vector<2000x128xf32> -> vector<2000x128xf32>
    %add3A_140 = arith.addf %add3A_21, %dot_general3A_139 : vector<2000x128xf32>
    %get3A_141 = arith.constant 0 : index
    %get3A_142 = arith.constant 0 : index
    %get3A_143 = vector.load %arg10[%get3A_141, %get3A_142] : memref<1x128xf32, #tpu.memory_space<vmem>>, vector<1x128xf32>
    %add3A_144 = vector.broadcast %get3A_143 : vector<1x128xf32> to vector<2000x128xf32>
    %add3A_145 = arith.addf %add3A_140, %add3A_144 : vector<2000x128xf32>
    %swap3A = arith.constant 0 : index
    %swap3A_146 = arith.constant 0 : index
    %swap3A_147 = vector.load %arg11[%swap3A, %swap3A_146] : memref<2000x128xf32, #tpu.memory_space<vmem>>, vector<2000x128xf32>
    tpu.vector_store %arg11[%swap3A, %swap3A_146], %add3A_145 {strides = array<i32>} : memref<2000x128xf32, #tpu.memory_space<vmem>>, vector<2000x128xf32>,
    return
  }
  func.func @transform_0(%arg0: i32) -> (i32, i32, i32) {
    %c0_i32 = arith.constant 0 : i32
    %c0_i32_0 = arith.constant 0 : i32
    %c0_i32_1 = arith.constant 0 : i32
    return %c0_i32, %arg0, %c0_i32_0 : i32, i32, i32
  }
  func.func @transform_1(%arg0: i32) -> (i32, i32) {
    %c0_i32 = arith.constant 0 : i32
    %c0_i32_0 = arith.constant 0 : i32
    return %arg0, %c0_i32 : i32, i32
  }
  func.func @transform_2(%arg0: i32) -> (i32, i32) {
    %c0_i32 = arith.constant 0 : i32
    %c0_i32_0 = arith.constant 0 : i32
    %c0_i32_1 = arith.constant 0 : i32
    return %c0_i32, %c0_i32_0 : i32, i32
  }
  func.func @transform_3(%arg0: i32) -> (i32, i32) {
    %c0_i32 = arith.constant 0 : i32
    %c0_i32_0 = arith.constant 0 : i32
    %c0_i32_1 = arith.constant 0 : i32
    return %c0_i32, %c0_i32_0 : i32, i32
  }
  func.func @transform_4(%arg0: i32) -> (i32, i32) {
    %c0_i32 = arith.constant 0 : i32
    %c0_i32_0 = arith.constant 0 : i32
    %c0_i32_1 = arith.constant 0 : i32
    return %c0_i32, %c0_i32_0 : i32, i32
  }
  func.func @transform_5(%arg0: i32) -> (i32, i32) {
    %c0_i32 = arith.constant 0 : i32
    %c0_i32_0 = arith.constant 0 : i32
    %c0_i32_1 = arith.constant 0 : i32
    return %c0_i32, %c0_i32_0 : i32, i32
  }
  func.func @transform_6(%arg0: i32) -> (i32, i32) {
    %c0_i32 = arith.constant 0 : i32
    %c0_i32_0 = arith.constant 0 : i32
    %c0_i32_1 = arith.constant 0 : i32
    return %c0_i32, %c0_i32_0 : i32, i32
  }
  func.func @transform_7(%arg0: i32) -> (i32, i32) {
    %c0_i32 = arith.constant 0 : i32
    %c0_i32_0 = arith.constant 0 : i32
    %c0_i32_1 = arith.constant 0 : i32
    return %c0_i32, %c0_i32_0 : i32, i32
  }
  func.func @transform_8(%arg0: i32) -> (i32, i32) {
    %c0_i32 = arith.constant 0 : i32
    %c0_i32_0 = arith.constant 0 : i32
    %c0_i32_1 = arith.constant 0 : i32
    return %c0_i32, %c0_i32_0 : i32, i32
  }
  func.func @transform_9(%arg0: i32) -> (i32, i32) {
    %c0_i32 = arith.constant 0 : i32
    %c0_i32_0 = arith.constant 0 : i32
    %c0_i32_1 = arith.constant 0 : i32
    return %c0_i32, %c0_i32_0 : i32, i32
  }
  func.func @transform_10(%arg0: i32) -> (i32, i32) {
    %c0_i32 = arith.constant 0 : i32
    %c0_i32_0 = arith.constant 0 : i32
    return %arg0, %c0_i32 : i32, i32
  }
}

</mosaic_0001>

<sc_bundles>
// kernel: kernel.12.cloned.1.call-start
scs
__scs_entry_jumppad:
0x0: {  	(pc) =	sbr.rel $0x88, $3  }
0x1: {  	(tag) =	ssettag $0x0;
	lr =	simm.s32 $0x1  }
0x2: {  	[smem:$0x3F8B] =	sst lr;
	_ =	strace $0xD0000000  }
0x3: {  	_ = 	snop  }
0x4: {  	_ = 	snop  }
0x5: {  	_ = 	snop  }
0x6: {  	_ = 	snop  }
0x7: {  	_ = 	snop  }
__scs_overlays_trampoline_lowered:
0x8: {  	[smem:$0x3F9A] =	sst s0  }
0x9: {  	[smem:$0x3F9B] =	sst s1  }
0xa: {  	[smem:$0x3F9C] =	sst s2  }
0xb: {  	[smem:$0x3F9D] =	sst s3  }
0xc: {  	[smem:$0x3F9E] =	sst s4  }
0xd: {  	[smem:$0x3F9F] =	sst s5  }
0xe: {  	[smem:$0x3FA0] =	sst s6  }
0xf: {  	[smem:$0x3FA1] =	sst s7  }
0x10: {  	[smem:$0x3FA2] =	sst s8  }
0x11: {  	[smem:$0x3FA3] =	sst s9;
	s0 =	simm.s32 @!p0 $0x0  }
0x12: {  	s1 =	sld [smem:$0x3F89];
	s0 =	simm.s32 @p0 $0x1  }
0x13: {  	[smem:$0x3FA4] =	sst s0;
	s0 =	simm.s32 @!p1 $0x0  }
0x14: {  	s2 =	sld [smem:$0x3F88];
	s0 =	simm.s32 @p1 $0x1  }
0x15: {  	[smem:$0x3FA5] =	sst s0;
	s0 =	simm.s32 @!p2 $0x0  }
0x16: {  	s3 =	sld [smem:$0x3FDB];
	s0 =	simm.s32 @p2 $0x1  }
0x17: {  	s4 =	simm.s32 $0x1BF5;
	[smem:$0x3FA7] =	sst s0  }
0x18: {  	s0 =	sld [smem:$0x3F8A];
	_ =	swait.ge [sflag:s4], $0x0  }
0x19: {  	s7 =	sld [smem:$0x3F8B]  }
0x1a: {  	s8 =	sadd.s32 $0xFFFFE003, lr  }
0x1b: {  	s9 =	sadd.s32 $0xFFFFFEF7, lr;
	s5 =	simm.s32 $0xFFFFFFFF;
	p2 =	slt.u32 s8, $0xFFFFF086  }
0x1c: {  	p1 =	slt.u32 s9, $0xF7A;
	s5 =	simm.s32 @!p2 $0x0  }
0x1d: {  	s5 =	simm.s32 @p1 $0x1;
	p0 =	seq.s32 s7, s2  }
0x1e: {  	s7 =	smul.u32 @!p0 $0xF7A, s2;
	p2 =	seq.s32 @!p0 s5, $0x0  }
0x1f: {  	s9 =	smul.u32 $0xF7A, s1;
	s8 =	simm.s32 @!p0 $0x1BF5;
	p2 =	por !p2, p0  }
0x20: {  	[sflag:s8] =	ssyncset.s32 @!p0 $0xFFFFF086;
	s6 =	sadd.s32 @!p0 s3, s7;
	s7 =	simm.s32 @!p0 $0x108  }
0x21: {  	s3 =	sadd.s32 s3, s9;
	s6 =	sadd.s32 @!p0 $0x88, s6;
	s7 =	simm.s32 @p2 $0x1082  }
0x22: {  	[simem:s7], [sflag:s8] =	dma.local @!p0 [hbm:s6], $0xF7A  }
0x23: {  	s9 =	sor.u32 $0xD0000000, s2;
	s6 =	simm.s32 $0x108;
	_ =	swait.ge @!p0 [sflag:s8], $0x0  }
0x24: {  	s3 =	sadd.s32 $0x88, s3;
	s6 =	simm.s32 @!p1 $0x1082;
	[sflag:s4] =	ssyncset.s32 $0xFFFFF086  }
0x25: {  	[simem:s6], [sflag:s4] =	dma.local [hbm:s3], $0xF7A  }
0x26: {  	[smem:$0x3F8B] =	sst s1;
	(tag) =	ssettag s2;
	_ =	strace s9  }
0x27: {  	s1 =	sld [smem:$0x3F9B]  }
0x28: {  	s2 =	sld [smem:$0x3F9C]  }
0x29: {  	s4 =	sld [smem:$0x3F9E]  }
0x2a: {  	p0 =	seq.s32 s5, $0x0;
	s5 =	sld [smem:$0x3F9F]  }
0x2b: {  	s6 =	sld [smem:$0x3FA0]  }
0x2c: {  	s7 =	sld [smem:$0x3FA1]  }
0x2d: {  	s3 =	simm.s32 $0x108;
	s8 =	sld [smem:$0x3FA2]  }
0x2e: {  	s3 =	simm.s32 @!p0 $0x1082;
	s9 =	sld [smem:$0x3FA3]  }
0x2f: {  	lr =	sadd.s32 s0, s3;
	s0 =	sld [smem:$0x3F9A]  }
0x30: {  	s3 =	sld [smem:$0x3F9D]  }
0x31: {  	[smem:$0x3FA6] =	sst s10  }
0x32: {  	s10 =	sld [smem:$0x3FA4];
	_ =	sdelay $0x3  }
0x33: {  	p0 =	seq.s32 s10, $0x1;
	s10 =	sld [smem:$0x3FA6];
	_ =	sdelay $0x3  }
0x34: {  	[smem:$0x3FA6] =	sst s10  }
0x35: {  	s10 =	sld [smem:$0x3FA5];
	_ =	sdelay $0x3  }
0x36: {  	p1 =	seq.s32 s10, $0x1;
	s10 =	sld [smem:$0x3FA6];
	_ =	sdelay $0x3  }
0x37: {  	[smem:$0x3FA6] =	sst s10  }
0x38: {  	s10 =	sld [smem:$0x3FA7]  }
0x39: {  	_ = 	snop;
	(pc) =	sbr.ind lr, $3  }
0x3a: {  	_ = 	snop  }
0x3b: {  	_ = 	snop  }
0x3c: {  	p2 =	seq.s32 s10, $0x1;
	s10 =	sld [smem:$0x3FA6]  }
0x3d: {  	_ =	shalt  }
0x3e: {  	_ =	shalt  }
0x3f: {  	_ =	shalt  }
0x40: {  	_ =	shalt  }
0x41: {  	_ =	shalt  }
0x42: {  	_ =	shalt  }
0x43: {  	_ =	shalt  }
0x44: {  	_ =	shalt  }
0x45: {  	_ =	shalt  }
0x46: {  	_ =	shalt  }
0x47: {  	_ =	shalt  }
0x48: {  	_ =	shalt  }
0x49: {  	_ =	shalt  }
0x4a: {  	_ =	shalt  }
0x4b: {  	_ =	shalt  }
0x4c: {  	_ =	shalt  }
0x4d: {  	_ =	shalt  }
0x4e: {  	_ =	shalt  }
0x4f: {  	_ =	shalt  }
0x50: {  	_ =	shalt  }
0x51: {  	_ =	shalt  }
0x52: {  	_ =	shalt  }
0x53: {  	_ =	shalt  }
0x54: {  	_ =	shalt  }
0x55: {  	_ =	shalt  }
0x56: {  	_ =	shalt  }
0x57: {  	_ =	shalt  }
0x58: {  	_ =	shalt  }
0x59: {  	_ =	shalt  }
0x5a: {  	_ =	shalt  }
0x5b: {  	_ =	shalt  }
0x5c: {  	_ =	shalt  }
0x5d: {  	_ =	shalt  }
0x5e: {  	_ =	shalt  }
0x5f: {  	_ =	shalt  }
0x60: {  	_ =	shalt  }
0x61: {  	_ =	shalt  }
0x62: {  	_ =	shalt  }
0x63: {  	_ =	shalt  }
0x64: {  	_ =	shalt  }
0x65: {  	_ =	shalt  }
0x66: {  	_ =	shalt  }
0x67: {  	_ =	shalt  }
0x68: {  	_ =	shalt  }
0x69: {  	_ =	shalt  }
0x6a: {  	_ =	shalt  }
0x6b: {  	_ =	shalt  }
0x6c: {  	_ =	shalt  }
0x6d: {  	_ =	shalt  }
0x6e: {  	_ =	shalt  }
0x6f: {  	_ =	shalt  }
0x70: {  	_ =	shalt  }
0x71: {  	_ =	shalt  }
0x72: {  	_ =	shalt  }
0x73: {  	_ =	shalt  }
0x74: {  	_ =	shalt  }
0x75: {  	_ =	shalt  }
0x76: {  	_ =	shalt  }
0x77: {  	_ =	shalt  }
0x78: {  	_ =	shalt  }
0x79: {  	_ =	shalt  }
0x7a: {  	_ =	shalt  }
0x7b: {  	_ =	shalt  }
0x7c: {  	_ =	shalt  }
0x7d: {  	_ =	shalt  }
0x7e: {  	_ =	shalt  }
0x7f: {  	_ =	shalt  }
0x80: {  	_ =	shalt  }
0x81: {  	_ =	shalt  }
0x82: {  	_ =	shalt  }
0x83: {  	_ =	shalt  }
0x84: {  	_ =	shalt  }
0x85: {  	_ =	shalt  }
0x86: {  	_ =	shalt  }
0x87: {  	_ =	shalt  }
.Lfunc_end0:
.L_simem_size_0:
called_computation.1_lowered:
.L_overlay_start_0:
0x88: {  	s2 =	sld [smem:$0x3FD9]  }
0x89: {  	s3 =	sld [smem:$0x3FFE];
	_ =	sdelay $0x1  }
0x8a: {  	s1 =	srdreg.scid  }
0x8b: {  	s0 =	sand.u32 $0x1, s1  }
0x8c: {  	s14 =	sshll.u32 s0, $0xA;
	s2 =	sadd.s32 s3, s2  }
0x8d: {  	s2 =	sadd.s32 s2, s14  }
0x8e: {  	[smem:$0x3FB2] =	sst s2  }
0x8f: {  	_ = 	snop  }
0x90: {  	s2 =	sld [smem:$0x3FD0];
	_ =	sdelay $0x2  }
0x91: {  	s15 =	simm.s32 $0xB;
	s4 =	simm.s32 $0x10  }
0x92: {  	[smem:s4], [sflag:s15] =	dma.local [hbm:s2], $0x1  }
0x93: {  	_ =	swait.eq [sflag:s15], $0x1  }
0x94: {  	[sflag:s15] =	ssyncset.done $0x0  }
0x95: {  	s16 =	sld [smem:$0x10];
	[sflag:s15] =	ssyncadd.s32 $0xFFFFFFFF  }
0x96: {  	s17 =	sld [smem:$0x11];
	(tm) =	ssettm $0x1  }
0x97: {  	s18 =	sld [smem:$0x3FFB];
	_ =	sdelay $0x3  }
0x98: {  	_ =	strace s18  }
0x99: {  	s4 =	sld [smem:$0x3FFC];
	_ =	sdelay $0x3  }
0x9a: {  	_ =	strace s4  }
0x9b: {  	s4 =	sld [smem:$0x3FFD];
	_ =	sdelay $0x3  }
0x9c: {  	_ =	strace s4  }
0x9d: {  	_ =	strace $0x8FFFFFFF  }
0x9e: {  	s19 =	sld [smem:$0x3FDB];
	_ =	sdelay $0x1  }
0x9f: {  	s5 =	simm.s32 $_scs_section_size  }
0xa0: {  	s6 =	simm.s32 $_size__tile_overlayer_lowered;
	s7 =	simm.s32 $_tile_overlayer_lowered  }
0xa1: {  	s22 =	simm.s32 $0x1BFF;
	s21 =	sshll.u32 s7, $0x1;
	s4 =	sadd.s32 s5, s19  }
0xa2: {  	s8 =	simm.s32 $0x0;
	s20 =	sshll.u32 s6, $0x1;
	s6 =	sadd.s32 s21, s4  }
0xa3: {  	[timem:s8], [sflag:s22] =	dma.local [hbm:s6], s20  }
0xa4: {  	_ =	swait.ge [sflag:s22], s20  }
0xa5: {  	s5 =	ssub.s32 $0x0, s20;
	[sflag:s22] =	ssyncset.done $0x0  }
0xa6: {  	[sflag:s22] =	ssyncadd.s32 s5;
	_ =	sdelay $0x1  }
0xa7: {  	s23 =	simm.s32 $0x1B8B  }
0xa8: {  	_ =	swait.ge [sflag:s23], $0x1  }
0xa9: {  	[sflag:s23] =	ssyncset.done $0x0  }
0xaa: {  	s25 =	simm.s32 $0x1B8E;
	s24 =	sld [smem:$0x3FFE];
	[sflag:s23] =	ssyncadd.s32 $0xFFFFFFFF  }
0xab: {  	s26 =	simm.s32 $execute0_lowered;
	[smem:$0x3FD2] =	sst s25  }
0xac: {  	s6 =	sshll.u32 s26, $0x1;
	_ =	strace $0x80000046;
	[dreg:$0x1] =	wrdreg $0xFFFFFFFF  }
0xad: {  	s28 =	simm.s32 $_size_execute0_lowered;
	s4 =	sadd.s32 s4, s6;
	[dreg:$0x0] =	wrdreg $0x0  }
0xae: {  	s6 =	sshll.u32 s28, $0x1;
	[dreg:$0x2] =	wrdreg s4  }
0xaf: {  	[dreg:$0x3] =	wrdreg s6  }
0xb0: {  	[dreg:$0x4] =	wrdreg $0xC0  }
0xb1: {  	_ =	task [dreg:s8], $0x5FFFF  }
0xb2: {  	[dreg:$0x1] =	wrdreg $0xFFFFFFFF  }
0xb3: {  	[dreg:$0x0] =	wrdreg $0x60  }
0xb4: {  	[dreg:$0x2] =	wrdreg s16  }
0xb5: {  	[dreg:$0x3] =	wrdreg s17  }
0xb6: {  	[dreg:$0x4] =	wrdreg s24  }
0xb7: {  	[dreg:$0x5] =	wrdreg $0xA  }
0xb8: {  	_ =	task.clear_ibuf [dreg:s8], $0x6FFFF;
	_ =	strace $0x90000046  }
0xb9: {  	s29 =	simm.s32 $0xA;
	_ =	strace $0x80000048  }
0xba: {  	_ =	swait.ge [sflag:s29], $0x1  }
0xbb: {  	[sflag:s29] =	ssyncadd.s32 $0xFFFFFFFF  }
0xbc: {  	_ =	strace $0x90000048  }
0xbd: {  	_ =	sfence  }
0xbe: {  	s30 =	sld [smem:$0x0];
	_ =	sdelay $0x2  }
0xbf: {  	s31 =	sshll.u32 s1, $0xD;
	s1 =	sshrl.u32 s1, $0x2  }
0xc0: {  	s3 =	sand.u32 $0x4000, s31;
	s1 =	sadd.s32 s1, s30  }
0xc1: {  	s0 =	sor.u32 s3, s0;
	s1 =	sshll.u32 s1, $0x11  }
0xc2: {  	s0 =	sor.u32 s1, s0  }
0xc3: {  	s0 =	sadd.s32 $0x8F2B, s0  }
0xc4: {  	[sflag:s0] =	ssyncadd.remote.s32 $0x1  }
0xc5: {  	_ =	sfence.sel $0xFFFF  }
0xc6: {  	[dreg:$0x0] =	wrdreg $0xFFFFFFFF;
	(pc) =	sbr.abs _section_cstart, $3  }
0xc7: {  	[dreg:$0x1] =	wrdreg $0xFFFFFFFF  }
0xc8: {  	_ =	task.clear_ibuf [dreg:s8], $0x2FFFF;
	_ =	strace $0x9FFFFFFF  }
0xc9: {  	(tm) =	ssettm $0x7FFFFFFF  }
tec
execute0_lowered:
.L_overlay_start_1:
0x0: {  	(tag) =	ssettag $0x1  }
0x1: {  	s1 =	rddreg [dreg:$0x0]  }
0x2: {  	s2 =	rddreg [dreg:$0x1]  }
0x3: {  	s6 =	rddreg [dreg:$0x2];
	s4 =	simm.s32 $0x0;
	s0 =	stileid.u32  }
0x4: {  	s8 =	srdreg.scid;
	s14 =	simm.s32 $0x3;
	s15 =	simm.s32 $0x80  }
0x5: {  	s16 =	simm.s32 $0x200;
	s17 =	simm.s32 $0x4200;
	s18 =	simm.s32 $0x8200  }
0x6: {  	s19 =	simm.s32 $0x100;
	s20 =	simm.s32 $0x180;
	s21 =	simm.s32 $0xC200  }
0x7: {  	s22 =	simm.s32 $0x10200;
	s23 =	simm.s32 $0x14200;
	s24 =	simm.s32 $0x1  }
0x8: {  	s25 =	simm.s32 $0x2;
	[smem:$0x7FF] =	sst s4;
	s7 =	smul.u32 $0x500, s0  }
0x9: {  	s5 =	sadd.s32 $0x18800, s6;
	s9 =	smul.u32 $0x28000, s0;
	s11 =	sand.u32 $0x1, s8  }
0xa: {  	s10 =	sshll.u32 s0, $0x1;
	_ =	strace $0x80000047;
	s26 =	ssub.s32 $0x2, s11  }
0xb: {  	s8 =	smul.u32 $0x14000, s11;
	s29 =	sor.u32 s11, s10;
	s13 =	sadd.s32 s7, s6  }
.Ltmp0:
0xc: {  	s6 =	sadd.s32 s9, s6;
	s28 =	sshrl.u32 s26, $0x1;
	(pc) =	sbr.rel .LBB2_1-.Ltmp0, $4  }
0xd: {  	s11 =	smul.u32 $0x280, s11;
	s7 =	ssub.s32 s26, s28;
	s30 =	sadd.s32 s8, s6  }
0xe: {  	s6 =	smul.u32 $0x28, s29;
	s12 =	sadd.s32 $0xE800, s13;
	s13 =	sadd.s32 $0x13800, s13  }
0xf: {  	s26 =	simm.s32 $0x0;
	s31 =	smax.u32 s7, $0x1;
	s8 =	sadd.s32 $0x521A00, s30  }
0x10: {  	s9 =	sadd.s32 $0x2B0A00, s30;
	s10 =	sadd.s32 $0x3FA00, s30;
	[dreg:$0x4] =	wrdreg s31  }
.LBB2_5:
0x11: {  	s26 =	sadd.s32 $0x1, s26;
	s0 =	rddreg [dreg:$0x4]  }
0x12: {  	p0 =	sne.s32 s26, s0  }
.Ltmp1:
0x13: {  	_ = 	snop;
	(pc) =	sbr.rel @!p0 .LBB2_6-.Ltmp1, $1  }
0x14: {  	_ =	sdelay $0x3  }
.LBB2_1:
.Ltmp2:
0x15: {  	(pc) =	sbr.rel .LBB2_2-.Ltmp2, $3  }
0x16: {  	_ =	sdelay $0x1  }
0x17: {  	s28 =	smov.u32 s6  }
0x18: {  	s29 =	smov.u32 s13;
	s30 =	smov.u32 s12;
	s31 =	simm.s32 $0x0  }
.LBB2_4:
0x19: {  	s31 =	sadd.s32 $0x1000, s31  }
0x1a: {  	p0 =	sne.s32 s31, $0x14000  }
.Ltmp3:
0x1b: {  	_ = 	snop;
	(pc) =	sbr.rel @!p0 .LBB2_5-.Ltmp3, $2  }
0x1c: {  	_ =	sdelay $0x2  }
0x1d: {  	s30 =	sadd.s32 $0x20, s30;
	s29 =	sadd.s32 $0x20, s29;
	s28 =	sadd.s32 $0x2, s28  }
.LBB2_2:
0x1e: {  	p0 =	sgt.u32 s28, $0x4E1  }
.Ltmp4:
0x1f: {  	_ = 	snop;
	(pc) =	sbr.rel @p0 .LBB2_4-.Ltmp4, $1  }
0x20: {  	_ =	sdelay $0x3  }
0x21: {  	s0 =	sadd.s32 s29, s11  }
0x22: {  	[tilespmem:s4], [sflag:$0x3] =	stream.linear.gather [hbm4b:s0+s4], $0x80, $0x38;
	[tilespmem:$0x18200] =	vst v63  }
0x23: {  	_ =	swait.ge [sflag:s14], $0x80  }
0x24: {  	[sflag:s14] =	ssyncset.done $0x0  }
0x25: {  	s3 =	sadd.s32 s30, s11;
	[sflag:s14] =	ssyncadd.s32 $0xFFFFFF80  }
0x26: {  	[tilespmem:s15], [sflag:$0x3] =	stream.linear.gather [hbm4b:s3+s4], $0x80, $0x38;
	[tilespmem:$0x18200] =	vst v63  }
0x27: {  	_ =	swait.ge [sflag:s14], $0x80  }
0x28: {  	[sflag:s14] =	ssyncset.done $0x0  }
0x29: {  	[sflag:s14] =	ssyncadd.s32 $0xFFFFFF80  }
0x2a: {  	[tilespmem:s16], [sflag:$0x1] =	stream.indirect.gather [hbm4b:s1+s15], $0x80, s4, s15, $0xb8;
	[tilespmem:$0x18200] =	vst v63  }
0x2b: {  	_ = 	snop  }
0x2c: {  	[tilespmem:s17], [sflag:$0x1] =	stream.indirect.gather [hbm4b:s2+s15], $0x80, s15, s15, $0xb8;
	[tilespmem:$0x18200] =	vst v63  }
0x2d: {  	_ = 	snop  }
0x2e: {  	[tilespmem:s18], [sflag:$0x1] =	stream.indirect.gather [hbm4b:s5+s15], $0x80, s15, s15, $0xb8;
	[tilespmem:$0x18200] =	vst v63  }
0x2f: {  	s0 =	sadd.s32 $0x10, s0  }
0x30: {  	[tilespmem:s19], [sflag:$0x3] =	stream.linear.gather [hbm4b:s0+s4], $0x80, $0x38;
	[tilespmem:$0x18200] =	vst v63  }
0x31: {  	_ =	swait.ge [sflag:s14], $0x80  }
0x32: {  	[sflag:s14] =	ssyncset.done $0x0  }
0x33: {  	s7 =	sadd.s32 $0x10, s3;
	[sflag:s14] =	ssyncadd.s32 $0xFFFFFF80  }
0x34: {  	[tilespmem:s20], [sflag:$0x3] =	stream.linear.gather [hbm4b:s7+s4], $0x80, $0x38;
	[tilespmem:$0x18200] =	vst v63  }
0x35: {  	_ =	swait.ge [sflag:s14], $0x80  }
0x36: {  	[sflag:s14] =	ssyncset.done $0x0  }
0x37: {  	[sflag:s14] =	ssyncadd.s32 $0xFFFFFF80  }
0x38: {  	[tilespmem:s21], [sflag:$0x1] =	stream.indirect.gather [hbm4b:s1+s15], $0x80, s19, s15, $0xb8;
	[tilespmem:$0x18200] =	vst v63  }
0x39: {  	_ = 	snop  }
0x3a: {  	[tilespmem:s22], [sflag:$0x1] =	stream.indirect.gather [hbm4b:s2+s15], $0x80, s20, s15, $0xb8;
	[tilespmem:$0x18200] =	vst v63  }
0x3b: {  	_ = 	snop  }
0x3c: {  	[tilespmem:s23], [sflag:$0x1] =	stream.indirect.gather [hbm4b:s5+s15], $0x80, s20, s15, $0xb8;
	[tilespmem:$0x18200] =	vst v63  }
0x3d: {  	_ =	swait.ge [sflag:s24], $0x4000  }
0x3e: {  	[sflag:s24] =	ssyncset.done $0x0  }
0x3f: {  	[sflag:s24] =	ssyncadd.s32 $0xFFFFC000  }
0x40: {  	_ =	swait.ge [sflag:s24], $0x4000  }
0x41: {  	[sflag:s24] =	ssyncset.done $0x0  }
0x42: {  	[sflag:s24] =	ssyncadd.s32 $0xFFFFC000  }
0x43: {  	_ =	swait.ge [sflag:s24], $0x4000  }
0x44: {  	[sflag:s24] =	ssyncset.done $0x0  }
0x45: {  	s0 =	sadd.s32 s31, s10;
	[sflag:s24] =	ssyncadd.s32 $0xFFFFC000  }
0x46: {  	[hbm4b:s0+s4] =	stream.linear.scatter [tilespmem:s16], [sflag:$0x2], $0x4000, $0x38;
	[tilespmem:$0x18200] =	vst v63  }
0x47: {  	s3 =	sadd.s32 s31, s9  }
0x48: {  	[hbm4b:s3+s4] =	stream.linear.scatter [tilespmem:s17], [sflag:$0x2], $0x4000, $0x38;
	[tilespmem:$0x18200] =	vst v63  }
0x49: {  	s7 =	sadd.s32 s31, s8  }
0x4a: {  	[hbm4b:s7+s4] =	stream.linear.scatter [tilespmem:s18], [sflag:$0x2], $0x4000, $0x38;
	[tilespmem:$0x18200] =	vst v63  }
0x4b: {  	_ =	swait.ge [sflag:s24], $0x4000  }
0x4c: {  	[sflag:s24] =	ssyncset.done $0x0  }
0x4d: {  	[sflag:s24] =	ssyncadd.s32 $0xFFFFC000  }
0x4e: {  	_ =	swait.ge [sflag:s24], $0x4000  }
0x4f: {  	[sflag:s24] =	ssyncset.done $0x0  }
0x50: {  	[sflag:s24] =	ssyncadd.s32 $0xFFFFC000  }
0x51: {  	_ =	swait.ge [sflag:s24], $0x4000  }
0x52: {  	[sflag:s24] =	ssyncset.done $0x0  }
0x53: {  	s0 =	sadd.s32 $0x800, s0;
	[sflag:s24] =	ssyncadd.s32 $0xFFFFC000  }
0x54: {  	[hbm4b:s0+s4] =	stream.linear.scatter [tilespmem:s21], [sflag:$0x2], $0x4000, $0x38;
	[tilespmem:$0x18200] =	vst v63  }
0x55: {  	s3 =	sadd.s32 $0x800, s3  }
0x56: {  	[hbm4b:s3+s4] =	stream.linear.scatter [tilespmem:s22], [sflag:$0x2], $0x4000, $0x38;
	[tilespmem:$0x18200] =	vst v63  }
0x57: {  	s7 =	sadd.s32 $0x800, s7  }
0x58: {  	[hbm4b:s7+s4] =	stream.linear.scatter [tilespmem:s23], [sflag:$0x2], $0x4000, $0x38;
	[tilespmem:$0x18200] =	vst v63  }
0x59: {  	_ =	swait.ge [sflag:s25], $0x4000  }
0x5a: {  	[sflag:s25] =	ssyncset.done $0x0  }
0x5b: {  	[sflag:s25] =	ssyncadd.s32 $0xFFFFC000  }
0x5c: {  	_ =	swait.ge [sflag:s25], $0x4000  }
0x5d: {  	[sflag:s25] =	ssyncset.done $0x0  }
0x5e: {  	[sflag:s25] =	ssyncadd.s32 $0xFFFFC000  }
0x5f: {  	_ =	swait.ge [sflag:s25], $0x4000  }
0x60: {  	[sflag:s25] =	ssyncset.done $0x0  }
0x61: {  	[sflag:s25] =	ssyncadd.s32 $0xFFFFC000  }
0x62: {  	_ =	swait.ge [sflag:s25], $0x4000  }
0x63: {  	[sflag:s25] =	ssyncset.done $0x0  }
0x64: {  	[sflag:s25] =	ssyncadd.s32 $0xFFFFC000  }
0x65: {  	_ =	swait.ge [sflag:s25], $0x4000  }
.Ltmp5:
0x66: {  	[sflag:s25] =	ssyncset.done $0x0;
	(pc) =	sbr.rel .LBB2_4-.Ltmp5, $4  }
0x67: {  	[sflag:s25] =	ssyncadd.s32 $0xFFFFC000  }
0x68: {  	_ =	swait.ge [sflag:s25], $0x4000  }
0x69: {  	[sflag:s25] =	ssyncset.done $0x0  }
0x6a: {  	[sflag:s25] =	ssyncadd.s32 $0xFFFFC000  }
.LBB2_6:
0x6b: {  	_ =	sfence.sel $0x180000  }
0x6c: {  	[bflag:$0x0] =	sbarrier.arrive $0xFFFF  }
0x6d: {  	_ =	strace $0x90000047  }
0x6e: {  	s0 =	stileid.u32;
	[bflag:$0x2] =	sbarrier.arrive $0xFFFF  }
0x6f: {  	p0 =	sne.s32 s0, $0x0;
	s0 =	rddreg [dreg:$0x3]  }
0x70: {  	s0 =	sadd.s32 @!p0 $0x100000, s0  }
0x71: {  	[sflag:s0] =	ssyncadd.tile.s32 @!p0 $0x1;
	_ =	shalt  }
.Lfunc_end2:
_tile_overlayer_lowered:
.L_overlay_start_2:
0x72: {  	(tag) =	ssettag $0x2  }
0x73: {  	s0 =	rddreg [dreg:$0x0];
	s2 =	stileid.u32  }
0x74: {  	s1 =	rddreg [dreg:$0x1];
	p0 =	sne.s32 s2, $0x0  }
0x75: {  	s3 =	rddreg [dreg:$0x2];
	[bflag:$0x3] =	sbarrier.arrive $0xFFFF;
	s2 =	simm.s32 @!p0 $0x1C03  }
0x76: {  	[timem:s3], [sflag:s2] =	dma.local @!p0 [hbm:s0], s1  }
0x77: {  	s0 =	simm.s32 @!p0 $0x3  }
0x78: {  	_ =	swait.ge @!p0 [sflag:s0], s1  }
0x79: {  	s1 =	ssub.s32 @!p0 $0x0, s1;
	[sflag:s0] =	ssyncset.done @!p0 $0x0  }
0x7a: {  	[sflag:s0] =	ssyncadd.s32 @!p0 s1  }
0x7b: {  	[bflag:$0x3] =	sbarrier.arrive $0xFFFF  }
0x7c: {  	_ =	shalt  }

// kernel: kernel.15.cloned.1.call-start
scs
__scs_entry_jumppad:
0x0: {  	(pc) =	sbr.rel $0x88, $3  }
0x1: {  	(tag) =	ssettag $0x0;
	lr =	simm.s32 $0x1  }
0x2: {  	[smem:$0x3F8B] =	sst lr;
	_ =	strace $0xD0000000  }
0x3: {  	_ = 	snop  }
0x4: {  	_ = 	snop  }
0x5: {  	_ = 	snop  }
0x6: {  	_ = 	snop  }
0x7: {  	_ = 	snop  }
__scs_overlays_trampoline_lowered:
0x8: {  	[smem:$0x3F9A] =	sst s0  }
0x9: {  	[smem:$0x3F9B] =	sst s1  }
0xa: {  	[smem:$0x3F9C] =	sst s2  }
0xb: {  	[smem:$0x3F9D] =	sst s3  }
0xc: {  	[smem:$0x3F9E] =	sst s4  }
0xd: {  	[smem:$0x3F9F] =	sst s5  }
0xe: {  	[smem:$0x3FA0] =	sst s6  }
0xf: {  	[smem:$0x3FA1] =	sst s7  }
0x10: {  	[smem:$0x3FA2] =	sst s8  }
0x11: {  	[smem:$0x3FA3] =	sst s9;
	s0 =	simm.s32 @!p0 $0x0  }
0x12: {  	s1 =	sld [smem:$0x3F89];
	s0 =	simm.s32 @p0 $0x1  }
0x13: {  	[smem:$0x3FA4] =	sst s0;
	s0 =	simm.s32 @!p1 $0x0  }
0x14: {  	s2 =	sld [smem:$0x3F88];
	s0 =	simm.s32 @p1 $0x1  }
0x15: {  	[smem:$0x3FA5] =	sst s0;
	s0 =	simm.s32 @!p2 $0x0  }
0x16: {  	s3 =	sld [smem:$0x3FDB];
	s0 =	simm.s32 @p2 $0x1  }
0x17: {  	s4 =	simm.s32 $0x1BF5;
	[smem:$0x3FA7] =	sst s0  }
0x18: {  	s0 =	sld [smem:$0x3F8A];
	_ =	swait.ge [sflag:s4], $0x0  }
0x19: {  	s7 =	sld [smem:$0x3F8B]  }
0x1a: {  	s8 =	sadd.s32 $0xFFFFE003, lr  }
0x1b: {  	s9 =	sadd.s32 $0xFFFFFEF7, lr;
	s5 =	simm.s32 $0xFFFFFFFF;
	p2 =	slt.u32 s8, $0xFFFFF086  }
0x1c: {  	p1 =	slt.u32 s9, $0xF7A;
	s5 =	simm.s32 @!p2 $0x0  }
0x1d: {  	s5 =	simm.s32 @p1 $0x1;
	p0 =	seq.s32 s7, s2  }
0x1e: {  	s7 =	smul.u32 @!p0 $0xF7A, s2;
	p2 =	seq.s32 @!p0 s5, $0x0  }
0x1f: {  	s9 =	smul.u32 $0xF7A, s1;
	s8 =	simm.s32 @!p0 $0x1BF5;
	p2 =	por !p2, p0  }
0x20: {  	[sflag:s8] =	ssyncset.s32 @!p0 $0xFFFFF086;
	s6 =	sadd.s32 @!p0 s3, s7;
	s7 =	simm.s32 @!p0 $0x108  }
0x21: {  	s3 =	sadd.s32 s3, s9;
	s6 =	sadd.s32 @!p0 $0x88, s6;
	s7 =	simm.s32 @p2 $0x1082  }
0x22: {  	[simem:s7], [sflag:s8] =	dma.local @!p0 [hbm:s6], $0xF7A  }
0x23: {  	s9 =	sor.u32 $0xD0000000, s2;
	s6 =	simm.s32 $0x108;
	_ =	swait.ge @!p0 [sflag:s8], $0x0  }
0x24: {  	s3 =	sadd.s32 $0x88, s3;
	s6 =	simm.s32 @!p1 $0x1082;
	[sflag:s4] =	ssyncset.s32 $0xFFFFF086  }
0x25: {  	[simem:s6], [sflag:s4] =	dma.local [hbm:s3], $0xF7A  }
0x26: {  	[smem:$0x3F8B] =	sst s1;
	(tag) =	ssettag s2;
	_ =	strace s9  }
0x27: {  	s1 =	sld [smem:$0x3F9B]  }
0x28: {  	s2 =	sld [smem:$0x3F9C]  }
0x29: {  	s4 =	sld [smem:$0x3F9E]  }
0x2a: {  	p0 =	seq.s32 s5, $0x0;
	s5 =	sld [smem:$0x3F9F]  }
0x2b: {  	s6 =	sld [smem:$0x3FA0]  }
0x2c: {  	s7 =	sld [smem:$0x3FA1]  }
0x2d: {  	s3 =	simm.s32 $0x108;
	s8 =	sld [smem:$0x3FA2]  }
0x2e: {  	s3 =	simm.s32 @!p0 $0x1082;
	s9 =	sld [smem:$0x3FA3]  }
0x2f: {  	lr =	sadd.s32 s0, s3;
	s0 =	sld [smem:$0x3F9A]  }
0x30: {  	s3 =	sld [smem:$0x3F9D]  }
0x31: {  	[smem:$0x3FA6] =	sst s10  }
0x32: {  	s10 =	sld [smem:$0x3FA4];
	_ =	sdelay $0x3  }
0x33: {  	p0 =	seq.s32 s10, $0x1;
	s10 =	sld [smem:$0x3FA6];
	_ =	sdelay $0x3  }
0x34: {  	[smem:$0x3FA6] =	sst s10  }
0x35: {  	s10 =	sld [smem:$0x3FA5];
	_ =	sdelay $0x3  }
0x36: {  	p1 =	seq.s32 s10, $0x1;
	s10 =	sld [smem:$0x3FA6];
	_ =	sdelay $0x3  }
0x37: {  	[smem:$0x3FA6] =	sst s10  }
0x38: {  	s10 =	sld [smem:$0x3FA7]  }
0x39: {  	_ = 	snop;
	(pc) =	sbr.ind lr, $3  }
0x3a: {  	_ = 	snop  }
0x3b: {  	_ = 	snop  }
0x3c: {  	p2 =	seq.s32 s10, $0x1;
	s10 =	sld [smem:$0x3FA6]  }
0x3d: {  	_ =	shalt  }
0x3e: {  	_ =	shalt  }
0x3f: {  	_ =	shalt  }
0x40: {  	_ =	shalt  }
0x41: {  	_ =	shalt  }
0x42: {  	_ =	shalt  }
0x43: {  	_ =	shalt  }
0x44: {  	_ =	shalt  }
0x45: {  	_ =	shalt  }
0x46: {  	_ =	shalt  }
0x47: {  	_ =	shalt  }
0x48: {  	_ =	shalt  }
0x49: {  	_ =	shalt  }
0x4a: {  	_ =	shalt  }
0x4b: {  	_ =	shalt  }
0x4c: {  	_ =	shalt  }
0x4d: {  	_ =	shalt  }
0x4e: {  	_ =	shalt  }
0x4f: {  	_ =	shalt  }
0x50: {  	_ =	shalt  }
0x51: {  	_ =	shalt  }
0x52: {  	_ =	shalt  }
0x53: {  	_ =	shalt  }
0x54: {  	_ =	shalt  }
0x55: {  	_ =	shalt  }
0x56: {  	_ =	shalt  }
0x57: {  	_ =	shalt  }
0x58: {  	_ =	shalt  }
0x59: {  	_ =	shalt  }
0x5a: {  	_ =	shalt  }
0x5b: {  	_ =	shalt  }
0x5c: {  	_ =	shalt  }
0x5d: {  	_ =	shalt  }
0x5e: {  	_ =	shalt  }
0x5f: {  	_ =	shalt  }
0x60: {  	_ =	shalt  }
0x61: {  	_ =	shalt  }
0x62: {  	_ =	shalt  }
0x63: {  	_ =	shalt  }
0x64: {  	_ =	shalt  }
0x65: {  	_ =	shalt  }
0x66: {  	_ =	shalt  }
0x67: {  	_ =	shalt  }
0x68: {  	_ =	shalt  }
0x69: {  	_ =	shalt  }
0x6a: {  	_ =	shalt  }
0x6b: {  	_ =	shalt  }
0x6c: {  	_ =	shalt  }
0x6d: {  	_ =	shalt  }
0x6e: {  	_ =	shalt  }
0x6f: {  	_ =	shalt  }
0x70: {  	_ =	shalt  }
0x71: {  	_ =	shalt  }
0x72: {  	_ =	shalt  }
0x73: {  	_ =	shalt  }
0x74: {  	_ =	shalt  }
0x75: {  	_ =	shalt  }
0x76: {  	_ =	shalt  }
0x77: {  	_ =	shalt  }
0x78: {  	_ =	shalt  }
0x79: {  	_ =	shalt  }
0x7a: {  	_ =	shalt  }
0x7b: {  	_ =	shalt  }
0x7c: {  	_ =	shalt  }
0x7d: {  	_ =	shalt  }
0x7e: {  	_ =	shalt  }
0x7f: {  	_ =	shalt  }
0x80: {  	_ =	shalt  }
0x81: {  	_ =	shalt  }
0x82: {  	_ =	shalt  }
0x83: {  	_ =	shalt  }
0x84: {  	_ =	shalt  }
0x85: {  	_ =	shalt  }
0x86: {  	_ =	shalt  }
0x87: {  	_ =	shalt  }
.Lfunc_end0:
.L_simem_size_0:
called_computation.2_lowered:
.L_overlay_start_0:
0x88: {  	s2 =	sld [smem:$0x3FD9]  }
0x89: {  	s3 =	sld [smem:$0x3FFE];
	_ =	sdelay $0x1  }
0x8a: {  	s1 =	srdreg.scid  }
0x8b: {  	s0 =	sand.u32 $0x1, s1  }
0x8c: {  	s16 =	sshll.u32 s0, $0xA;
	s2 =	sadd.s32 s3, s2  }
0x8d: {  	s2 =	sadd.s32 s2, s16  }
0x8e: {  	[smem:$0x3FB2] =	sst s2  }
0x8f: {  	_ = 	snop  }
0x90: {  	(tm) =	ssettm $0x1  }
0x91: {  	s17 =	sld [smem:$0x3FFB];
	_ =	sdelay $0x3  }
0x92: {  	_ =	strace s17  }
0x93: {  	s2 =	sld [smem:$0x3FFC];
	_ =	sdelay $0x3  }
0x94: {  	_ =	strace s2  }
0x95: {  	s2 =	sld [smem:$0x3FFD];
	_ =	sdelay $0x3  }
0x96: {  	_ =	strace s2  }
0x97: {  	_ =	strace $0x8FFFFFFF  }
0x98: {  	s18 =	sld [smem:$0x3FDB];
	_ =	sdelay $0x1  }
0x99: {  	s19 =	simm.s32 $_scs_section_size  }
0x9a: {  	s4 =	simm.s32 $_size__tile_overlayer_lowered;
	s5 =	simm.s32 $_tile_overlayer_lowered  }
0x9b: {  	s22 =	simm.s32 $0x1BFF;
	s21 =	sshll.u32 s5, $0x1;
	s2 =	sadd.s32 s19, s18  }
0x9c: {  	s6 =	simm.s32 $0x0;
	s20 =	sshll.u32 s4, $0x1;
	s4 =	sadd.s32 s21, s2  }
0x9d: {  	[timem:s6], [sflag:s22] =	dma.local [hbm:s4], s20  }
0x9e: {  	_ =	swait.ge [sflag:s22], s20  }
0x9f: {  	s3 =	ssub.s32 $0x0, s20;
	[sflag:s22] =	ssyncset.done $0x0  }
0xa0: {  	[sflag:s22] =	ssyncadd.s32 s3;
	_ =	sdelay $0x1  }
0xa1: {  	s23 =	simm.s32 $0x1B8B  }
0xa2: {  	_ =	swait.ge [sflag:s23], $0x1  }
0xa3: {  	[sflag:s23] =	ssyncset.done $0x0  }
0xa4: {  	s25 =	simm.s32 $0x1B8E;
	s24 =	sld [smem:$0x3FFE];
	[sflag:s23] =	ssyncadd.s32 $0xFFFFFFFF  }
0xa5: {  	s26 =	simm.s32 $execute0_lowered;
	[smem:$0x3FD2] =	sst s25  }
0xa6: {  	s4 =	sshll.u32 s26, $0x1;
	_ =	strace $0x8000004C;
	[dreg:$0x1] =	wrdreg $0xFFFFFFFF  }
0xa7: {  	s28 =	simm.s32 $_size_execute0_lowered;
	s2 =	sadd.s32 s2, s4;
	[dreg:$0x0] =	wrdreg $0x0  }
0xa8: {  	s4 =	sshll.u32 s28, $0x1;
	[dreg:$0x2] =	wrdreg s2  }
0xa9: {  	[dreg:$0x3] =	wrdreg s4  }
0xaa: {  	[dreg:$0x4] =	wrdreg $0xC0  }
0xab: {  	_ =	task [dreg:s6], $0x5FFFF  }
0xac: {  	[dreg:$0x1] =	wrdreg $0xFFFFFFFF  }
0xad: {  	[dreg:$0x0] =	wrdreg $0x60  }
0xae: {  	[dreg:$0x2] =	wrdreg s24  }
0xaf: {  	[dreg:$0x3] =	wrdreg $0x40800  }
0xb0: {  	[dreg:$0x4] =	wrdreg $0x9  }
0xb1: {  	_ =	task.clear_ibuf [dreg:s6], $0x5FFFF;
	_ =	strace $0x9000004C  }
0xb2: {  	s29 =	simm.s32 $0x9;
	_ =	strace $0x8000004E  }
0xb3: {  	_ =	swait.ge [sflag:s29], $0x1  }
0xb4: {  	[sflag:s29] =	ssyncadd.s32 $0xFFFFFFFF  }
0xb5: {  	_ =	strace $0x9000004E  }
0xb6: {  	_ =	sfence  }
0xb7: {  	s30 =	sld [smem:$0x0];
	_ =	sdelay $0x2  }
0xb8: {  	s31 =	sshll.u32 s1, $0xD;
	s1 =	sshrl.u32 s1, $0x2  }
0xb9: {  	s3 =	sand.u32 $0x4000, s31;
	s1 =	sadd.s32 s1, s30  }
0xba: {  	s0 =	sor.u32 s3, s0;
	s1 =	sshll.u32 s1, $0x11  }
0xbb: {  	s0 =	sor.u32 s1, s0  }
0xbc: {  	s0 =	sadd.s32 $0x8F2B, s0  }
0xbd: {  	[sflag:s0] =	ssyncadd.remote.s32 $0x1  }
0xbe: {  	_ =	sfence.sel $0xFFFF  }
0xbf: {  	[dreg:$0x0] =	wrdreg $0xFFFFFFFF;
	(pc) =	sbr.abs _section_cstart, $3  }
0xc0: {  	[dreg:$0x1] =	wrdreg $0xFFFFFFFF  }
0xc1: {  	_ =	task.clear_ibuf [dreg:s6], $0x2FFFF;
	_ =	strace $0x9FFFFFFF  }
0xc2: {  	(tm) =	ssettm $0x7FFFFFFF  }
0xc3: {  	_ =	shalt  }
tec
execute0_lowered:
.L_overlay_start_1:
0x0: {  	(tag) =	ssettag $0x1  }
0x1: {  	s0 =	srdreg.scid  }
0x2: {  	s9 =	sand.u32 $0x1, s0  }
0x3: {  	s0 =	stileid.u32;
	s4 =	smul.u32 $0x27100, s9  }
0x4: {  	s16 =	rddreg [dreg:$0x0];
	s5 =	smul.u32 $0x2780, s0  }
0x5: {  	s2 =	rddreg [dreg:$0x1];
	s3 =	simm.s32 $0x0;
	s29 =	smul.u32 $0x4F000, s0  }
0x6: {  	[smem:$0x7FF] =	sst s3;
	s14 =	sadd.s32 $0x4F0800, s16;
	s10 =	smul.u32 $0x13C00, s0  }
0x7: {  	s1 =	rddreg [dreg:$0x2];
	_ =	strace $0x8000004D;
	s18 =	smul.u32 $0x13C000, s9  }
0x8: {  	s30 =	ssub.s32 $0x2, s9;
	p0 =	seq.s32 s9, $0x1;
	s9 =	smul.u32 $0x4F, s0  }
0x9: {  	s31 =	smul.u32 $0x27800, s0;
	s6 =	sshrl.u32 s30, $0x1;
	s4 =	sadd.s32 s5, s4  }
0xa: {  	s5 =	sshrl.u32 s29, $0x2;
	s11 =	sadd.s32 $0x4000, s10;
	s15 =	ssub.s32 s30, s6  }
0xb: {  	s12 =	sadd.s32 $0x8000, s10;
	s13 =	sadd.s32 $0xC000, s10;
	s19 =	sadd.s32 $0x10000, s10  }
0xc: {  	s10 =	sadd.s32 s10, s18;
	s4 =	sshrl.u32 s4, $0x3;
	s6 =	sadd.s32 s12, s2  }
0xd: {  	s7 =	sadd.s32 s13, s2;
	s8 =	sadd.s32 s19, s2;
	s10 =	sshrl.u32 s10, $0x3  }
0xe: {  	s12 =	sadd.s32 s18, s12;
	s13 =	sadd.s32 s18, s13;
	s15 =	smax.u32 s15, $0x1  }
0xf: {  	s17 =	sadd.s32 s4, s16;
	s4 =	sadd.s32 s5, s2;
	s5 =	sadd.s32 s11, s2  }
0x10: {  	s11 =	sadd.s32 s18, s11;
	s10 =	sadd.s32 s14, s10;
	s12 =	sshrl.u32 s12, $0x3  }
0x11: {  	s13 =	sshrl.u32 s13, $0x3;
	s18 =	sadd.s32 s18, s19;
	s19 =	simm.s32 $0x1160A00  }
0x12: {  	s11 =	sshrl.u32 s11, $0x3;
	s12 =	sadd.s32 s14, s12;
	s13 =	sadd.s32 s14, s13  }
0x13: {  	s18 =	sshrl.u32 s18, $0x3;
	s19 =	simm.s32 @!p0 $0x27F800;
	s11 =	sadd.s32 s14, s11  }
0x14: {  	s14 =	sadd.s32 s14, s18;
	s19 =	sadd.s32 s19, s16;
	s16 =	sadd.s32 $0x4A00, s17  }
0x15: {  	v0 =	vimm.f32 $0.0e+00;
	s18 =	simm.s32 $0x80;
	s17 =	sadd.s32 s31, s19;
	s19 =	simm.s32 $0x1  }
.LBB2_1:
0x16: {  	s20 =	simm.s32 $0x0;
	s21 =	simm.s32 $0x200  }
.LBB2_2:
0x17: {  	p0 =	sne.s32 s21, $0xFE00;
	[tilespmem:s20+$0xF0] =	vst v0  }
0x18: {  	[tilespmem:s20+$0x80] =	vst v0  }
0x19: {  	[tilespmem:s20+$0x90] =	vst v0  }
.Ltmp0:
0x1a: {  	[tilespmem:s20+$0xA0] =	vst v0;
	(pc) =	sbr.rel @p0 .LBB2_2-.Ltmp0, $4  }
0x1b: {  	[tilespmem:s20+$0xB0] =	vst v0  }
0x1c: {  	[tilespmem:s20+$0xC0] =	vst v0  }
0x1d: {  	[tilespmem:s20+$0xD0] =	vst v0  }
0x1e: {  	[tilespmem:s20+$0xE0] =	vst v0;
	s20 =	sshra.s32 s21, $0x2;
	s21 =	sadd.s32 $0x200, s21  }
0x1f: {  	[tilespmem:s20+$0xF0] =	vst v0  }
0x20: {  	[tilespmem:s20+$0x80] =	vst v0  }
0x21: {  	[tilespmem:s20+$0x90] =	vst v0  }
0x22: {  	[tilespmem:s20+$0xA0] =	vst v0  }
0x23: {  	[tilespmem:s20+$0xB0] =	vst v0  }
0x24: {  	[tilespmem:s20+$0xC0] =	vst v0  }
0x25: {  	[tilespmem:s20+$0xD0] =	vst v0  }
0x26: {  	[tilespmem:s20+$0xE0] =	vst v0  }
0x27: {  	[spmem:s4] =	stream.linear.scatter [tilespmem:s18], [sflag:$0x1], $0x4000, $0x38;
	[tilespmem:$0x17C80] =	vst v63  }
0x28: {  	_ =	swait.ge [sflag:s19], $0x4000  }
0x29: {  	[sflag:s19] =	ssyncset.done $0x0  }
0x2a: {  	[sflag:s19] =	ssyncadd.s32 $0xFFFFC000  }
0x2b: {  	[spmem:s5] =	stream.linear.scatter [tilespmem:s18], [sflag:$0x1], $0x4000, $0x38;
	[tilespmem:$0x17C80] =	vst v63  }
0x2c: {  	_ =	swait.ge [sflag:s19], $0x4000  }
0x2d: {  	[sflag:s19] =	ssyncset.done $0x0  }
0x2e: {  	[sflag:s19] =	ssyncadd.s32 $0xFFFFC000  }
0x2f: {  	[spmem:s6] =	stream.linear.scatter [tilespmem:s18], [sflag:$0x1], $0x4000, $0x38;
	[tilespmem:$0x17C80] =	vst v63  }
0x30: {  	_ =	swait.ge [sflag:s19], $0x4000  }
0x31: {  	[sflag:s19] =	ssyncset.done $0x0  }
0x32: {  	[sflag:s19] =	ssyncadd.s32 $0xFFFFC000  }
0x33: {  	[spmem:s7] =	stream.linear.scatter [tilespmem:s18], [sflag:$0x1], $0x4000, $0x38;
	[tilespmem:$0x17C80] =	vst v63  }
0x34: {  	_ =	swait.ge [sflag:s19], $0x4000  }
0x35: {  	[sflag:s19] =	ssyncset.done $0x0  }
0x36: {  	[sflag:s19] =	ssyncadd.s32 $0xFFFFC000  }
0x37: {  	[spmem:s8] =	stream.linear.scatter [tilespmem:s18], [sflag:$0x1], $0x3C00, $0x38;
	[tilespmem:$0x17C80] =	vst v63  }
0x38: {  	_ =	swait.ge [sflag:s19], $0x3C00  }
0x39: {  	s30 =	sadd.s32 $0x0, s9;
	[sflag:s19] =	ssyncset.done $0x0  }
0x3a: {  	p0 =	sgt.u32 s30, $0x4E1;
	[sflag:s19] =	ssyncadd.s32 $0xFFFFC400  }
0x3b: {  	s20 =	simm.s32 @!p0 $0x0;
	s22 =	simm.s32 @!p0 $0x2;
	[bflag:$0x0] =	sbarrier.arrive $0xFFFF  }
0x3c: {  	[tilespmem:s20], [sflag:$0x2] =	stream.linear.gather @!p0 [hbm4b:s16+s20], $0x80, $0x38;
	[tilespmem:$0x17C80] =	vst v63  }
0x3d: {  	_ =	swait.ge @!p0 [sflag:s22], $0x80  }
0x3e: {  	[sflag:s22] =	ssyncset.done @!p0 $0x0;
	p0 =	por p0, p0  }
0x3f: {  	[sflag:s22] =	ssyncadd.s32 @!p0 $0xFFFFFF80;
	s24 =	simm.s32 @!p0 $0x80  }
0x40: {  	[tilespmem:s24], [sflag:$0x2] =	stream.linear.gather @!p0 [hbm4b:s17+s20], $0x4000, $0x38;
	[tilespmem:$0x17C80] =	vst v63  }
0x41: {  	_ =	swait.ge @!p0 [sflag:s22], $0x4000  }
0x42: {  	[sflag:s22] =	ssyncset.done @!p0 $0x0  }
0x43: {  	s31 =	sadd.s32 $0x1, s9;
	s23 =	simm.s32 @!p0 $0x1;
	[sflag:s22] =	ssyncadd.s32 @!p0 $0xFFFFC000  }
0x44: {  	[spmem:s2] =	stream.indirect.scatter.add.f32 @!p0 [tilespmem:s24], [sflag:$0x1], $0x80, s20, s24, $0xb8;
	[tilespmem:$0x17C80] =	vst v63  }
0x45: {  	s21 =	simm.s32 $0x2;
	p1 =	sgt.u32 s31, $0x4E1;
	_ =	swait.ge @!p0 [sflag:s23], $0x4000  }
0x46: {  	s22 =	sadd.s32 $0x10, s16;
	s20 =	sadd.s32 $0x800, s17;
	[sflag:s23] =	ssyncset.done @!p0 $0x0  }
.LBB2_4:
0x47: {  	s24 =	simm.s32 @!p1 $0x0;
	s25 =	simm.s32 @!p1 $0x2;
	[sflag:s23] =	ssyncadd.s32 @!p0 $0xFFFFC000  }
0x48: {  	[tilespmem:s24], [sflag:$0x2] =	stream.linear.gather @!p1 [hbm4b:s22+s24], $0x80, $0x38;
	[tilespmem:$0x17C80] =	vst v63  }
0x49: {  	s26 =	smov.u32 s21;
	s21 =	sadd.s32 $0x1, s21;
	_ =	swait.ge @!p1 [sflag:s25], $0x80  }
0x4a: {  	p0 =	por p1, p1;
	p2 =	sne.s32 s21, $0x4F;
	[sflag:s25] =	ssyncset.done @!p1 $0x0  }
0x4b: {  	s28 =	simm.s32 @!p0 $0x80;
	[sflag:s25] =	ssyncadd.s32 @!p0 $0xFFFFFF80  }
0x4c: {  	[tilespmem:s28], [sflag:$0x2] =	stream.linear.gather @!p0 [hbm4b:s20+s24], $0x4000, $0x38;
	[tilespmem:$0x17C80] =	vst v63  }
0x4d: {  	_ =	swait.ge @!p0 [sflag:s25], $0x4000  }
.Ltmp1:
0x4e: {  	[sflag:s25] =	ssyncset.done @!p0 $0x0;
	(pc) =	sbr.rel @p2 .LBB2_4-.Ltmp1, $4  }
0x4f: {  	s23 =	simm.s32 @!p0 $0x1;
	[sflag:s25] =	ssyncadd.s32 @!p0 $0xFFFFC000  }
0x50: {  	[spmem:s2] =	stream.indirect.scatter.add.f32 @!p0 [tilespmem:s28], [sflag:$0x1], $0x80, s24, s28, $0xb8;
	[tilespmem:$0x17C80] =	vst v63  }
0x51: {  	s20 =	sadd.s32 $0x800, s20;
	s24 =	sadd.s32 s26, s9;
	_ =	swait.ge @!p0 [sflag:s23], $0x4000  }
0x52: {  	s22 =	sadd.s32 $0x10, s22;
	p1 =	sgt.u32 s24, $0x4E1;
	[sflag:s23] =	ssyncset.done @!p0 $0x0  }
0x53: {  	s21 =	simm.s32 @!p1 $0x0;
	s24 =	simm.s32 @!p1 $0x2;
	[sflag:s23] =	ssyncadd.s32 @!p0 $0xFFFFC000  }
0x54: {  	[tilespmem:s21], [sflag:$0x2] =	stream.linear.gather @!p1 [hbm4b:s22+s21], $0x80, $0x38;
	[tilespmem:$0x17C80] =	vst v63  }
0x55: {  	_ =	swait.ge @!p1 [sflag:s24], $0x80  }
0x56: {  	p0 =	por p1, p1;
	[sflag:s24] =	ssyncset.done @!p1 $0x0  }
0x57: {  	s22 =	simm.s32 @!p0 $0x80;
	[sflag:s24] =	ssyncadd.s32 @!p0 $0xFFFFFF80  }
0x58: {  	[tilespmem:s22], [sflag:$0x2] =	stream.linear.gather @!p0 [hbm4b:s20+s21], $0x4000, $0x38;
	[tilespmem:$0x17C80] =	vst v63  }
0x59: {  	_ =	swait.ge @!p0 [sflag:s24], $0x4000  }
0x5a: {  	[sflag:s24] =	ssyncset.done @!p0 $0x0  }
0x5b: {  	s20 =	simm.s32 @!p0 $0x1;
	[sflag:s24] =	ssyncadd.s32 @!p0 $0xFFFFC000  }
0x5c: {  	[spmem:s2] =	stream.indirect.scatter.add.f32 @!p0 [tilespmem:s22], [sflag:$0x1], $0x80, s21, s22, $0xb8;
	[tilespmem:$0x17C80] =	vst v63  }
0x5d: {  	_ =	swait.ge @!p0 [sflag:s20], $0x4000  }
0x5e: {  	[sflag:s20] =	ssyncset.done @!p0 $0x0  }
0x5f: {  	s25 =	sshll.u32 s0, $0x6;
	[sflag:s20] =	ssyncadd.s32 @!p0 $0xFFFFC000  }
0x60: {  	s26 =	sshrl.u32 s4, $0x3;
	s20 =	sor.u32 $0x1C01, s25;
	[bflag:$0x0] =	sbarrier.arrive $0xFFFF  }
0x61: {  	[hbm:s10], [sflag:s20] =	dma.local [spmem:s26], $0x800  }
0x62: {  	_ =	swait.ge [sflag:s19], $0x800  }
0x63: {  	[sflag:s19] =	ssyncset.done $0x0  }
0x64: {  	s28 =	sshrl.u32 s5, $0x3;
	[sflag:s19] =	ssyncadd.s32 $0xFFFFF800  }
0x65: {  	[hbm:s11], [sflag:s20] =	dma.local [spmem:s28], $0x800  }
0x66: {  	_ =	swait.ge [sflag:s19], $0x800  }
0x67: {  	[sflag:s19] =	ssyncset.done $0x0  }
0x68: {  	s29 =	sshrl.u32 s6, $0x3;
	[sflag:s19] =	ssyncadd.s32 $0xFFFFF800  }
0x69: {  	[hbm:s12], [sflag:s20] =	dma.local [spmem:s29], $0x800  }
0x6a: {  	_ =	swait.ge [sflag:s19], $0x800  }
0x6b: {  	[sflag:s19] =	ssyncset.done $0x0  }
0x6c: {  	s30 =	sshrl.u32 s7, $0x3;
	[sflag:s19] =	ssyncadd.s32 $0xFFFFF800  }
0x6d: {  	[hbm:s13], [sflag:s20] =	dma.local [spmem:s30], $0x800  }
0x6e: {  	s3 =	sadd.s32 $0x1, s3;
	_ =	swait.ge [sflag:s19], $0x800  }
0x6f: {  	p0 =	sne.s32 s3, s15;
	[sflag:s19] =	ssyncset.done $0x0  }
.Ltmp2:
0x70: {  	s31 =	sshrl.u32 s8, $0x3;
	[sflag:s19] =	ssyncadd.s32 $0xFFFFF800;
	(pc) =	sbr.rel @p0 .LBB2_1-.Ltmp2, $4  }
0x71: {  	[hbm:s14], [sflag:s20] =	dma.local [spmem:s31], $0x780  }
0x72: {  	_ =	swait.ge [sflag:s19], $0x780  }
0x73: {  	[sflag:s19] =	ssyncset.done $0x0  }
0x74: {  	[sflag:s19] =	ssyncadd.s32 $0xFFFFF880  }
0x75: {  	_ =	sfence.sel $0x180000  }
0x76: {  	[bflag:$0x0] =	sbarrier.arrive $0xFFFF  }
0x77: {  	p0 =	sne.s32 s0, $0x0;
	_ =	strace $0x9000004D  }
0x78: {  	s0 =	sadd.s32 @!p0 $0x100000, s1;
	[bflag:$0x2] =	sbarrier.arrive $0xFFFF  }
0x79: {  	[sflag:s0] =	ssyncadd.tile.s32 @!p0 $0x1;
	_ =	shalt  }
.Lfunc_end2:
_tile_overlayer_lowered:
.L_overlay_start_2:
0x7a: {  	(tag) =	ssettag $0x2  }
0x7b: {  	s0 =	rddreg [dreg:$0x0];
	s2 =	stileid.u32  }
0x7c: {  	s1 =	rddreg [dreg:$0x1];
	p0 =	sne.s32 s2, $0x0  }
0x7d: {  	s3 =	rddreg [dreg:$0x2];
	[bflag:$0x3] =	sbarrier.arrive $0xFFFF;
	s2 =	simm.s32 @!p0 $0x1C01  }
0x7e: {  	[timem:s3], [sflag:s2] =	dma.local @!p0 [hbm:s0], s1  }
0x7f: {  	s0 =	simm.s32 @!p0 $0x1  }
0x80: {  	_ =	swait.ge @!p0 [sflag:s0], s1  }
0x81: {  	s1 =	ssub.s32 @!p0 $0x0, s1;
	[sflag:s0] =	ssyncset.done @!p0 $0x0  }
0x82: {  	[sflag:s0] =	ssyncadd.s32 @!p0 s1  }
0x83: {  	[bflag:$0x3] =	sbarrier.arrive $0xFFFF  }
0x84: {  	_ =	shalt  }

// kernel: kernel.9.cloned.1.call-start
scs
__scs_entry_jumppad:
0x0: {  	(pc) =	sbr.rel $0x88, $3  }
0x1: {  	(tag) =	ssettag $0x0;
	lr =	simm.s32 $0x1  }
0x2: {  	[smem:$0x3F8B] =	sst lr;
	_ =	strace $0xD0000000  }
0x3: {  	_ = 	snop  }
0x4: {  	_ = 	snop  }
0x5: {  	_ = 	snop  }
0x6: {  	_ = 	snop  }
0x7: {  	_ = 	snop  }
__scs_overlays_trampoline_lowered:
0x8: {  	[smem:$0x3F9A] =	sst s0  }
0x9: {  	[smem:$0x3F9B] =	sst s1  }
0xa: {  	[smem:$0x3F9C] =	sst s2  }
0xb: {  	[smem:$0x3F9D] =	sst s3  }
0xc: {  	[smem:$0x3F9E] =	sst s4  }
0xd: {  	[smem:$0x3F9F] =	sst s5  }
0xe: {  	[smem:$0x3FA0] =	sst s6  }
0xf: {  	[smem:$0x3FA1] =	sst s7  }
0x10: {  	[smem:$0x3FA2] =	sst s8  }
0x11: {  	[smem:$0x3FA3] =	sst s9;
	s0 =	simm.s32 @!p0 $0x0  }
0x12: {  	s1 =	sld [smem:$0x3F89];
	s0 =	simm.s32 @p0 $0x1  }
0x13: {  	[smem:$0x3FA4] =	sst s0;
	s0 =	simm.s32 @!p1 $0x0  }
0x14: {  	s2 =	sld [smem:$0x3F88];
	s0 =	simm.s32 @p1 $0x1  }
0x15: {  	[smem:$0x3FA5] =	sst s0;
	s0 =	simm.s32 @!p2 $0x0  }
0x16: {  	s3 =	sld [smem:$0x3FDB];
	s0 =	simm.s32 @p2 $0x1  }
0x17: {  	s4 =	simm.s32 $0x1BF5;
	[smem:$0x3FA7] =	sst s0  }
0x18: {  	s0 =	sld [smem:$0x3F8A];
	_ =	swait.ge [sflag:s4], $0x0  }
0x19: {  	s7 =	sld [smem:$0x3F8B]  }
0x1a: {  	s8 =	sadd.s32 $0xFFFFE003, lr  }
0x1b: {  	s9 =	sadd.s32 $0xFFFFFEF7, lr;
	s5 =	simm.s32 $0xFFFFFFFF;
	p2 =	slt.u32 s8, $0xFFFFF086  }
0x1c: {  	p1 =	slt.u32 s9, $0xF7A;
	s5 =	simm.s32 @!p2 $0x0  }
0x1d: {  	s5 =	simm.s32 @p1 $0x1;
	p0 =	seq.s32 s7, s2  }
0x1e: {  	s7 =	smul.u32 @!p0 $0xF7A, s2;
	p2 =	seq.s32 @!p0 s5, $0x0  }
0x1f: {  	s9 =	smul.u32 $0xF7A, s1;
	s8 =	simm.s32 @!p0 $0x1BF5;
	p2 =	por !p2, p0  }
0x20: {  	[sflag:s8] =	ssyncset.s32 @!p0 $0xFFFFF086;
	s6 =	sadd.s32 @!p0 s3, s7;
	s7 =	simm.s32 @!p0 $0x108  }
0x21: {  	s3 =	sadd.s32 s3, s9;
	s6 =	sadd.s32 @!p0 $0x88, s6;
	s7 =	simm.s32 @p2 $0x1082  }
0x22: {  	[simem:s7], [sflag:s8] =	dma.local @!p0 [hbm:s6], $0xF7A  }
0x23: {  	s9 =	sor.u32 $0xD0000000, s2;
	s6 =	simm.s32 $0x108;
	_ =	swait.ge @!p0 [sflag:s8], $0x0  }
0x24: {  	s3 =	sadd.s32 $0x88, s3;
	s6 =	simm.s32 @!p1 $0x1082;
	[sflag:s4] =	ssyncset.s32 $0xFFFFF086  }
0x25: {  	[simem:s6], [sflag:s4] =	dma.local [hbm:s3], $0xF7A  }
0x26: {  	[smem:$0x3F8B] =	sst s1;
	(tag) =	ssettag s2;
	_ =	strace s9  }
0x27: {  	s1 =	sld [smem:$0x3F9B]  }
0x28: {  	s2 =	sld [smem:$0x3F9C]  }
0x29: {  	s4 =	sld [smem:$0x3F9E]  }
0x2a: {  	p0 =	seq.s32 s5, $0x0;
	s5 =	sld [smem:$0x3F9F]  }
0x2b: {  	s6 =	sld [smem:$0x3FA0]  }
0x2c: {  	s7 =	sld [smem:$0x3FA1]  }
0x2d: {  	s3 =	simm.s32 $0x108;
	s8 =	sld [smem:$0x3FA2]  }
0x2e: {  	s3 =	simm.s32 @!p0 $0x1082;
	s9 =	sld [smem:$0x3FA3]  }
0x2f: {  	lr =	sadd.s32 s0, s3;
	s0 =	sld [smem:$0x3F9A]  }
0x30: {  	s3 =	sld [smem:$0x3F9D]  }
0x31: {  	[smem:$0x3FA6] =	sst s10  }
0x32: {  	s10 =	sld [smem:$0x3FA4];
	_ =	sdelay $0x3  }
0x33: {  	p0 =	seq.s32 s10, $0x1;
	s10 =	sld [smem:$0x3FA6];
	_ =	sdelay $0x3  }
0x34: {  	[smem:$0x3FA6] =	sst s10  }
0x35: {  	s10 =	sld [smem:$0x3FA5];
	_ =	sdelay $0x3  }
0x36: {  	p1 =	seq.s32 s10, $0x1;
	s10 =	sld [smem:$0x3FA6];
	_ =	sdelay $0x3  }
0x37: {  	[smem:$0x3FA6] =	sst s10  }
0x38: {  	s10 =	sld [smem:$0x3FA7]  }
0x39: {  	_ = 	snop;
	(pc) =	sbr.ind lr, $3  }
0x3a: {  	_ = 	snop  }
0x3b: {  	_ = 	snop  }
0x3c: {  	p2 =	seq.s32 s10, $0x1;
	s10 =	sld [smem:$0x3FA6]  }
0x3d: {  	_ =	shalt  }
0x3e: {  	_ =	shalt  }
0x3f: {  	_ =	shalt  }
0x40: {  	_ =	shalt  }
0x41: {  	_ =	shalt  }
0x42: {  	_ =	shalt  }
0x43: {  	_ =	shalt  }
0x44: {  	_ =	shalt  }
0x45: {  	_ =	shalt  }
0x46: {  	_ =	shalt  }
0x47: {  	_ =	shalt  }
0x48: {  	_ =	shalt  }
0x49: {  	_ =	shalt  }
0x4a: {  	_ =	shalt  }
0x4b: {  	_ =	shalt  }
0x4c: {  	_ =	shalt  }
0x4d: {  	_ =	shalt  }
0x4e: {  	_ =	shalt  }
0x4f: {  	_ =	shalt  }
0x50: {  	_ =	shalt  }
0x51: {  	_ =	shalt  }
0x52: {  	_ =	shalt  }
0x53: {  	_ =	shalt  }
0x54: {  	_ =	shalt  }
0x55: {  	_ =	shalt  }
0x56: {  	_ =	shalt  }
0x57: {  	_ =	shalt  }
0x58: {  	_ =	shalt  }
0x59: {  	_ =	shalt  }
0x5a: {  	_ =	shalt  }
0x5b: {  	_ =	shalt  }
0x5c: {  	_ =	shalt  }
0x5d: {  	_ =	shalt  }
0x5e: {  	_ =	shalt  }
0x5f: {  	_ =	shalt  }
0x60: {  	_ =	shalt  }
0x61: {  	_ =	shalt  }
0x62: {  	_ =	shalt  }
0x63: {  	_ =	shalt  }
0x64: {  	_ =	shalt  }
0x65: {  	_ =	shalt  }
0x66: {  	_ =	shalt  }
0x67: {  	_ =	shalt  }
0x68: {  	_ =	shalt  }
0x69: {  	_ =	shalt  }
0x6a: {  	_ =	shalt  }
0x6b: {  	_ =	shalt  }
0x6c: {  	_ =	shalt  }
0x6d: {  	_ =	shalt  }
0x6e: {  	_ =	shalt  }
0x6f: {  	_ =	shalt  }
0x70: {  	_ =	shalt  }
0x71: {  	_ =	shalt  }
0x72: {  	_ =	shalt  }
0x73: {  	_ =	shalt  }
0x74: {  	_ =	shalt  }
0x75: {  	_ =	shalt  }
0x76: {  	_ =	shalt  }
0x77: {  	_ =	shalt  }
0x78: {  	_ =	shalt  }
0x79: {  	_ =	shalt  }
0x7a: {  	_ =	shalt  }
0x7b: {  	_ =	shalt  }
0x7c: {  	_ =	shalt  }
0x7d: {  	_ =	shalt  }
0x7e: {  	_ =	shalt  }
0x7f: {  	_ =	shalt  }
0x80: {  	_ =	shalt  }
0x81: {  	_ =	shalt  }
0x82: {  	_ =	shalt  }
0x83: {  	_ =	shalt  }
0x84: {  	_ =	shalt  }
0x85: {  	_ =	shalt  }
0x86: {  	_ =	shalt  }
0x87: {  	_ =	shalt  }
.Lfunc_end0:
.L_simem_size_0:
called_computation_lowered:
.L_overlay_start_0:
0x88: {  	s2 =	sld [smem:$0x3FD9]  }
0x89: {  	s3 =	sld [smem:$0x3FFE];
	_ =	sdelay $0x1  }
0x8a: {  	s1 =	srdreg.scid  }
0x8b: {  	s0 =	sand.u32 $0x1, s1  }
0x8c: {  	s15 =	sshll.u32 s0, $0xA;
	s2 =	sadd.s32 s3, s2  }
0x8d: {  	s2 =	sadd.s32 s2, s15  }
0x8e: {  	[smem:$0x3FB2] =	sst s2  }
0x8f: {  	_ = 	snop  }
0x90: {  	s2 =	sld [smem:$0x3FD0];
	_ =	sdelay $0x2  }
0x91: {  	s4 =	simm.s32 $0xB;
	s16 =	simm.s32 $0x10  }
0x92: {  	[smem:s16], [sflag:s4] =	dma.local [hbm:s2], $0x1  }
0x93: {  	_ =	swait.eq [sflag:s4], $0x1  }
0x94: {  	[sflag:s4] =	ssyncset.done $0x0  }
0x95: {  	s17 =	sld [smem:$0x10];
	[sflag:s4] =	ssyncadd.s32 $0xFFFFFFFF  }
0x96: {  	s18 =	sld [smem:$0x11];
	(tm) =	ssettm $0x1  }
0x97: {  	s19 =	sld [smem:$0x3FFB];
	_ =	sdelay $0x3  }
0x98: {  	_ =	strace s19  }
0x99: {  	s2 =	sld [smem:$0x3FFC];
	_ =	sdelay $0x3  }
0x9a: {  	_ =	strace s2  }
0x9b: {  	s2 =	sld [smem:$0x3FFD];
	_ =	sdelay $0x3  }
0x9c: {  	_ =	strace s2  }
0x9d: {  	_ =	strace $0x8FFFFFFF  }
0x9e: {  	s20 =	sld [smem:$0x3FDB];
	_ =	sdelay $0x1  }
0x9f: {  	s5 =	simm.s32 $_scs_section_size  }
0xa0: {  	s6 =	simm.s32 $_size__tile_overlayer_lowered;
	s7 =	simm.s32 $_tile_overlayer_lowered  }
0xa1: {  	s8 =	simm.s32 $0x1BFF;
	s21 =	sshll.u32 s7, $0x1;
	s5 =	sadd.s32 s5, s20  }
0xa2: {  	s22 =	simm.s32 $0x0;
	s6 =	sshll.u32 s6, $0x1;
	s7 =	sadd.s32 s21, s5  }
0xa3: {  	[timem:s22], [sflag:s8] =	dma.local [hbm:s7], s6  }
0xa4: {  	_ =	swait.ge [sflag:s8], s6  }
0xa5: {  	s6 =	ssub.s32 $0x0, s6;
	[sflag:s8] =	ssyncset.done $0x0  }
0xa6: {  	[sflag:s8] =	ssyncadd.s32 s6;
	_ =	sdelay $0x1  }
0xa7: {  	s23 =	simm.s32 $0x1B8B  }
0xa8: {  	_ =	swait.ge [sflag:s23], $0x1  }
0xa9: {  	[sflag:s23] =	ssyncset.done $0x0  }
0xaa: {  	[sflag:s23] =	ssyncadd.s32 $0xFFFFFFFF  }
0xab: {  	s6 =	sld [smem:$0x0]  }
0xac: {  	s7 =	sand.u32 $0xFFFFFFFE, s1  }
0xad: {  	p0 =	sne.s32 s1, s7  }
0xae: {  	s7 =	sshll.u32 @p0 s7, $0xE  }
0xaf: {  	s7 =	sadd.s32 @p0 $0x11B8D, s7;
	s8 =	sshll.u32 @p0 s6, $0x11  }
0xb0: {  	s7 =	sor.u32 @p0 s8, s7  }
0xb1: {  	[sflag:s7] =	ssyncadd.remote.s32 @p0 $0x1;
	_ =	sdelay $0x1  }
0xb2: {  	s7 =	simm.s32 @p0 $0x1B8D  }
0xb3: {  	_ =	swait.eq @p0 [sflag:s7], $0x1  }
0xb4: {  	[sflag:s7] =	ssyncadd.s32 @p0 $0xFFFFFFFF  }
0xb5: {  	s8 =	sshll.u32 @!p0 s1, $0xE  }
0xb6: {  	s8 =	sor.u32 @!p0 $0x4000, s8;
	s7 =	simm.s32 @!p0 $0x1B8D  }
0xb7: {  	s6 =	sshll.u32 @!p0 s6, $0x11;
	s8 =	sadd.s32 @!p0 $0x11B8D, s8;
	_ =	swait.eq @!p0 [sflag:s7], $0x1  }
0xb8: {  	s6 =	sor.u32 @!p0 s6, s8;
	[sflag:s7] =	ssyncadd.s32 @!p0 $0xFFFFFFFF  }
0xb9: {  	s25 =	simm.s32 $0x1B8E;
	s24 =	sld [smem:$0x3FFE];
	[sflag:s6] =	ssyncadd.remote.s32 @!p0 $0x1  }
0xba: {  	s26 =	simm.s32 $execute0_lowered;
	[smem:$0x3FD2] =	sst s25  }
0xbb: {  	s7 =	sshll.u32 s26, $0x1;
	_ =	strace $0x80000049;
	[dreg:$0x1] =	wrdreg $0xFFFFFFFF  }
0xbc: {  	s28 =	simm.s32 $_size_execute0_lowered;
	s5 =	sadd.s32 s5, s7;
	[dreg:$0x0] =	wrdreg $0x0  }
0xbd: {  	s7 =	sshll.u32 s28, $0x1;
	[dreg:$0x2] =	wrdreg s5  }
0xbe: {  	[dreg:$0x3] =	wrdreg s7  }
0xbf: {  	[dreg:$0x4] =	wrdreg $0xC0  }
0xc0: {  	_ =	task [dreg:s22], $0x5FFFF  }
0xc1: {  	[dreg:$0x1] =	wrdreg $0xFFFFFFFF  }
0xc2: {  	[dreg:$0x0] =	wrdreg $0x60  }
0xc3: {  	[dreg:$0x2] =	wrdreg s17  }
0xc4: {  	[dreg:$0x3] =	wrdreg s18  }
0xc5: {  	[dreg:$0x4] =	wrdreg s24  }
0xc6: {  	[dreg:$0x5] =	wrdreg $0x9  }
0xc7: {  	_ =	task.clear_ibuf [dreg:s22], $0x6FFFF;
	_ =	strace $0x90000049  }
0xc8: {  	s29 =	simm.s32 $0x9;
	_ =	strace $0x8000004B  }
0xc9: {  	_ =	swait.ge [sflag:s29], $0x1  }
0xca: {  	[sflag:s29] =	ssyncadd.s32 $0xFFFFFFFF  }
0xcb: {  	_ =	strace $0x9000004B  }
0xcc: {  	_ =	sfence  }
0xcd: {  	s30 =	sld [smem:$0x0];
	_ =	sdelay $0x2  }
0xce: {  	s31 =	sshll.u32 s1, $0xD;
	s1 =	sshrl.u32 s1, $0x2  }
0xcf: {  	s4 =	sand.u32 $0x4000, s31;
	s1 =	sadd.s32 s1, s30  }
0xd0: {  	s0 =	sor.u32 s4, s0;
	s1 =	sshll.u32 s1, $0x11  }
0xd1: {  	s0 =	sor.u32 s1, s0  }
0xd2: {  	s0 =	sadd.s32 $0x8F2B, s0  }
0xd3: {  	[sflag:s0] =	ssyncadd.remote.s32 $0x1  }
0xd4: {  	_ =	sfence.sel $0xFFFF  }
0xd5: {  	[dreg:$0x0] =	wrdreg $0xFFFFFFFF;
	(pc) =	sbr.abs _section_cstart, $3  }
0xd6: {  	[dreg:$0x1] =	wrdreg $0xFFFFFFFF  }
0xd7: {  	_ =	task.clear_ibuf [dreg:s22], $0x2FFFF;
	_ =	strace $0x9FFFFFFF  }
0xd8: {  	(tm) =	ssettm $0x7FFFFFFF  }
0xd9: {  	_ =	shalt  }
tec
execute0_lowered:
.L_overlay_start_1:
0x0: {  	(tag) =	ssettag $0x1  }
0x1: {  	s1 =	rddreg [dreg:$0x0]  }
0x2: {  	s2 =	rddreg [dreg:$0x1]  }
0x3: {  	s6 =	rddreg [dreg:$0x2];
	s4 =	simm.s32 $0x0;
	s0 =	stileid.u32  }
0x4: {  	s8 =	srdreg.scid;
	s14 =	simm.s32 $0x3;
	s15 =	simm.s32 $0x80  }
0x5: {  	s16 =	simm.s32 $0x200;
	s17 =	simm.s32 $0x4200;
	s18 =	simm.s32 $0x8200  }
0x6: {  	s19 =	simm.s32 $0x100;
	s20 =	simm.s32 $0x180;
	s21 =	simm.s32 $0xC200  }
0x7: {  	s22 =	simm.s32 $0x10200;
	s23 =	simm.s32 $0x14200;
	s24 =	simm.s32 $0x1  }
0x8: {  	s25 =	simm.s32 $0x2;
	[smem:$0x7FF] =	sst s4;
	s7 =	smul.u32 $0x500, s0  }
0x9: {  	s5 =	sadd.s32 $0x18800, s6;
	s9 =	smul.u32 $0x28000, s0;
	s11 =	sand.u32 $0x1, s8  }
0xa: {  	s26 =	sshll.u32 s0, $0x1;
	_ =	strace $0x8000004A;
	s8 =	smul.u32 $0x14000, s11  }
0xb: {  	s10 =	ssub.s32 $0x2, s11;
	s28 =	sor.u32 s11, s26;
	s11 =	smul.u32 $0x280, s11  }
.Ltmp0:
0xc: {  	s26 =	simm.s32 $0x0;
	s9 =	sadd.s32 s9, s6;
	(pc) =	sbr.rel .LBB2_1-.Ltmp0, $4  }
0xd: {  	s29 =	sshrl.u32 s10, $0x1;
	s30 =	smul.u32 $0x28, s28;
	s12 =	sadd.s32 s8, s9  }
0xe: {  	s13 =	sadd.s32 s7, s6;
	s31 =	ssub.s32 s10, s29;
	s7 =	sadd.s32 $0xC7EA00, s12  }
0xf: {  	[dreg:$0x4] =	wrdreg s30;
	s8 =	sadd.s32 $0xA0DA00, s12;
	s10 =	sadd.s32 $0x79CA00, s12  }
0x10: {  	s9 =	smax.u32 s31, $0x1;
	s12 =	sadd.s32 $0x797A00, s13;
	s13 =	sadd.s32 $0x792A00, s13  }
.LBB2_5:
0x11: {  	s26 =	sadd.s32 $0x1, s26  }
0x12: {  	p0 =	sne.s32 s26, s9  }
.Ltmp1:
0x13: {  	_ = 	snop;
	(pc) =	sbr.rel @!p0 .LBB2_6-.Ltmp1, $1  }
0x14: {  	_ =	sdelay $0x3  }
.LBB2_1:
.Ltmp2:
0x15: {  	(pc) =	sbr.rel .LBB2_2-.Ltmp2, $3  }
0x16: {  	_ =	sdelay $0x1  }
0x17: {  	s28 =	rddreg [dreg:$0x4]  }
0x18: {  	s29 =	smov.u32 s13;
	s30 =	smov.u32 s12;
	s31 =	simm.s32 $0x0  }
.LBB2_4:
0x19: {  	s31 =	sadd.s32 $0x1000, s31  }
0x1a: {  	p0 =	sne.s32 s31, $0x14000  }
.Ltmp3:
0x1b: {  	_ = 	snop;
	(pc) =	sbr.rel @!p0 .LBB2_5-.Ltmp3, $2  }
0x1c: {  	_ =	sdelay $0x2  }
0x1d: {  	s30 =	sadd.s32 $0x20, s30;
	s29 =	sadd.s32 $0x20, s29;
	s28 =	sadd.s32 $0x2, s28  }
.LBB2_2:
0x1e: {  	p0 =	sgt.u32 s28, $0x4E1  }
.Ltmp4:
0x1f: {  	_ = 	snop;
	(pc) =	sbr.rel @p0 .LBB2_4-.Ltmp4, $1  }
0x20: {  	_ =	sdelay $0x3  }
0x21: {  	s0 =	sadd.s32 s29, s11  }
0x22: {  	[tilespmem:s4], [sflag:$0x3] =	stream.linear.gather [hbm4b:s0+s4], $0x80, $0x38;
	[tilespmem:$0x18200] =	vst v63  }
0x23: {  	_ =	swait.ge [sflag:s14], $0x80  }
0x24: {  	[sflag:s14] =	ssyncset.done $0x0  }
0x25: {  	s3 =	sadd.s32 s30, s11;
	[sflag:s14] =	ssyncadd.s32 $0xFFFFFF80  }
0x26: {  	[tilespmem:s15], [sflag:$0x3] =	stream.linear.gather [hbm4b:s3+s4], $0x80, $0x38;
	[tilespmem:$0x18200] =	vst v63  }
0x27: {  	_ =	swait.ge [sflag:s14], $0x80  }
0x28: {  	[sflag:s14] =	ssyncset.done $0x0  }
0x29: {  	[sflag:s14] =	ssyncadd.s32 $0xFFFFFF80  }
0x2a: {  	[tilespmem:s16], [sflag:$0x1] =	stream.indirect.gather [hbm4b:s1+s15], $0x80, s4, s15, $0xb8;
	[tilespmem:$0x18200] =	vst v63  }
0x2b: {  	_ = 	snop  }
0x2c: {  	[tilespmem:s17], [sflag:$0x1] =	stream.indirect.gather [hbm4b:s2+s15], $0x80, s15, s15, $0xb8;
	[tilespmem:$0x18200] =	vst v63  }
0x2d: {  	_ = 	snop  }
0x2e: {  	[tilespmem:s18], [sflag:$0x1] =	stream.indirect.gather [hbm4b:s5+s15], $0x80, s15, s15, $0xb8;
	[tilespmem:$0x18200] =	vst v63  }
0x2f: {  	s0 =	sadd.s32 $0x10, s0  }
0x30: {  	[tilespmem:s19], [sflag:$0x3] =	stream.linear.gather [hbm4b:s0+s4], $0x80, $0x38;
	[tilespmem:$0x18200] =	vst v63  }
0x31: {  	_ =	swait.ge [sflag:s14], $0x80  }
0x32: {  	[sflag:s14] =	ssyncset.done $0x0  }
0x33: {  	s6 =	sadd.s32 $0x10, s3;
	[sflag:s14] =	ssyncadd.s32 $0xFFFFFF80  }
0x34: {  	[tilespmem:s20], [sflag:$0x3] =	stream.linear.gather [hbm4b:s6+s4], $0x80, $0x38;
	[tilespmem:$0x18200] =	vst v63  }
0x35: {  	_ =	swait.ge [sflag:s14], $0x80  }
0x36: {  	[sflag:s14] =	ssyncset.done $0x0  }
0x37: {  	[sflag:s14] =	ssyncadd.s32 $0xFFFFFF80  }
0x38: {  	[tilespmem:s21], [sflag:$0x1] =	stream.indirect.gather [hbm4b:s1+s15], $0x80, s19, s15, $0xb8;
	[tilespmem:$0x18200] =	vst v63  }
0x39: {  	_ = 	snop  }
0x3a: {  	[tilespmem:s22], [sflag:$0x1] =	stream.indirect.gather [hbm4b:s2+s15], $0x80, s20, s15, $0xb8;
	[tilespmem:$0x18200] =	vst v63  }
0x3b: {  	_ = 	snop  }
0x3c: {  	[tilespmem:s23], [sflag:$0x1] =	stream.indirect.gather [hbm4b:s5+s15], $0x80, s20, s15, $0xb8;
	[tilespmem:$0x18200] =	vst v63  }
0x3d: {  	_ =	swait.ge [sflag:s24], $0x4000  }
0x3e: {  	[sflag:s24] =	ssyncset.done $0x0  }
0x3f: {  	[sflag:s24] =	ssyncadd.s32 $0xFFFFC000  }
0x40: {  	_ =	swait.ge [sflag:s24], $0x4000  }
0x41: {  	[sflag:s24] =	ssyncset.done $0x0  }
0x42: {  	[sflag:s24] =	ssyncadd.s32 $0xFFFFC000  }
0x43: {  	_ =	swait.ge [sflag:s24], $0x4000  }
0x44: {  	[sflag:s24] =	ssyncset.done $0x0  }
0x45: {  	s0 =	sadd.s32 s31, s10;
	[sflag:s24] =	ssyncadd.s32 $0xFFFFC000  }
0x46: {  	[hbm4b:s0+s4] =	stream.linear.scatter [tilespmem:s16], [sflag:$0x2], $0x4000, $0x38;
	[tilespmem:$0x18200] =	vst v63  }
0x47: {  	s3 =	sadd.s32 s31, s8  }
0x48: {  	[hbm4b:s3+s4] =	stream.linear.scatter [tilespmem:s17], [sflag:$0x2], $0x4000, $0x38;
	[tilespmem:$0x18200] =	vst v63  }
0x49: {  	s6 =	sadd.s32 s31, s7  }
0x4a: {  	[hbm4b:s6+s4] =	stream.linear.scatter [tilespmem:s18], [sflag:$0x2], $0x4000, $0x38;
	[tilespmem:$0x18200] =	vst v63  }
0x4b: {  	_ =	swait.ge [sflag:s24], $0x4000  }
0x4c: {  	[sflag:s24] =	ssyncset.done $0x0  }
0x4d: {  	[sflag:s24] =	ssyncadd.s32 $0xFFFFC000  }
0x4e: {  	_ =	swait.ge [sflag:s24], $0x4000  }
0x4f: {  	[sflag:s24] =	ssyncset.done $0x0  }
0x50: {  	[sflag:s24] =	ssyncadd.s32 $0xFFFFC000  }
0x51: {  	_ =	swait.ge [sflag:s24], $0x4000  }
0x52: {  	[sflag:s24] =	ssyncset.done $0x0  }
0x53: {  	s0 =	sadd.s32 $0x800, s0;
	[sflag:s24] =	ssyncadd.s32 $0xFFFFC000  }
0x54: {  	[hbm4b:s0+s4] =	stream.linear.scatter [tilespmem:s21], [sflag:$0x2], $0x4000, $0x38;
	[tilespmem:$0x18200] =	vst v63  }
0x55: {  	s3 =	sadd.s32 $0x800, s3  }
0x56: {  	[hbm4b:s3+s4] =	stream.linear.scatter [tilespmem:s22], [sflag:$0x2], $0x4000, $0x38;
	[tilespmem:$0x18200] =	vst v63  }
0x57: {  	s6 =	sadd.s32 $0x800, s6  }
0x58: {  	[hbm4b:s6+s4] =	stream.linear.scatter [tilespmem:s23], [sflag:$0x2], $0x4000, $0x38;
	[tilespmem:$0x18200] =	vst v63  }
0x59: {  	_ =	swait.ge [sflag:s25], $0x4000  }
0x5a: {  	[sflag:s25] =	ssyncset.done $0x0  }
0x5b: {  	[sflag:s25] =	ssyncadd.s32 $0xFFFFC000  }
0x5c: {  	_ =	swait.ge [sflag:s25], $0x4000  }
0x5d: {  	[sflag:s25] =	ssyncset.done $0x0  }
0x5e: {  	[sflag:s25] =	ssyncadd.s32 $0xFFFFC000  }
0x5f: {  	_ =	swait.ge [sflag:s25], $0x4000  }
0x60: {  	[sflag:s25] =	ssyncset.done $0x0  }
0x61: {  	[sflag:s25] =	ssyncadd.s32 $0xFFFFC000  }
0x62: {  	_ =	swait.ge [sflag:s25], $0x4000  }
0x63: {  	[sflag:s25] =	ssyncset.done $0x0  }
0x64: {  	[sflag:s25] =	ssyncadd.s32 $0xFFFFC000  }
0x65: {  	_ =	swait.ge [sflag:s25], $0x4000  }
.Ltmp5:
0x66: {  	[sflag:s25] =	ssyncset.done $0x0;
	(pc) =	sbr.rel .LBB2_4-.Ltmp5, $4  }
0x67: {  	[sflag:s25] =	ssyncadd.s32 $0xFFFFC000  }
0x68: {  	_ =	swait.ge [sflag:s25], $0x4000  }
0x69: {  	[sflag:s25] =	ssyncset.done $0x0  }
0x6a: {  	[sflag:s25] =	ssyncadd.s32 $0xFFFFC000  }
.LBB2_6:
0x6b: {  	_ =	sfence.sel $0x180000  }
0x6c: {  	[bflag:$0x0] =	sbarrier.arrive $0xFFFF  }
0x6d: {  	_ =	strace $0x9000004A  }
0x6e: {  	s0 =	stileid.u32;
	[bflag:$0x2] =	sbarrier.arrive $0xFFFF  }
0x6f: {  	p0 =	sne.s32 s0, $0x0;
	s0 =	rddreg [dreg:$0x3]  }
0x70: {  	s0 =	sadd.s32 @!p0 $0x100000, s0  }
0x71: {  	[sflag:s0] =	ssyncadd.tile.s32 @!p0 $0x1;
	_ =	shalt  }
.Lfunc_end2:
_tile_overlayer_lowered:
.L_overlay_start_2:
0x72: {  	(tag) =	ssettag $0x2  }
0x73: {  	s0 =	rddreg [dreg:$0x0];
	s2 =	stileid.u32  }
0x74: {  	s1 =	rddreg [dreg:$0x1];
	p0 =	sne.s32 s2, $0x0  }
0x75: {  	s3 =	rddreg [dreg:$0x2];
	[bflag:$0x3] =	sbarrier.arrive $0xFFFF;
	s2 =	simm.s32 @!p0 $0x1C03  }
0x76: {  	[timem:s3], [sflag:s2] =	dma.local @!p0 [hbm:s0], s1  }
0x77: {  	s0 =	simm.s32 @!p0 $0x3  }
0x78: {  	_ =	swait.ge @!p0 [sflag:s0], s1  }
0x79: {  	s1 =	ssub.s32 @!p0 $0x0, s1;
	[sflag:s0] =	ssyncset.done @!p0 $0x0  }
0x7a: {  	[sflag:s0] =	ssyncadd.s32 @!p0 s1  }
0x7b: {  	[bflag:$0x3] =	sbarrier.arrive $0xFFFF  }
0x7c: {  	_ =	shalt  }

</sc_bundles>
